<compile_context>
chip_gen: v7x
topology: tpu7x:2x2x1
jax: 0.10.2.dev20260603
libtpu: 0.0.44.dev20260713+nightly
codegen_flags: <defaults>
</compile_context>

<pallas_src>
import functools

import jax
import jax.numpy as jnp
from jax import lax
from jax.experimental import pallas as pl
from jax.experimental.pallas import tpu as pltpu
from jax.experimental.pallas import tpu_sc as plsc

NUM_EXPERTS = 64
K = 8
NUM_SHARED = 2
K_SELECT = K - NUM_SHARED
END_IDX = NUM_EXPERTS - NUM_SHARED

BATCH = 32768
NC = 2
NS = 16
L = 16
NW = NC * NS
ROWS_PER_W = BATCH // NW
NSTREAM = 1
CHUNK_ROWS = 1024
CHUNKS = ROWS_PER_W // CHUNK_ROWS
GROUPS_PER_CHUNK = CHUNK_ROWS // L

_mesh = plsc.VectorSubcoreMesh(
    core_axis_name="c", subcore_axis_name="s", num_cores=NC, num_subcores=NS)


@functools.partial(
    pl.kernel,
    out_type=[
        jax.ShapeDtypeStruct((K, BATCH), jnp.int32),
        jax.ShapeDtypeStruct((K, BATCH), jnp.float32),
    ],
    mesh=_mesh,
    scratch_types=[
        pltpu.VMEM((NUM_EXPERTS, CHUNK_ROWS), jnp.float32),
        pltpu.VMEM((K, CHUNK_ROWS), jnp.int32),
        pltpu.VMEM((K, CHUNK_ROWS), jnp.float32),
    ],
    compiler_params=pltpu.CompilerParams(needs_layout_passes=False),
)
def _sc_topk(gates_t_hbm, idx_hbm, gate_hbm, buf, oidx, ogate):
    wid = lax.axis_index("s") * NC + lax.axis_index("c")
    row_base = wid * ROWS_PER_W

    lane = lax.iota(jnp.int32, L)
    min_key = jnp.full((L,), jnp.iinfo(jnp.int32).min, dtype=jnp.int32)
    i62 = jnp.full((L,), END_IDX, dtype=jnp.int32)
    i63 = jnp.full((L,), END_IDX + 1, dtype=jnp.int32)

    def group_body(ch, g, carry):
        cols = [(g * NSTREAM + u) * L for u in range(NSTREAM)]

        t = [[min_key] * K_SELECT for _ in range(NSTREAM)]
        for j in range(END_IDX):
            for u in range(NSTREAM):
                v = buf[j, pl.ds(cols[u], L)]
                b = plsc.bitcast(v, jnp.int32)
                m = b ^ (jnp.right_shift(b, 31) & jnp.int32(0x7FFFFFFF))
                key = (m & jnp.int32(~63)) | jnp.int32(63 - j)
                for lvl in range(K_SELECT):
                    hi = jnp.maximum(key, t[u][lvl])
                    if lvl < K_SELECT - 1:
                        key = jnp.minimum(key, t[u][lvl])
                    t[u][lvl] = hi

        for u in range(NSTREAM):
            colv = jnp.int32(cols[u]) + lane
            idxs = [jnp.int32(63) - (t[u][lvl] & jnp.int32(63))
                    for lvl in range(K_SELECT)]
            vals = [plsc.load_gather(buf, [idxs[lvl], colv])
                    for lvl in range(K_SELECT)]
            s62 = buf[END_IDX, pl.ds(cols[u], L)]
            s63 = buf[END_IDX + 1, pl.ds(cols[u], L)]

            vals = vals + [s62, s63]
            idxs = idxs + [i62, i63]

            mx = jnp.maximum(jnp.maximum(vals[0], s62), s63)
            es = [jnp.exp(x - mx) for x in vals]
            total = ((es[0] + es[1]) + (es[2] + es[3])) + (
                (es[4] + es[5]) + (es[6] + es[7]))
            r = 1.0 / total

            for k in range(K):
                oidx[k, pl.ds(cols[u], L)] = idxs[k]
                ogate[k, pl.ds(cols[u], L)] = es[k] * r
        return carry

    def chunk_body(ch, carry):
        crow = row_base + ch * CHUNK_ROWS
        pltpu.sync_copy(gates_t_hbm.at[:, pl.ds(crow, CHUNK_ROWS)], buf)
        lax.fori_loop(0, GROUPS_PER_CHUNK // NSTREAM,
                      functools.partial(group_body, ch), 0)
        pltpu.sync_copy(oidx, idx_hbm.at[:, pl.ds(crow, CHUNK_ROWS)])
        pltpu.sync_copy(ogate, gate_hbm.at[:, pl.ds(crow, CHUNK_ROWS)])
        return carry

    lax.fori_loop(0, CHUNKS, chunk_body, 0)


@jax.jit
def kernel(gates):
    batch = gates.shape[0]
    out_idx_t, out_gate_t = _sc_topk(gates.T)
    return out_idx_t.T, out_gate_t.T

# --- scband reference (transcript-rebuilt; emitter-appended) ---
"""Pipeline reference for scband-sparse-dispatcher-85401129713914 (READ-ONLY COPY).

The authoritative reference and input builder live on the scoring server;
editing this copy changes nothing except your own understanding.
"""

import jax, jax.numpy as jnp
import numpy as np

NUM_EXPERTS = 64
K = 8
NUM_SHARED = 2
K_SELECT = K - NUM_SHARED          # 6
END_IDX = NUM_EXPERTS - NUM_SHARED  # 62


def setup_inputs(seed: int = 0) -> dict:
    key = jax.random.key(seed)
    gates = jax.random.normal(key, (32768, NUM_EXPERTS), dtype=jnp.float32)
    return {"gates": gates}


def reference(gates):
    batch_size = gates.shape[0]
    non_shared_gates = gates[:, :END_IDX]
    # k_select > 0 and end_idx > 0 branch
    top_k_gates, top_k_indices = jax.lax.top_k(non_shared_gates, min(K_SELECT, END_IDX))
    # num_shared_experts > 0 branch
    shared_gates = gates[:, END_IDX:]
    top_k_gates_shared = jnp.concatenate([top_k_gates, shared_gates], axis=1)
    shared_indices = jnp.broadcast_to(
        jnp.arange(END_IDX, NUM_EXPERTS, dtype=jnp.int32)[None, :],
        (batch_size, NUM_SHARED),
    )
    top_k_indices_shared = jnp.concatenate(
        [top_k_indices.astype(jnp.int32), shared_indices], axis=1
    )
    top_k_gates_shared = jax.nn.softmax(top_k_gates_shared, axis=1)
    return (top_k_indices_shared, top_k_gates_shared)

if __name__ == "__main__":
    import jax
    _d = setup_inputs()
    print(jax.jit(kernel)(*tuple(_d.values())))

</pallas_src>

<mosaic_0001>
#map = affine_map<(d0, d1) -> (0, 0)>
module attributes {stable_mosaic.version = 14 : i64} {
  func.func @_sc_topk(%arg0: i32, %arg1: i32, %arg2: memref<64x32768xf32, #tpu.memory_space<hbm>>, %arg3: memref<8x32768xi32, #tpu.memory_space<hbm>>, %arg4: memref<8x32768xf32, #tpu.memory_space<hbm>>, %arg5: memref<64x1024xf32, #tpu.memory_space<vmem>>, %arg6: memref<8x1024xi32, #tpu.memory_space<vmem>>, %arg7: memref<8x1024xf32, #tpu.memory_space<vmem>>) attributes {dimension_semantics = [#tpu.dimension_semantics<core_parallel>, #tpu.dimension_semantics<subcore_parallel>], iteration_bounds = array<i64: 2, 16>, scalar_prefetch = 0 : i64, scratch_operands = 3 : i64, tpu.core_type = #tpu.core_type<sc_vector_subcore>, window_params = [{transform_indices = #map}, {transform_indices = #map}, {transform_indices = #map}]} {
    %mul3A = arith.constant 2 : i32
    %mul3A_0 = arith.muli %arg1, %mul3A : i32
    %add3A = arith.addi %mul3A_0, %arg0 : i32
    %mul3A_1 = arith.constant 1024 : i32
    %mul3A_2 = arith.muli %add3A, %mul3A_1 : i32
    %iota3A = tpu.iota {dimensions = array<i32: 0>} : vector<16xi32>
    %broadcast_in_dim3A = arith.constant -2147483648 : i32
    %broadcast_in_dim3A_3 = vector.broadcast %broadcast_in_dim3A : i32 to vector<16xi32>
    %broadcast_in_dim3A_4 = arith.constant 62 : i32
    %broadcast_in_dim3A_5 = vector.broadcast %broadcast_in_dim3A_4 : i32 to vector<16xi32>
    %broadcast_in_dim3A_6 = arith.constant 63 : i32
    %broadcast_in_dim3A_7 = vector.broadcast %broadcast_in_dim3A_6 : i32 to vector<16xi32>
    %scan3A = arith.constant 0 : i32
    %scan3A_8 = arith.constant 0 : i32
    %mul3A_9 = arith.constant 1024 : i32
    %mul3A_10 = arith.muli %scan3A_8, %mul3A_9 : i32
    %add3A_11 = arith.addi %mul3A_2, %mul3A_10 : i32
    "tpu.region"() ({
      %run_scoped3A = tpu.sem_alloc : memref<!tpu.dma_semaphore, #tpu.memory_space<semaphore_mem>>
      %dma_start3A = arith.constant 0 : i32
      %dma_start3A_19 = tpu.memref_slice %arg2[%dma_start3A, %add3A_11] : memref<64x32768xf32, #tpu.memory_space<hbm>> -> memref<64x1024xf32, #tpu.memory_space<hbm>>
      %dma_start3A_20 = arith.constant 0 : i32
      %dma_start3A_21 = tpu.memref_slice %arg2[%dma_start3A_20, %add3A_11] : memref<64x32768xf32, #tpu.memory_space<hbm>> -> memref<64x1024xf32, #tpu.memory_space<hbm>>
      tpu.enqueue_dma source(%dma_start3A_21 : memref<64x1024xf32, #tpu.memory_space<hbm>>) target(%arg5 : memref<64x1024xf32, #tpu.memory_space<vmem>>) target_semaphore(%run_scoped3A : memref<!tpu.dma_semaphore, #tpu.memory_space<semaphore_mem>>)
      %dma_wait3A = arith.constant 0 : i32
      %dma_wait3A_22 = tpu.memref_slice %arg2[%dma_wait3A, %add3A_11] : memref<64x32768xf32, #tpu.memory_space<hbm>> -> memref<64x1024xf32, #tpu.memory_space<hbm>>
      %dma_wait3A_23 = arith.constant 0 : i32
      %dma_wait3A_24 = tpu.memref_slice %arg2[%dma_wait3A_23, %add3A_11] : memref<64x32768xf32, #tpu.memory_space<hbm>> -> memref<64x1024xf32, #tpu.memory_space<hbm>>
      tpu.wait_dma2 semaphore(%run_scoped3A : memref<!tpu.dma_semaphore, #tpu.memory_space<semaphore_mem>>) src(%dma_wait3A_24 : memref<64x1024xf32, #tpu.memory_space<hbm>>) dst(%arg5 : memref<64x1024xf32, #tpu.memory_space<vmem>>)
      tpu.yield
    }) : () -> ()
    %scan3A_12 = arith.constant 0 : i32
    %scan3A_13 = arith.constant 0 : i32
    %scan3A_14 = arith.constant 64 : i32
    %scan3A_15 = arith.addi %scan3A_13, %scan3A_14 : i32
    %scan3A_16 = arith.constant 1 : i32
    scf.for %scan3A_19 = %scan3A_13 to %scan3A_15 step %scan3A_16  : i32 {
      %mul3A_20 = arith.constant 1 : i32
      %mul3A_21 = arith.muli %scan3A_19, %mul3A_20 : i32
      %add3A_22 = arith.constant 0 : i32
      %add3A_23 = arith.addi %mul3A_21, %add3A_22 : i32
      %mul3A_24 = arith.constant 16 : i32
      %mul3A_25 = arith.muli %add3A_23, %mul3A_24 : i32
      %get3A = arith.constant 0 : i32
      %get3A_26 = arith.index_cast %get3A : i32 to index
      %get3A_27 = arith.index_cast %mul3A_25 : i32 to index
      %get3A_28 = tpu.vector_load %arg5[%get3A_26, %get3A_27] {strides = array<i32>} : memref<64x1024xf32, #tpu.memory_space<vmem>>, vector<16xf32>,
      %bitcast3A = vector.bitcast %get3A_28 : vector<16xf32> to vector<16xi32>
      %shift_right_arithmetic3A = arith.constant 31 : i32
      %shift_right_arithmetic3A_29 = vector.broadcast %shift_right_arithmetic3A : i32 to vector<16xi32>
      %shift_right_arithmetic3A_30 = arith.shrsi %bitcast3A, %shift_right_arithmetic3A_29 : vector<16xi32>
      %and3A = arith.constant 2147483647 : i32
      %and3A_31 = vector.broadcast %and3A : i32 to vector<16xi32>
      %and3A_32 = arith.andi %shift_right_arithmetic3A_30, %and3A_31 : vector<16xi32>
      %xor3A = arith.xori %bitcast3A, %and3A_32 : vector<16xi32>
      %and3A_33 = arith.constant -64 : i32
      %and3A_34 = vector.broadcast %and3A_33 : i32 to vector<16xi32>
      %and3A_35 = arith.andi %xor3A, %and3A_34 : vector<16xi32>
      %or3A = arith.constant 63 : i32
      %or3A_36 = vector.broadcast %or3A : i32 to vector<16xi32>
      %or3A_37 = arith.ori %and3A_35, %or3A_36 : vector<16xi32>
      %max3A = arith.maxsi %or3A_37, %broadcast_in_dim3A_3 : vector<16xi32>
      %min3A = arith.minsi %or3A_37, %broadcast_in_dim3A_3 : vector<16xi32>
      %max3A_38 = arith.maxsi %min3A, %broadcast_in_dim3A_3 : vector<16xi32>
      %min3A_39 = arith.minsi %min3A, %broadcast_in_dim3A_3 : vector<16xi32>
      %max3A_40 = arith.maxsi %min3A_39, %broadcast_in_dim3A_3 : vector<16xi32>
      %min3A_41 = arith.minsi %min3A_39, %broadcast_in_dim3A_3 : vector<16xi32>
      %max3A_42 = arith.maxsi %min3A_41, %broadcast_in_dim3A_3 : vector<16xi32>
      %min3A_43 = arith.minsi %min3A_41, %broadcast_in_dim3A_3 : vector<16xi32>
      %max3A_44 = arith.maxsi %min3A_43, %broadcast_in_dim3A_3 : vector<16xi32>
      %min3A_45 = arith.minsi %min3A_43, %broadcast_in_dim3A_3 : vector<16xi32>
      %max3A_46 = arith.maxsi %min3A_45, %broadcast_in_dim3A_3 : vector<16xi32>
      %get3A_47 = arith.constant 1 : i32
      %get3A_48 = arith.index_cast %get3A_47 : i32 to index
      %get3A_49 = arith.index_cast %mul3A_25 : i32 to index
      %get3A_50 = tpu.vector_load %arg5[%get3A_48, %get3A_49] {strides = array<i32>} : memref<64x1024xf32, #tpu.memory_space<vmem>>, vector<16xf32>,
      %bitcast3A_51 = vector.bitcast %get3A_50 : vector<16xf32> to vector<16xi32>
      %shift_right_arithmetic3A_52 = arith.constant 31 : i32
      %shift_right_arithmetic3A_53 = vector.broadcast %shift_right_arithmetic3A_52 : i32 to vector<16xi32>
      %shift_right_arithmetic3A_54 = arith.shrsi %bitcast3A_51, %shift_right_arithmetic3A_53 : vector<16xi32>
      %and3A_55 = arith.constant 2147483647 : i32
      %and3A_56 = vector.broadcast %and3A_55 : i32 to vector<16xi32>
      %and3A_57 = arith.andi %shift_right_arithmetic3A_54, %and3A_56 : vector<16xi32>
      %xor3A_58 = arith.xori %bitcast3A_51, %and3A_57 : vector<16xi32>
      %and3A_59 = arith.constant -64 : i32
      %and3A_60 = vector.broadcast %and3A_59 : i32 to vector<16xi32>
      %and3A_61 = arith.andi %xor3A_58, %and3A_60 : vector<16xi32>
      %or3A_62 = arith.constant 62 : i32
      %or3A_63 = vector.broadcast %or3A_62 : i32 to vector<16xi32>
      %or3A_64 = arith.ori %and3A_61, %or3A_63 : vector<16xi32>
      %max3A_65 = arith.maxsi %or3A_64, %max3A : vector<16xi32>
      %min3A_66 = arith.minsi %or3A_64, %max3A : vector<16xi32>
      %max3A_67 = arith.maxsi %min3A_66, %max3A_38 : vector<16xi32>
      %min3A_68 = arith.minsi %min3A_66, %max3A_38 : vector<16xi32>
      %max3A_69 = arith.maxsi %min3A_68, %max3A_40 : vector<16xi32>
      %min3A_70 = arith.minsi %min3A_68, %max3A_40 : vector<16xi32>
      %max3A_71 = arith.maxsi %min3A_70, %max3A_42 : vector<16xi32>
      %min3A_72 = arith.minsi %min3A_70, %max3A_42 : vector<16xi32>
      %max3A_73 = arith.maxsi %min3A_72, %max3A_44 : vector<16xi32>
      %min3A_74 = arith.minsi %min3A_72, %max3A_44 : vector<16xi32>
      %max3A_75 = arith.maxsi %min3A_74, %max3A_46 : vector<16xi32>
      %get3A_76 = arith.constant 2 : i32
      %get3A_77 = arith.index_cast %get3A_76 : i32 to index
      %get3A_78 = arith.index_cast %mul3A_25 : i32 to index
      %get3A_79 = tpu.vector_load %arg5[%get3A_77, %get3A_78] {strides = array<i32>} : memref<64x1024xf32, #tpu.memory_space<vmem>>, vector<16xf32>,
      %bitcast3A_80 = vector.bitcast %get3A_79 : vector<16xf32> to vector<16xi32>
      %shift_right_arithmetic3A_81 = arith.constant 31 : i32
      %shift_right_arithmetic3A_82 = vector.broadcast %shift_right_arithmetic3A_81 : i32 to vector<16xi32>
      %shift_right_arithmetic3A_83 = arith.shrsi %bitcast3A_80, %shift_right_arithmetic3A_82 : vector<16xi32>
      %and3A_84 = arith.constant 2147483647 : i32
      %and3A_85 = vector.broadcast %and3A_84 : i32 to vector<16xi32>
      %and3A_86 = arith.andi %shift_right_arithmetic3A_83, %and3A_85 : vector<16xi32>
      %xor3A_87 = arith.xori %bitcast3A_80, %and3A_86 : vector<16xi32>
      %and3A_88 = arith.constant -64 : i32
      %and3A_89 = vector.broadcast %and3A_88 : i32 to vector<16xi32>
      %and3A_90 = arith.andi %xor3A_87, %and3A_89 : vector<16xi32>
      %or3A_91 = arith.constant 61 : i32
      %or3A_92 = vector.broadcast %or3A_91 : i32 to vector<16xi32>
      %or3A_93 = arith.ori %and3A_90, %or3A_92 : vector<16xi32>
      %max3A_94 = arith.maxsi %or3A_93, %max3A_65 : vector<16xi32>
      %min3A_95 = arith.minsi %or3A_93, %max3A_65 : vector<16xi32>
      %max3A_96 = arith.maxsi %min3A_95, %max3A_67 : vector<16xi32>
      %min3A_97 = arith.minsi %min3A_95, %max3A_67 : vector<16xi32>
      %max3A_98 = arith.maxsi %min3A_97, %max3A_69 : vector<16xi32>
      %min3A_99 = arith.minsi %min3A_97, %max3A_69 : vector<16xi32>
      %max3A_100 = arith.maxsi %min3A_99, %max3A_71 : vector<16xi32>
      %min3A_101 = arith.minsi %min3A_99, %max3A_71 : vector<16xi32>
      %max3A_102 = arith.maxsi %min3A_101, %max3A_73 : vector<16xi32>
      %min3A_103 = arith.minsi %min3A_101, %max3A_73 : vector<16xi32>
      %max3A_104 = arith.maxsi %min3A_103, %max3A_75 : vector<16xi32>
      %get3A_105 = arith.constant 3 : i32
      %get3A_106 = arith.index_cast %get3A_105 : i32 to index
      %get3A_107 = arith.index_cast %mul3A_25 : i32 to index
      %get3A_108 = tpu.vector_load %arg5[%get3A_106, %get3A_107] {strides = array<i32>} : memref<64x1024xf32, #tpu.memory_space<vmem>>, vector<16xf32>,
      %bitcast3A_109 = vector.bitcast %get3A_108 : vector<16xf32> to vector<16xi32>
      %shift_right_arithmetic3A_110 = arith.constant 31 : i32
      %shift_right_arithmetic3A_111 = vector.broadcast %shift_right_arithmetic3A_110 : i32 to vector<16xi32>
      %shift_right_arithmetic3A_112 = arith.shrsi %bitcast3A_109, %shift_right_arithmetic3A_111 : vector<16xi32>
      %and3A_113 = arith.constant 2147483647 : i32
      %and3A_114 = vector.broadcast %and3A_113 : i32 to vector<16xi32>
      %and3A_115 = arith.andi %shift_right_arithmetic3A_112, %and3A_114 : vector<16xi32>
      %xor3A_116 = arith.xori %bitcast3A_109, %and3A_115 : vector<16xi32>
      %and3A_117 = arith.constant -64 : i32
      %and3A_118 = vector.broadcast %and3A_117 : i32 to vector<16xi32>
      %and3A_119 = arith.andi %xor3A_116, %and3A_118 : vector<16xi32>
      %or3A_120 = arith.constant 60 : i32
      %or3A_121 = vector.broadcast %or3A_120 : i32 to vector<16xi32>
      %or3A_122 = arith.ori %and3A_119, %or3A_121 : vector<16xi32>
      %max3A_123 = arith.maxsi %or3A_122, %max3A_94 : vector<16xi32>
      %min3A_124 = arith.minsi %or3A_122, %max3A_94 : vector<16xi32>
      %max3A_125 = arith.maxsi %min3A_124, %max3A_96 : vector<16xi32>
      %min3A_126 = arith.minsi %min3A_124, %max3A_96 : vector<16xi32>
      %max3A_127 = arith.maxsi %min3A_126, %max3A_98 : vector<16xi32>
      %min3A_128 = arith.minsi %min3A_126, %max3A_98 : vector<16xi32>
      %max3A_129 = arith.maxsi %min3A_128, %max3A_100 : vector<16xi32>
      %min3A_130 = arith.minsi %min3A_128, %max3A_100 : vector<16xi32>
      %max3A_131 = arith.maxsi %min3A_130, %max3A_102 : vector<16xi32>
      %min3A_132 = arith.minsi %min3A_130, %max3A_102 : vector<16xi32>
      %max3A_133 = arith.maxsi %min3A_132, %max3A_104 : vector<16xi32>
      %get3A_134 = arith.constant 4 : i32
      %get3A_135 = arith.index_cast %get3A_134 : i32 to index
      %get3A_136 = arith.index_cast %mul3A_25 : i32 to index
      %get3A_137 = tpu.vector_load %arg5[%get3A_135, %get3A_136] {strides = array<i32>} : memref<64x1024xf32, #tpu.memory_space<vmem>>, vector<16xf32>,
      %bitcast3A_138 = vector.bitcast %get3A_137 : vector<16xf32> to vector<16xi32>
      %shift_right_arithmetic3A_139 = arith.constant 31 : i32
      %shift_right_arithmetic3A_140 = vector.broadcast %shift_right_arithmetic3A_139 : i32 to vector<16xi32>
      %shift_right_arithmetic3A_141 = arith.shrsi %bitcast3A_138, %shift_right_arithmetic3A_140 : vector<16xi32>
      %and3A_142 = arith.constant 2147483647 : i32
      %and3A_143 = vector.broadcast %and3A_142 : i32 to vector<16xi32>
      %and3A_144 = arith.andi %shift_right_arithmetic3A_141, %and3A_143 : vector<16xi32>
      %xor3A_145 = arith.xori %bitcast3A_138, %and3A_144 : vector<16xi32>
      %and3A_146 = arith.constant -64 : i32
      %and3A_147 = vector.broadcast %and3A_146 : i32 to vector<16xi32>
      %and3A_148 = arith.andi %xor3A_145, %and3A_147 : vector<16xi32>
      %or3A_149 = arith.constant 59 : i32
      %or3A_150 = vector.broadcast %or3A_149 : i32 to vector<16xi32>
      %or3A_151 = arith.ori %and3A_148, %or3A_150 : vector<16xi32>
      %max3A_152 = arith.maxsi %or3A_151, %max3A_123 : vector<16xi32>
      %min3A_153 = arith.minsi %or3A_151, %max3A_123 : vector<16xi32>
      %max3A_154 = arith.maxsi %min3A_153, %max3A_125 : vector<16xi32>
      %min3A_155 = arith.minsi %min3A_153, %max3A_125 : vector<16xi32>
      %max3A_156 = arith.maxsi %min3A_155, %max3A_127 : vector<16xi32>
      %min3A_157 = arith.minsi %min3A_155, %max3A_127 : vector<16xi32>
      %max3A_158 = arith.maxsi %min3A_157, %max3A_129 : vector<16xi32>
      %min3A_159 = arith.minsi %min3A_157, %max3A_129 : vector<16xi32>
      %max3A_160 = arith.maxsi %min3A_159, %max3A_131 : vector<16xi32>
      %min3A_161 = arith.minsi %min3A_159, %max3A_131 : vector<16xi32>
      %max3A_162 = arith.maxsi %min3A_161, %max3A_133 : vector<16xi32>
      %get3A_163 = arith.constant 5 : i32
      %get3A_164 = arith.index_cast %get3A_163 : i32 to index
      %get3A_165 = arith.index_cast %mul3A_25 : i32 to index
      %get3A_166 = tpu.vector_load %arg5[%get3A_164, %get3A_165] {strides = array<i32>} : memref<64x1024xf32, #tpu.memory_space<vmem>>, vector<16xf32>,
      %bitcast3A_167 = vector.bitcast %get3A_166 : vector<16xf32> to vector<16xi32>
      %shift_right_arithmetic3A_168 = arith.constant 31 : i32
      %shift_right_arithmetic3A_169 = vector.broadcast %shift_right_arithmetic3A_168 : i32 to vector<16xi32>
      %shift_right_arithmetic3A_170 = arith.shrsi %bitcast3A_167, %shift_right_arithmetic3A_169 : vector<16xi32>
      %and3A_171 = arith.constant 2147483647 : i32
      %and3A_172 = vector.broadcast %and3A_171 : i32 to vector<16xi32>
      %and3A_173 = arith.andi %shift_right_arithmetic3A_170, %and3A_172 : vector<16xi32>
      %xor3A_174 = arith.xori %bitcast3A_167, %and3A_173 : vector<16xi32>
      %and3A_175 = arith.constant -64 : i32
      %and3A_176 = vector.broadcast %and3A_175 : i32 to vector<16xi32>
      %and3A_177 = arith.andi %xor3A_174, %and3A_176 : vector<16xi32>
      %or3A_178 = arith.constant 58 : i32
      %or3A_179 = vector.broadcast %or3A_178 : i32 to vector<16xi32>
      %or3A_180 = arith.ori %and3A_177, %or3A_179 : vector<16xi32>
      %max3A_181 = arith.maxsi %or3A_180, %max3A_152 : vector<16xi32>
      %min3A_182 = arith.minsi %or3A_180, %max3A_152 : vector<16xi32>
      %max3A_183 = arith.maxsi %min3A_182, %max3A_154 : vector<16xi32>
      %min3A_184 = arith.minsi %min3A_182, %max3A_154 : vector<16xi32>
      %max3A_185 = arith.maxsi %min3A_184, %max3A_156 : vector<16xi32>
      %min3A_186 = arith.minsi %min3A_184, %max3A_156 : vector<16xi32>
      %max3A_187 = arith.maxsi %min3A_186, %max3A_158 : vector<16xi32>
      %min3A_188 = arith.minsi %min3A_186, %max3A_158 : vector<16xi32>
      %max3A_189 = arith.maxsi %min3A_188, %max3A_160 : vector<16xi32>
      %min3A_190 = arith.minsi %min3A_188, %max3A_160 : vector<16xi32>
      %max3A_191 = arith.maxsi %min3A_190, %max3A_162 : vector<16xi32>
      %get3A_192 = arith.constant 6 : i32
      %get3A_193 = arith.index_cast %get3A_192 : i32 to index
      %get3A_194 = arith.index_cast %mul3A_25 : i32 to index
      %get3A_195 = tpu.vector_load %arg5[%get3A_193, %get3A_194] {strides = array<i32>} : memref<64x1024xf32, #tpu.memory_space<vmem>>, vector<16xf32>,
      %bitcast3A_196 = vector.bitcast %get3A_195 : vector<16xf32> to vector<16xi32>
      %shift_right_arithmetic3A_197 = arith.constant 31 : i32
      %shift_right_arithmetic3A_198 = vector.broadcast %shift_right_arithmetic3A_197 : i32 to vector<16xi32>
      %shift_right_arithmetic3A_199 = arith.shrsi %bitcast3A_196, %shift_right_arithmetic3A_198 : vector<16xi32>
      %and3A_200 = arith.constant 2147483647 : i32
      %and3A_201 = vector.broadcast %and3A_200 : i32 to vector<16xi32>
      %and3A_202 = arith.andi %shift_right_arithmetic3A_199, %and3A_201 : vector<16xi32>
      %xor3A_203 = arith.xori %bitcast3A_196, %and3A_202 : vector<16xi32>
      %and3A_204 = arith.constant -64 : i32
      %and3A_205 = vector.broadcast %and3A_204 : i32 to vector<16xi32>
      %and3A_206 = arith.andi %xor3A_203, %and3A_205 : vector<16xi32>
      %or3A_207 = arith.constant 57 : i32
      %or3A_208 = vector.broadcast %or3A_207 : i32 to vector<16xi32>
      %or3A_209 = arith.ori %and3A_206, %or3A_208 : vector<16xi32>
      %max3A_210 = arith.maxsi %or3A_209, %max3A_181 : vector<16xi32>
      %min3A_211 = arith.minsi %or3A_209, %max3A_181 : vector<16xi32>
      %max3A_212 = arith.maxsi %min3A_211, %max3A_183 : vector<16xi32>
      %min3A_213 = arith.minsi %min3A_211, %max3A_183 : vector<16xi32>
      %max3A_214 = arith.maxsi %min3A_213, %max3A_185 : vector<16xi32>
      %min3A_215 = arith.minsi %min3A_213, %max3A_185 : vector<16xi32>
      %max3A_216 = arith.maxsi %min3A_215, %max3A_187 : vector<16xi32>
      %min3A_217 = arith.minsi %min3A_215, %max3A_187 : vector<16xi32>
      %max3A_218 = arith.maxsi %min3A_217, %max3A_189 : vector<16xi32>
      %min3A_219 = arith.minsi %min3A_217, %max3A_189 : vector<16xi32>
      %max3A_220 = arith.maxsi %min3A_219, %max3A_191 : vector<16xi32>
      %get3A_221 = arith.constant 7 : i32
      %get3A_222 = arith.index_cast %get3A_221 : i32 to index
      %get3A_223 = arith.index_cast %mul3A_25 : i32 to index
      %get3A_224 = tpu.vector_load %arg5[%get3A_222, %get3A_223] {strides = array<i32>} : memref<64x1024xf32, #tpu.memory_space<vmem>>, vector<16xf32>,
      %bitcast3A_225 = vector.bitcast %get3A_224 : vector<16xf32> to vector<16xi32>
      %shift_right_arithmetic3A_226 = arith.constant 31 : i32
      %shift_right_arithmetic3A_227 = vector.broadcast %shift_right_arithmetic3A_226 : i32 to vector<16xi32>
      %shift_right_arithmetic3A_228 = arith.shrsi %bitcast3A_225, %shift_right_arithmetic3A_227 : vector<16xi32>
      %and3A_229 = arith.constant 2147483647 : i32
      %and3A_230 = vector.broadcast %and3A_229 : i32 to vector<16xi32>
      %and3A_231 = arith.andi %shift_right_arithmetic3A_228, %and3A_230 : vector<16xi32>
      %xor3A_232 = arith.xori %bitcast3A_225, %and3A_231 : vector<16xi32>
      %and3A_233 = arith.constant -64 : i32
      %and3A_234 = vector.broadcast %and3A_233 : i32 to vector<16xi32>
      %and3A_235 = arith.andi %xor3A_232, %and3A_234 : vector<16xi32>
      %or3A_236 = arith.constant 56 : i32
      %or3A_237 = vector.broadcast %or3A_236 : i32 to vector<16xi32>
      %or3A_238 = arith.ori %and3A_235, %or3A_237 : vector<16xi32>
      %max3A_239 = arith.maxsi %or3A_238, %max3A_210 : vector<16xi32>
      %min3A_240 = arith.minsi %or3A_238, %max3A_210 : vector<16xi32>
      %max3A_241 = arith.maxsi %min3A_240, %max3A_212 : vector<16xi32>
      %min3A_242 = arith.minsi %min3A_240, %max3A_212 : vector<16xi32>
      %max3A_243 = arith.maxsi %min3A_242, %max3A_214 : vector<16xi32>
      %min3A_244 = arith.minsi %min3A_242, %max3A_214 : vector<16xi32>
      %max3A_245 = arith.maxsi %min3A_244, %max3A_216 : vector<16xi32>
      %min3A_246 = arith.minsi %min3A_244, %max3A_216 : vector<16xi32>
      %max3A_247 = arith.maxsi %min3A_246, %max3A_218 : vector<16xi32>
      %min3A_248 = arith.minsi %min3A_246, %max3A_218 : vector<16xi32>
      %max3A_249 = arith.maxsi %min3A_248, %max3A_220 : vector<16xi32>
      %get3A_250 = arith.constant 8 : i32
      %get3A_251 = arith.index_cast %get3A_250 : i32 to index
      %get3A_252 = arith.index_cast %mul3A_25 : i32 to index
      %get3A_253 = tpu.vector_load %arg5[%get3A_251, %get3A_252] {strides = array<i32>} : memref<64x1024xf32, #tpu.memory_space<vmem>>, vector<16xf32>,
      %bitcast3A_254 = vector.bitcast %get3A_253 : vector<16xf32> to vector<16xi32>
      %shift_right_arithmetic3A_255 = arith.constant 31 : i32
      %shift_right_arithmetic3A_256 = vector.broadcast %shift_right_arithmetic3A_255 : i32 to vector<16xi32>
      %shift_right_arithmetic3A_257 = arith.shrsi %bitcast3A_254, %shift_right_arithmetic3A_256 : vector<16xi32>
      %and3A_258 = arith.constant 2147483647 : i32
      %and3A_259 = vector.broadcast %and3A_258 : i32 to vector<16xi32>
      %and3A_260 = arith.andi %shift_right_arithmetic3A_257, %and3A_259 : vector<16xi32>
      %xor3A_261 = arith.xori %bitcast3A_254, %and3A_260 : vector<16xi32>
      %and3A_262 = arith.constant -64 : i32
      %and3A_263 = vector.broadcast %and3A_262 : i32 to vector<16xi32>
      %and3A_264 = arith.andi %xor3A_261, %and3A_263 : vector<16xi32>
      %or3A_265 = arith.constant 55 : i32
      %or3A_266 = vector.broadcast %or3A_265 : i32 to vector<16xi32>
      %or3A_267 = arith.ori %and3A_264, %or3A_266 : vector<16xi32>
      %max3A_268 = arith.maxsi %or3A_267, %max3A_239 : vector<16xi32>
      %min3A_269 = arith.minsi %or3A_267, %max3A_239 : vector<16xi32>
      %max3A_270 = arith.maxsi %min3A_269, %max3A_241 : vector<16xi32>
      %min3A_271 = arith.minsi %min3A_269, %max3A_241 : vector<16xi32>
      %max3A_272 = arith.maxsi %min3A_271, %max3A_243 : vector<16xi32>
      %min3A_273 = arith.minsi %min3A_271, %max3A_243 : vector<16xi32>
      %max3A_274 = arith.maxsi %min3A_273, %max3A_245 : vector<16xi32>
      %min3A_275 = arith.minsi %min3A_273, %max3A_245 : vector<16xi32>
      %max3A_276 = arith.maxsi %min3A_275, %max3A_247 : vector<16xi32>
      %min3A_277 = arith.minsi %min3A_275, %max3A_247 : vector<16xi32>
      %max3A_278 = arith.maxsi %min3A_277, %max3A_249 : vector<16xi32>
      %get3A_279 = arith.constant 9 : i32
      %get3A_280 = arith.index_cast %get3A_279 : i32 to index
      %get3A_281 = arith.index_cast %mul3A_25 : i32 to index
      %get3A_282 = tpu.vector_load %arg5[%get3A_280, %get3A_281] {strides = array<i32>} : memref<64x1024xf32, #tpu.memory_space<vmem>>, vector<16xf32>,
      %bitcast3A_283 = vector.bitcast %get3A_282 : vector<16xf32> to vector<16xi32>
      %shift_right_arithmetic3A_284 = arith.constant 31 : i32
      %shift_right_arithmetic3A_285 = vector.broadcast %shift_right_arithmetic3A_284 : i32 to vector<16xi32>
      %shift_right_arithmetic3A_286 = arith.shrsi %bitcast3A_283, %shift_right_arithmetic3A_285 : vector<16xi32>
      %and3A_287 = arith.constant 2147483647 : i32
      %and3A_288 = vector.broadcast %and3A_287 : i32 to vector<16xi32>
      %and3A_289 = arith.andi %shift_right_arithmetic3A_286, %and3A_288 : vector<16xi32>
      %xor3A_290 = arith.xori %bitcast3A_283, %and3A_289 : vector<16xi32>
      %and3A_291 = arith.constant -64 : i32
      %and3A_292 = vector.broadcast %and3A_291 : i32 to vector<16xi32>
      %and3A_293 = arith.andi %xor3A_290, %and3A_292 : vector<16xi32>
      %or3A_294 = arith.constant 54 : i32
      %or3A_295 = vector.broadcast %or3A_294 : i32 to vector<16xi32>
      %or3A_296 = arith.ori %and3A_293, %or3A_295 : vector<16xi32>
      %max3A_297 = arith.maxsi %or3A_296, %max3A_268 : vector<16xi32>
      %min3A_298 = arith.minsi %or3A_296, %max3A_268 : vector<16xi32>
      %max3A_299 = arith.maxsi %min3A_298, %max3A_270 : vector<16xi32>
      %min3A_300 = arith.minsi %min3A_298, %max3A_270 : vector<16xi32>
      %max3A_301 = arith.maxsi %min3A_300, %max3A_272 : vector<16xi32>
      %min3A_302 = arith.minsi %min3A_300, %max3A_272 : vector<16xi32>
      %max3A_303 = arith.maxsi %min3A_302, %max3A_274 : vector<16xi32>
      %min3A_304 = arith.minsi %min3A_302, %max3A_274 : vector<16xi32>
      %max3A_305 = arith.maxsi %min3A_304, %max3A_276 : vector<16xi32>
      %min3A_306 = arith.minsi %min3A_304, %max3A_276 : vector<16xi32>
      %max3A_307 = arith.maxsi %min3A_306, %max3A_278 : vector<16xi32>
      %get3A_308 = arith.constant 10 : i32
      %get3A_309 = arith.index_cast %get3A_308 : i32 to index
      %get3A_310 = arith.index_cast %mul3A_25 : i32 to index
      %get3A_311 = tpu.vector_load %arg5[%get3A_309, %get3A_310] {strides = array<i32>} : memref<64x1024xf32, #tpu.memory_space<vmem>>, vector<16xf32>,
      %bitcast3A_312 = vector.bitcast %get3A_311 : vector<16xf32> to vector<16xi32>
      %shift_right_arithmetic3A_313 = arith.constant 31 : i32
      %shift_right_arithmetic3A_314 = vector.broadcast %shift_right_arithmetic3A_313 : i32 to vector<16xi32>
      %shift_right_arithmetic3A_315 = arith.shrsi %bitcast3A_312, %shift_right_arithmetic3A_314 : vector<16xi32>
      %and3A_316 = arith.constant 2147483647 : i32
      %and3A_317 = vector.broadcast %and3A_316 : i32 to vector<16xi32>
      %and3A_318 = arith.andi %shift_right_arithmetic3A_315, %and3A_317 : vector<16xi32>
      %xor3A_319 = arith.xori %bitcast3A_312, %and3A_318 : vector<16xi32>
      %and3A_320 = arith.constant -64 : i32
      %and3A_321 = vector.broadcast %and3A_320 : i32 to vector<16xi32>
      %and3A_322 = arith.andi %xor3A_319, %and3A_321 : vector<16xi32>
      %or3A_323 = arith.constant 53 : i32
      %or3A_324 = vector.broadcast %or3A_323 : i32 to vector<16xi32>
      %or3A_325 = arith.ori %and3A_322, %or3A_324 : vector<16xi32>
      %max3A_326 = arith.maxsi %or3A_325, %max3A_297 : vector<16xi32>
      %min3A_327 = arith.minsi %or3A_325, %max3A_297 : vector<16xi32>
      %max3A_328 = arith.maxsi %min3A_327, %max3A_299 : vector<16xi32>
      %min3A_329 = arith.minsi %min3A_327, %max3A_299 : vector<16xi32>
      %max3A_330 = arith.maxsi %min3A_329, %max3A_301 : vector<16xi32>
      %min3A_331 = arith.minsi %min3A_329, %max3A_301 : vector<16xi32>
      %max3A_332 = arith.maxsi %min3A_331, %max3A_303 : vector<16xi32>
      %min3A_333 = arith.minsi %min3A_331, %max3A_303 : vector<16xi32>
      %max3A_334 = arith.maxsi %min3A_333, %max3A_305 : vector<16xi32>
      %min3A_335 = arith.minsi %min3A_333, %max3A_305 : vector<16xi32>
      %max3A_336 = arith.maxsi %min3A_335, %max3A_307 : vector<16xi32>
      %get3A_337 = arith.constant 11 : i32
      %get3A_338 = arith.index_cast %get3A_337 : i32 to index
      %get3A_339 = arith.index_cast %mul3A_25 : i32 to index
      %get3A_340 = tpu.vector_load %arg5[%get3A_338, %get3A_339] {strides = array<i32>} : memref<64x1024xf32, #tpu.memory_space<vmem>>, vector<16xf32>,
      %bitcast3A_341 = vector.bitcast %get3A_340 : vector<16xf32> to vector<16xi32>
      %shift_right_arithmetic3A_342 = arith.constant 31 : i32
      %shift_right_arithmetic3A_343 = vector.broadcast %shift_right_arithmetic3A_342 : i32 to vector<16xi32>
      %shift_right_arithmetic3A_344 = arith.shrsi %bitcast3A_341, %shift_right_arithmetic3A_343 : vector<16xi32>
      %and3A_345 = arith.constant 2147483647 : i32
      %and3A_346 = vector.broadcast %and3A_345 : i32 to vector<16xi32>
      %and3A_347 = arith.andi %shift_right_arithmetic3A_344, %and3A_346 : vector<16xi32>
      %xor3A_348 = arith.xori %bitcast3A_341, %and3A_347 : vector<16xi32>
      %and3A_349 = arith.constant -64 : i32
      %and3A_350 = vector.broadcast %and3A_349 : i32 to vector<16xi32>
      %and3A_351 = arith.andi %xor3A_348, %and3A_350 : vector<16xi32>
      %or3A_352 = arith.constant 52 : i32
      %or3A_353 = vector.broadcast %or3A_352 : i32 to vector<16xi32>
      %or3A_354 = arith.ori %and3A_351, %or3A_353 : vector<16xi32>
      %max3A_355 = arith.maxsi %or3A_354, %max3A_326 : vector<16xi32>
      %min3A_356 = arith.minsi %or3A_354, %max3A_326 : vector<16xi32>
      %max3A_357 = arith.maxsi %min3A_356, %max3A_328 : vector<16xi32>
      %min3A_358 = arith.minsi %min3A_356, %max3A_328 : vector<16xi32>
      %max3A_359 = arith.maxsi %min3A_358, %max3A_330 : vector<16xi32>
      %min3A_360 = arith.minsi %min3A_358, %max3A_330 : vector<16xi32>
      %max3A_361 = arith.maxsi %min3A_360, %max3A_332 : vector<16xi32>
      %min3A_362 = arith.minsi %min3A_360, %max3A_332 : vector<16xi32>
      %max3A_363 = arith.maxsi %min3A_362, %max3A_334 : vector<16xi32>
      %min3A_364 = arith.minsi %min3A_362, %max3A_334 : vector<16xi32>
      %max3A_365 = arith.maxsi %min3A_364, %max3A_336 : vector<16xi32>
      %get3A_366 = arith.constant 12 : i32
      %get3A_367 = arith.index_cast %get3A_366 : i32 to index
      %get3A_368 = arith.index_cast %mul3A_25 : i32 to index
      %get3A_369 = tpu.vector_load %arg5[%get3A_367, %get3A_368] {strides = array<i32>} : memref<64x1024xf32, #tpu.memory_space<vmem>>, vector<16xf32>,
      %bitcast3A_370 = vector.bitcast %get3A_369 : vector<16xf32> to vector<16xi32>
      %shift_right_arithmetic3A_371 = arith.constant 31 : i32
      %shift_right_arithmetic3A_372 = vector.broadcast %shift_right_arithmetic3A_371 : i32 to vector<16xi32>
      %shift_right_arithmetic3A_373 = arith.shrsi %bitcast3A_370, %shift_right_arithmetic3A_372 : vector<16xi32>
      %and3A_374 = arith.constant 2147483647 : i32
      %and3A_375 = vector.broadcast %and3A_374 : i32 to vector<16xi32>
      %and3A_376 = arith.andi %shift_right_arithmetic3A_373, %and3A_375 : vector<16xi32>
      %xor3A_377 = arith.xori %bitcast3A_370, %and3A_376 : vector<16xi32>
      %and3A_378 = arith.constant -64 : i32
      %and3A_379 = vector.broadcast %and3A_378 : i32 to vector<16xi32>
      %and3A_380 = arith.andi %xor3A_377, %and3A_379 : vector<16xi32>
      %or3A_381 = arith.constant 51 : i32
      %or3A_382 = vector.broadcast %or3A_381 : i32 to vector<16xi32>
      %or3A_383 = arith.ori %and3A_380, %or3A_382 : vector<16xi32>
      %max3A_384 = arith.maxsi %or3A_383, %max3A_355 : vector<16xi32>
      %min3A_385 = arith.minsi %or3A_383, %max3A_355 : vector<16xi32>
      %max3A_386 = arith.maxsi %min3A_385, %max3A_357 : vector<16xi32>
      %min3A_387 = arith.minsi %min3A_385, %max3A_357 : vector<16xi32>
      %max3A_388 = arith.maxsi %min3A_387, %max3A_359 : vector<16xi32>
      %min3A_389 = arith.minsi %min3A_387, %max3A_359 : vector<16xi32>
      %max3A_390 = arith.maxsi %min3A_389, %max3A_361 : vector<16xi32>
      %min3A_391 = arith.minsi %min3A_389, %max3A_361 : vector<16xi32>
      %max3A_392 = arith.maxsi %min3A_391, %max3A_363 : vector<16xi32>
      %min3A_393 = arith.minsi %min3A_391, %max3A_363 : vector<16xi32>
      %max3A_394 = arith.maxsi %min3A_393, %max3A_365 : vector<16xi32>
      %get3A_395 = arith.constant 13 : i32
      %get3A_396 = arith.index_cast %get3A_395 : i32 to index
      %get3A_397 = arith.index_cast %mul3A_25 : i32 to index
      %get3A_398 = tpu.vector_load %arg5[%get3A_396, %get3A_397] {strides = array<i32>} : memref<64x1024xf32, #tpu.memory_space<vmem>>, vector<16xf32>,
      %bitcast3A_399 = vector.bitcast %get3A_398 : vector<16xf32> to vector<16xi32>
      %shift_right_arithmetic3A_400 = arith.constant 31 : i32
      %shift_right_arithmetic3A_401 = vector.broadcast %shift_right_arithmetic3A_400 : i32 to vector<16xi32>
      %shift_right_arithmetic3A_402 = arith.shrsi %bitcast3A_399, %shift_right_arithmetic3A_401 : vector<16xi32>
      %and3A_403 = arith.constant 2147483647 : i32
      %and3A_404 = vector.broadcast %and3A_403 : i32 to vector<16xi32>
      %and3A_405 = arith.andi %shift_right_arithmetic3A_402, %and3A_404 : vector<16xi32>
      %xor3A_406 = arith.xori %bitcast3A_399, %and3A_405 : vector<16xi32>
      %and3A_407 = arith.constant -64 : i32
      %and3A_408 = vector.broadcast %and3A_407 : i32 to vector<16xi32>
      %and3A_409 = arith.andi %xor3A_406, %and3A_408 : vector<16xi32>
      %or3A_410 = arith.constant 50 : i32
      %or3A_411 = vector.broadcast %or3A_410 : i32 to vector<16xi32>
      %or3A_412 = arith.ori %and3A_409, %or3A_411 : vector<16xi32>
      %max3A_413 = arith.maxsi %or3A_412, %max3A_384 : vector<16xi32>
      %min3A_414 = arith.minsi %or3A_412, %max3A_384 : vector<16xi32>
      %max3A_415 = arith.maxsi %min3A_414, %max3A_386 : vector<16xi32>
      %min3A_416 = arith.minsi %min3A_414, %max3A_386 : vector<16xi32>
      %max3A_417 = arith.maxsi %min3A_416, %max3A_388 : vector<16xi32>
      %min3A_418 = arith.minsi %min3A_416, %max3A_388 : vector<16xi32>
      %max3A_419 = arith.maxsi %min3A_418, %max3A_390 : vector<16xi32>
      %min3A_420 = arith.minsi %min3A_418, %max3A_390 : vector<16xi32>
      %max3A_421 = arith.maxsi %min3A_420, %max3A_392 : vector<16xi32>
      %min3A_422 = arith.minsi %min3A_420, %max3A_392 : vector<16xi32>
      %max3A_423 = arith.maxsi %min3A_422, %max3A_394 : vector<16xi32>
      %get3A_424 = arith.constant 14 : i32
      %get3A_425 = arith.index_cast %get3A_424 : i32 to index
      %get3A_426 = arith.index_cast %mul3A_25 : i32 to index
      %get3A_427 = tpu.vector_load %arg5[%get3A_425, %get3A_426] {strides = array<i32>} : memref<64x1024xf32, #tpu.memory_space<vmem>>, vector<16xf32>,
      %bitcast3A_428 = vector.bitcast %get3A_427 : vector<16xf32> to vector<16xi32>
      %shift_right_arithmetic3A_429 = arith.constant 31 : i32
      %shift_right_arithmetic3A_430 = vector.broadcast %shift_right_arithmetic3A_429 : i32 to vector<16xi32>
      %shift_right_arithmetic3A_431 = arith.shrsi %bitcast3A_428, %shift_right_arithmetic3A_430 : vector<16xi32>
      %and3A_432 = arith.constant 2147483647 : i32
      %and3A_433 = vector.broadcast %and3A_432 : i32 to vector<16xi32>
      %and3A_434 = arith.andi %shift_right_arithmetic3A_431, %and3A_433 : vector<16xi32>
      %xor3A_435 = arith.xori %bitcast3A_428, %and3A_434 : vector<16xi32>
      %and3A_436 = arith.constant -64 : i32
      %and3A_437 = vector.broadcast %and3A_436 : i32 to vector<16xi32>
      %and3A_438 = arith.andi %xor3A_435, %and3A_437 : vector<16xi32>
      %or3A_439 = arith.constant 49 : i32
      %or3A_440 = vector.broadcast %or3A_439 : i32 to vector<16xi32>
      %or3A_441 = arith.ori %and3A_438, %or3A_440 : vector<16xi32>
      %max3A_442 = arith.maxsi %or3A_441, %max3A_413 : vector<16xi32>
      %min3A_443 = arith.minsi %or3A_441, %max3A_413 : vector<16xi32>
      %max3A_444 = arith.maxsi %min3A_443, %max3A_415 : vector<16xi32>
      %min3A_445 = arith.minsi %min3A_443, %max3A_415 : vector<16xi32>
      %max3A_446 = arith.maxsi %min3A_445, %max3A_417 : vector<16xi32>
      %min3A_447 = arith.minsi %min3A_445, %max3A_417 : vector<16xi32>
      %max3A_448 = arith.maxsi %min3A_447, %max3A_419 : vector<16xi32>
      %min3A_449 = arith.minsi %min3A_447, %max3A_419 : vector<16xi32>
      %max3A_450 = arith.maxsi %min3A_449, %max3A_421 : vector<16xi32>
      %min3A_451 = arith.minsi %min3A_449, %max3A_421 : vector<16xi32>
      %max3A_452 = arith.maxsi %min3A_451, %max3A_423 : vector<16xi32>
      %get3A_453 = arith.constant 15 : i32
      %get3A_454 = arith.index_cast %get3A_453 : i32 to index
      %get3A_455 = arith.index_cast %mul3A_25 : i32 to index
      %get3A_456 = tpu.vector_load %arg5[%get3A_454, %get3A_455] {strides = array<i32>} : memref<64x1024xf32, #tpu.memory_space<vmem>>, vector<16xf32>,
      %bitcast3A_457 = vector.bitcast %get3A_456 : vector<16xf32> to vector<16xi32>
      %shift_right_arithmetic3A_458 = arith.constant 31 : i32
      %shift_right_arithmetic3A_459 = vector.broadcast %shift_right_arithmetic3A_458 : i32 to vector<16xi32>
      %shift_right_arithmetic3A_460 = arith.shrsi %bitcast3A_457, %shift_right_arithmetic3A_459 : vector<16xi32>
      %and3A_461 = arith.constant 2147483647 : i32
      %and3A_462 = vector.broadcast %and3A_461 : i32 to vector<16xi32>
      %and3A_463 = arith.andi %shift_right_arithmetic3A_460, %and3A_462 : vector<16xi32>
      %xor3A_464 = arith.xori %bitcast3A_457, %and3A_463 : vector<16xi32>
      %and3A_465 = arith.constant -64 : i32
      %and3A_466 = vector.broadcast %and3A_465 : i32 to vector<16xi32>
      %and3A_467 = arith.andi %xor3A_464, %and3A_466 : vector<16xi32>
      %or3A_468 = arith.constant 48 : i32
      %or3A_469 = vector.broadcast %or3A_468 : i32 to vector<16xi32>
      %or3A_470 = arith.ori %and3A_467, %or3A_469 : vector<16xi32>
      %max3A_471 = arith.maxsi %or3A_470, %max3A_442 : vector<16xi32>
      %min3A_472 = arith.minsi %or3A_470, %max3A_442 : vector<16xi32>
      %max3A_473 = arith.maxsi %min3A_472, %max3A_444 : vector<16xi32>
      %min3A_474 = arith.minsi %min3A_472, %max3A_444 : vector<16xi32>
      %max3A_475 = arith.maxsi %min3A_474, %max3A_446 : vector<16xi32>
      %min3A_476 = arith.minsi %min3A_474, %max3A_446 : vector<16xi32>
      %max3A_477 = arith.maxsi %min3A_476, %max3A_448 : vector<16xi32>
      %min3A_478 = arith.minsi %min3A_476, %max3A_448 : vector<16xi32>
      %max3A_479 = arith.maxsi %min3A_478, %max3A_450 : vector<16xi32>
      %min3A_480 = arith.minsi %min3A_478, %max3A_450 : vector<16xi32>
      %max3A_481 = arith.maxsi %min3A_480, %max3A_452 : vector<16xi32>
      %get3A_482 = arith.constant 16 : i32
      %get3A_483 = arith.index_cast %get3A_482 : i32 to index
      %get3A_484 = arith.index_cast %mul3A_25 : i32 to index
      %get3A_485 = tpu.vector_load %arg5[%get3A_483, %get3A_484] {strides = array<i32>} : memref<64x1024xf32, #tpu.memory_space<vmem>>, vector<16xf32>,
      %bitcast3A_486 = vector.bitcast %get3A_485 : vector<16xf32> to vector<16xi32>
      %shift_right_arithmetic3A_487 = arith.constant 31 : i32
      %shift_right_arithmetic3A_488 = vector.broadcast %shift_right_arithmetic3A_487 : i32 to vector<16xi32>
      %shift_right_arithmetic3A_489 = arith.shrsi %bitcast3A_486, %shift_right_arithmetic3A_488 : vector<16xi32>
      %and3A_490 = arith.constant 2147483647 : i32
      %and3A_491 = vector.broadcast %and3A_490 : i32 to vector<16xi32>
      %and3A_492 = arith.andi %shift_right_arithmetic3A_489, %and3A_491 : vector<16xi32>
      %xor3A_493 = arith.xori %bitcast3A_486, %and3A_492 : vector<16xi32>
      %and3A_494 = arith.constant -64 : i32
      %and3A_495 = vector.broadcast %and3A_494 : i32 to vector<16xi32>
      %and3A_496 = arith.andi %xor3A_493, %and3A_495 : vector<16xi32>
      %or3A_497 = arith.constant 47 : i32
      %or3A_498 = vector.broadcast %or3A_497 : i32 to vector<16xi32>
      %or3A_499 = arith.ori %and3A_496, %or3A_498 : vector<16xi32>
      %max3A_500 = arith.maxsi %or3A_499, %max3A_471 : vector<16xi32>
      %min3A_501 = arith.minsi %or3A_499, %max3A_471 : vector<16xi32>
      %max3A_502 = arith.maxsi %min3A_501, %max3A_473 : vector<16xi32>
      %min3A_503 = arith.minsi %min3A_501, %max3A_473 : vector<16xi32>
      %max3A_504 = arith.maxsi %min3A_503, %max3A_475 : vector<16xi32>
      %min3A_505 = arith.minsi %min3A_503, %max3A_475 : vector<16xi32>
      %max3A_506 = arith.maxsi %min3A_505, %max3A_477 : vector<16xi32>
      %min3A_507 = arith.minsi %min3A_505, %max3A_477 : vector<16xi32>
      %max3A_508 = arith.maxsi %min3A_507, %max3A_479 : vector<16xi32>
      %min3A_509 = arith.minsi %min3A_507, %max3A_479 : vector<16xi32>
      %max3A_510 = arith.maxsi %min3A_509, %max3A_481 : vector<16xi32>
      %get3A_511 = arith.constant 17 : i32
      %get3A_512 = arith.index_cast %get3A_511 : i32 to index
      %get3A_513 = arith.index_cast %mul3A_25 : i32 to index
      %get3A_514 = tpu.vector_load %arg5[%get3A_512, %get3A_513] {strides = array<i32>} : memref<64x1024xf32, #tpu.memory_space<vmem>>, vector<16xf32>,
      %bitcast3A_515 = vector.bitcast %get3A_514 : vector<16xf32> to vector<16xi32>
      %shift_right_arithmetic3A_516 = arith.constant 31 : i32
      %shift_right_arithmetic3A_517 = vector.broadcast %shift_right_arithmetic3A_516 : i32 to vector<16xi32>
      %shift_right_arithmetic3A_518 = arith.shrsi %bitcast3A_515, %shift_right_arithmetic3A_517 : vector<16xi32>
      %and3A_519 = arith.constant 2147483647 : i32
      %and3A_520 = vector.broadcast %and3A_519 : i32 to vector<16xi32>
      %and3A_521 = arith.andi %shift_right_arithmetic3A_518, %and3A_520 : vector<16xi32>
      %xor3A_522 = arith.xori %bitcast3A_515, %and3A_521 : vector<16xi32>
      %and3A_523 = arith.constant -64 : i32
      %and3A_524 = vector.broadcast %and3A_523 : i32 to vector<16xi32>
      %and3A_525 = arith.andi %xor3A_522, %and3A_524 : vector<16xi32>
      %or3A_526 = arith.constant 46 : i32
      %or3A_527 = vector.broadcast %or3A_526 : i32 to vector<16xi32>
      %or3A_528 = arith.ori %and3A_525, %or3A_527 : vector<16xi32>
      %max3A_529 = arith.maxsi %or3A_528, %max3A_500 : vector<16xi32>
      %min3A_530 = arith.minsi %or3A_528, %max3A_500 : vector<16xi32>
      %max3A_531 = arith.maxsi %min3A_530, %max3A_502 : vector<16xi32>
      %min3A_532 = arith.minsi %min3A_530, %max3A_502 : vector<16xi32>
      %max3A_533 = arith.maxsi %min3A_532, %max3A_504 : vector<16xi32>
      %min3A_534 = arith.minsi %min3A_532, %max3A_504 : vector<16xi32>
      %max3A_535 = arith.maxsi %min3A_534, %max3A_506 : vector<16xi32>
      %min3A_536 = arith.minsi %min3A_534, %max3A_506 : vector<16xi32>
      %max3A_537 = arith.maxsi %min3A_536, %max3A_508 : vector<16xi32>
      %min3A_538 = arith.minsi %min3A_536, %max3A_508 : vector<16xi32>
      %max3A_539 = arith.maxsi %min3A_538, %max3A_510 : vector<16xi32>
      %get3A_540 = arith.constant 18 : i32
      %get3A_541 = arith.index_cast %get3A_540 : i32 to index
      %get3A_542 = arith.index_cast %mul3A_25 : i32 to index
      %get3A_543 = tpu.vector_load %arg5[%get3A_541, %get3A_542] {strides = array<i32>} : memref<64x1024xf32, #tpu.memory_space<vmem>>, vector<16xf32>,
      %bitcast3A_544 = vector.bitcast %get3A_543 : vector<16xf32> to vector<16xi32>
      %shift_right_arithmetic3A_545 = arith.constant 31 : i32
      %shift_right_arithmetic3A_546 = vector.broadcast %shift_right_arithmetic3A_545 : i32 to vector<16xi32>
      %shift_right_arithmetic3A_547 = arith.shrsi %bitcast3A_544, %shift_right_arithmetic3A_546 : vector<16xi32>
      %and3A_548 = arith.constant 2147483647 : i32
      %and3A_549 = vector.broadcast %and3A_548 : i32 to vector<16xi32>
      %and3A_550 = arith.andi %shift_right_arithmetic3A_547, %and3A_549 : vector<16xi32>
      %xor3A_551 = arith.xori %bitcast3A_544, %and3A_550 : vector<16xi32>
      %and3A_552 = arith.constant -64 : i32
      %and3A_553 = vector.broadcast %and3A_552 : i32 to vector<16xi32>
      %and3A_554 = arith.andi %xor3A_551, %and3A_553 : vector<16xi32>
      %or3A_555 = arith.constant 45 : i32
      %or3A_556 = vector.broadcast %or3A_555 : i32 to vector<16xi32>
      %or3A_557 = arith.ori %and3A_554, %or3A_556 : vector<16xi32>
      %max3A_558 = arith.maxsi %or3A_557, %max3A_529 : vector<16xi32>
      %min3A_559 = arith.minsi %or3A_557, %max3A_529 : vector<16xi32>
      %max3A_560 = arith.maxsi %min3A_559, %max3A_531 : vector<16xi32>
      %min3A_561 = arith.minsi %min3A_559, %max3A_531 : vector<16xi32>
      %max3A_562 = arith.maxsi %min3A_561, %max3A_533 : vector<16xi32>
      %min3A_563 = arith.minsi %min3A_561, %max3A_533 : vector<16xi32>
      %max3A_564 = arith.maxsi %min3A_563, %max3A_535 : vector<16xi32>
      %min3A_565 = arith.minsi %min3A_563, %max3A_535 : vector<16xi32>
      %max3A_566 = arith.maxsi %min3A_565, %max3A_537 : vector<16xi32>
      %min3A_567 = arith.minsi %min3A_565, %max3A_537 : vector<16xi32>
      %max3A_568 = arith.maxsi %min3A_567, %max3A_539 : vector<16xi32>
      %get3A_569 = arith.constant 19 : i32
      %get3A_570 = arith.index_cast %get3A_569 : i32 to index
      %get3A_571 = arith.index_cast %mul3A_25 : i32 to index
      %get3A_572 = tpu.vector_load %arg5[%get3A_570, %get3A_571] {strides = array<i32>} : memref<64x1024xf32, #tpu.memory_space<vmem>>, vector<16xf32>,
      %bitcast3A_573 = vector.bitcast %get3A_572 : vector<16xf32> to vector<16xi32>
      %shift_right_arithmetic3A_574 = arith.constant 31 : i32
      %shift_right_arithmetic3A_575 = vector.broadcast %shift_right_arithmetic3A_574 : i32 to vector<16xi32>
      %shift_right_arithmetic3A_576 = arith.shrsi %bitcast3A_573, %shift_right_arithmetic3A_575 : vector<16xi32>
      %and3A_577 = arith.constant 2147483647 : i32
      %and3A_578 = vector.broadcast %and3A_577 : i32 to vector<16xi32>
      %and3A_579 = arith.andi %shift_right_arithmetic3A_576, %and3A_578 : vector<16xi32>
      %xor3A_580 = arith.xori %bitcast3A_573, %and3A_579 : vector<16xi32>
      %and3A_581 = arith.constant -64 : i32
      %and3A_582 = vector.broadcast %and3A_581 : i32 to vector<16xi32>
      %and3A_583 = arith.andi %xor3A_580, %and3A_582 : vector<16xi32>
      %or3A_584 = arith.constant 44 : i32
      %or3A_585 = vector.broadcast %or3A_584 : i32 to vector<16xi32>
      %or3A_586 = arith.ori %and3A_583, %or3A_585 : vector<16xi32>
      %max3A_587 = arith.maxsi %or3A_586, %max3A_558 : vector<16xi32>
      %min3A_588 = arith.minsi %or3A_586, %max3A_558 : vector<16xi32>
      %max3A_589 = arith.maxsi %min3A_588, %max3A_560 : vector<16xi32>
      %min3A_590 = arith.minsi %min3A_588, %max3A_560 : vector<16xi32>
      %max3A_591 = arith.maxsi %min3A_590, %max3A_562 : vector<16xi32>
      %min3A_592 = arith.minsi %min3A_590, %max3A_562 : vector<16xi32>
      %max3A_593 = arith.maxsi %min3A_592, %max3A_564 : vector<16xi32>
      %min3A_594 = arith.minsi %min3A_592, %max3A_564 : vector<16xi32>
      %max3A_595 = arith.maxsi %min3A_594, %max3A_566 : vector<16xi32>
      %min3A_596 = arith.minsi %min3A_594, %max3A_566 : vector<16xi32>
      %max3A_597 = arith.maxsi %min3A_596, %max3A_568 : vector<16xi32>
      %get3A_598 = arith.constant 20 : i32
      %get3A_599 = arith.index_cast %get3A_598 : i32 to index
      %get3A_600 = arith.index_cast %mul3A_25 : i32 to index
      %get3A_601 = tpu.vector_load %arg5[%get3A_599, %get3A_600] {strides = array<i32>} : memref<64x1024xf32, #tpu.memory_space<vmem>>, vector<16xf32>,
      %bitcast3A_602 = vector.bitcast %get3A_601 : vector<16xf32> to vector<16xi32>
      %shift_right_arithmetic3A_603 = arith.constant 31 : i32
      %shift_right_arithmetic3A_604 = vector.broadcast %shift_right_arithmetic3A_603 : i32 to vector<16xi32>
      %shift_right_arithmetic3A_605 = arith.shrsi %bitcast3A_602, %shift_right_arithmetic3A_604 : vector<16xi32>
      %and3A_606 = arith.constant 2147483647 : i32
      %and3A_607 = vector.broadcast %and3A_606 : i32 to vector<16xi32>
      %and3A_608 = arith.andi %shift_right_arithmetic3A_605, %and3A_607 : vector<16xi32>
      %xor3A_609 = arith.xori %bitcast3A_602, %and3A_608 : vector<16xi32>
      %and3A_610 = arith.constant -64 : i32
      %and3A_611 = vector.broadcast %and3A_610 : i32 to vector<16xi32>
      %and3A_612 = arith.andi %xor3A_609, %and3A_611 : vector<16xi32>
      %or3A_613 = arith.constant 43 : i32
      %or3A_614 = vector.broadcast %or3A_613 : i32 to vector<16xi32>
      %or3A_615 = arith.ori %and3A_612, %or3A_614 : vector<16xi32>
      %max3A_616 = arith.maxsi %or3A_615, %max3A_587 : vector<16xi32>
      %min3A_617 = arith.minsi %or3A_615, %max3A_587 : vector<16xi32>
      %max3A_618 = arith.maxsi %min3A_617, %max3A_589 : vector<16xi32>
      %min3A_619 = arith.minsi %min3A_617, %max3A_589 : vector<16xi32>
      %max3A_620 = arith.maxsi %min3A_619, %max3A_591 : vector<16xi32>
      %min3A_621 = arith.minsi %min3A_619, %max3A_591 : vector<16xi32>
      %max3A_622 = arith.maxsi %min3A_621, %max3A_593 : vector<16xi32>
      %min3A_623 = arith.minsi %min3A_621, %max3A_593 : vector<16xi32>
      %max3A_624 = arith.maxsi %min3A_623, %max3A_595 : vector<16xi32>
      %min3A_625 = arith.minsi %min3A_623, %max3A_595 : vector<16xi32>
      %max3A_626 = arith.maxsi %min3A_625, %max3A_597 : vector<16xi32>
      %get3A_627 = arith.constant 21 : i32
      %get3A_628 = arith.index_cast %get3A_627 : i32 to index
      %get3A_629 = arith.index_cast %mul3A_25 : i32 to index
      %get3A_630 = tpu.vector_load %arg5[%get3A_628, %get3A_629] {strides = array<i32>} : memref<64x1024xf32, #tpu.memory_space<vmem>>, vector<16xf32>,
      %bitcast3A_631 = vector.bitcast %get3A_630 : vector<16xf32> to vector<16xi32>
      %shift_right_arithmetic3A_632 = arith.constant 31 : i32
      %shift_right_arithmetic3A_633 = vector.broadcast %shift_right_arithmetic3A_632 : i32 to vector<16xi32>
      %shift_right_arithmetic3A_634 = arith.shrsi %bitcast3A_631, %shift_right_arithmetic3A_633 : vector<16xi32>
      %and3A_635 = arith.constant 2147483647 : i32
      %and3A_636 = vector.broadcast %and3A_635 : i32 to vector<16xi32>
      %and3A_637 = arith.andi %shift_right_arithmetic3A_634, %and3A_636 : vector<16xi32>
      %xor3A_638 = arith.xori %bitcast3A_631, %and3A_637 : vector<16xi32>
      %and3A_639 = arith.constant -64 : i32
      %and3A_640 = vector.broadcast %and3A_639 : i32 to vector<16xi32>
      %and3A_641 = arith.andi %xor3A_638, %and3A_640 : vector<16xi32>
      %or3A_642 = arith.constant 42 : i32
      %or3A_643 = vector.broadcast %or3A_642 : i32 to vector<16xi32>
      %or3A_644 = arith.ori %and3A_641, %or3A_643 : vector<16xi32>
      %max3A_645 = arith.maxsi %or3A_644, %max3A_616 : vector<16xi32>
      %min3A_646 = arith.minsi %or3A_644, %max3A_616 : vector<16xi32>
      %max3A_647 = arith.maxsi %min3A_646, %max3A_618 : vector<16xi32>
      %min3A_648 = arith.minsi %min3A_646, %max3A_618 : vector<16xi32>
      %max3A_649 = arith.maxsi %min3A_648, %max3A_620 : vector<16xi32>
      %min3A_650 = arith.minsi %min3A_648, %max3A_620 : vector<16xi32>
      %max3A_651 = arith.maxsi %min3A_650, %max3A_622 : vector<16xi32>
      %min3A_652 = arith.minsi %min3A_650, %max3A_622 : vector<16xi32>
      %max3A_653 = arith.maxsi %min3A_652, %max3A_624 : vector<16xi32>
      %min3A_654 = arith.minsi %min3A_652, %max3A_624 : vector<16xi32>
      %max3A_655 = arith.maxsi %min3A_654, %max3A_626 : vector<16xi32>
      %get3A_656 = arith.constant 22 : i32
      %get3A_657 = arith.index_cast %get3A_656 : i32 to index
      %get3A_658 = arith.index_cast %mul3A_25 : i32 to index
      %get3A_659 = tpu.vector_load %arg5[%get3A_657, %get3A_658] {strides = array<i32>} : memref<64x1024xf32, #tpu.memory_space<vmem>>, vector<16xf32>,
      %bitcast3A_660 = vector.bitcast %get3A_659 : vector<16xf32> to vector<16xi32>
      %shift_right_arithmetic3A_661 = arith.constant 31 : i32
      %shift_right_arithmetic3A_662 = vector.broadcast %shift_right_arithmetic3A_661 : i32 to vector<16xi32>
      %shift_right_arithmetic3A_663 = arith.shrsi %bitcast3A_660, %shift_right_arithmetic3A_662 : vector<16xi32>
      %and3A_664 = arith.constant 2147483647 : i32
      %and3A_665 = vector.broadcast %and3A_664 : i32 to vector<16xi32>
      %and3A_666 = arith.andi %shift_right_arithmetic3A_663, %and3A_665 : vector<16xi32>
      %xor3A_667 = arith.xori %bitcast3A_660, %and3A_666 : vector<16xi32>
      %and3A_668 = arith.constant -64 : i32
      %and3A_669 = vector.broadcast %and3A_668 : i32 to vector<16xi32>
      %and3A_670 = arith.andi %xor3A_667, %and3A_669 : vector<16xi32>
      %or3A_671 = arith.constant 41 : i32
      %or3A_672 = vector.broadcast %or3A_671 : i32 to vector<16xi32>
      %or3A_673 = arith.ori %and3A_670, %or3A_672 : vector<16xi32>
      %max3A_674 = arith.maxsi %or3A_673, %max3A_645 : vector<16xi32>
      %min3A_675 = arith.minsi %or3A_673, %max3A_645 : vector<16xi32>
      %max3A_676 = arith.maxsi %min3A_675, %max3A_647 : vector<16xi32>
      %min3A_677 = arith.minsi %min3A_675, %max3A_647 : vector<16xi32>
      %max3A_678 = arith.maxsi %min3A_677, %max3A_649 : vector<16xi32>
      %min3A_679 = arith.minsi %min3A_677, %max3A_649 : vector<16xi32>
      %max3A_680 = arith.maxsi %min3A_679, %max3A_651 : vector<16xi32>
      %min3A_681 = arith.minsi %min3A_679, %max3A_651 : vector<16xi32>
      %max3A_682 = arith.maxsi %min3A_681, %max3A_653 : vector<16xi32>
      %min3A_683 = arith.minsi %min3A_681, %max3A_653 : vector<16xi32>
      %max3A_684 = arith.maxsi %min3A_683, %max3A_655 : vector<16xi32>
      %get3A_685 = arith.constant 23 : i32
      %get3A_686 = arith.index_cast %get3A_685 : i32 to index
      %get3A_687 = arith.index_cast %mul3A_25 : i32 to index
      %get3A_688 = tpu.vector_load %arg5[%get3A_686, %get3A_687] {strides = array<i32>} : memref<64x1024xf32, #tpu.memory_space<vmem>>, vector<16xf32>,
      %bitcast3A_689 = vector.bitcast %get3A_688 : vector<16xf32> to vector<16xi32>
      %shift_right_arithmetic3A_690 = arith.constant 31 : i32
      %shift_right_arithmetic3A_691 = vector.broadcast %shift_right_arithmetic3A_690 : i32 to vector<16xi32>
      %shift_right_arithmetic3A_692 = arith.shrsi %bitcast3A_689, %shift_right_arithmetic3A_691 : vector<16xi32>
      %and3A_693 = arith.constant 2147483647 : i32
      %and3A_694 = vector.broadcast %and3A_693 : i32 to vector<16xi32>
      %and3A_695 = arith.andi %shift_right_arithmetic3A_692, %and3A_694 : vector<16xi32>
      %xor3A_696 = arith.xori %bitcast3A_689, %and3A_695 : vector<16xi32>
      %and3A_697 = arith.constant -64 : i32
      %and3A_698 = vector.broadcast %and3A_697 : i32 to vector<16xi32>
      %and3A_699 = arith.andi %xor3A_696, %and3A_698 : vector<16xi32>
      %or3A_700 = arith.constant 40 : i32
      %or3A_701 = vector.broadcast %or3A_700 : i32 to vector<16xi32>
      %or3A_702 = arith.ori %and3A_699, %or3A_701 : vector<16xi32>
      %max3A_703 = arith.maxsi %or3A_702, %max3A_674 : vector<16xi32>
      %min3A_704 = arith.minsi %or3A_702, %max3A_674 : vector<16xi32>
      %max3A_705 = arith.maxsi %min3A_704, %max3A_676 : vector<16xi32>
      %min3A_706 = arith.minsi %min3A_704, %max3A_676 : vector<16xi32>
      %max3A_707 = arith.maxsi %min3A_706, %max3A_678 : vector<16xi32>
      %min3A_708 = arith.minsi %min3A_706, %max3A_678 : vector<16xi32>
      %max3A_709 = arith.maxsi %min3A_708, %max3A_680 : vector<16xi32>
      %min3A_710 = arith.minsi %min3A_708, %max3A_680 : vector<16xi32>
      %max3A_711 = arith.maxsi %min3A_710, %max3A_682 : vector<16xi32>
      %min3A_712 = arith.minsi %min3A_710, %max3A_682 : vector<16xi32>
      %max3A_713 = arith.maxsi %min3A_712, %max3A_684 : vector<16xi32>
      %get3A_714 = arith.constant 24 : i32
      %get3A_715 = arith.index_cast %get3A_714 : i32 to index
      %get3A_716 = arith.index_cast %mul3A_25 : i32 to index
      %get3A_717 = tpu.vector_load %arg5[%get3A_715, %get3A_716] {strides = array<i32>} : memref<64x1024xf32, #tpu.memory_space<vmem>>, vector<16xf32>,
      %bitcast3A_718 = vector.bitcast %get3A_717 : vector<16xf32> to vector<16xi32>
      %shift_right_arithmetic3A_719 = arith.constant 31 : i32
      %shift_right_arithmetic3A_720 = vector.broadcast %shift_right_arithmetic3A_719 : i32 to vector<16xi32>
      %shift_right_arithmetic3A_721 = arith.shrsi %bitcast3A_718, %shift_right_arithmetic3A_720 : vector<16xi32>
      %and3A_722 = arith.constant 2147483647 : i32
      %and3A_723 = vector.broadcast %and3A_722 : i32 to vector<16xi32>
      %and3A_724 = arith.andi %shift_right_arithmetic3A_721, %and3A_723 : vector<16xi32>
      %xor3A_725 = arith.xori %bitcast3A_718, %and3A_724 : vector<16xi32>
      %and3A_726 = arith.constant -64 : i32
      %and3A_727 = vector.broadcast %and3A_726 : i32 to vector<16xi32>
      %and3A_728 = arith.andi %xor3A_725, %and3A_727 : vector<16xi32>
      %or3A_729 = arith.constant 39 : i32
      %or3A_730 = vector.broadcast %or3A_729 : i32 to vector<16xi32>
      %or3A_731 = arith.ori %and3A_728, %or3A_730 : vector<16xi32>
      %max3A_732 = arith.maxsi %or3A_731, %max3A_703 : vector<16xi32>
      %min3A_733 = arith.minsi %or3A_731, %max3A_703 : vector<16xi32>
      %max3A_734 = arith.maxsi %min3A_733, %max3A_705 : vector<16xi32>
      %min3A_735 = arith.minsi %min3A_733, %max3A_705 : vector<16xi32>
      %max3A_736 = arith.maxsi %min3A_735, %max3A_707 : vector<16xi32>
      %min3A_737 = arith.minsi %min3A_735, %max3A_707 : vector<16xi32>
      %max3A_738 = arith.maxsi %min3A_737, %max3A_709 : vector<16xi32>
      %min3A_739 = arith.minsi %min3A_737, %max3A_709 : vector<16xi32>
      %max3A_740 = arith.maxsi %min3A_739, %max3A_711 : vector<16xi32>
      %min3A_741 = arith.minsi %min3A_739, %max3A_711 : vector<16xi32>
      %max3A_742 = arith.maxsi %min3A_741, %max3A_713 : vector<16xi32>
      %get3A_743 = arith.constant 25 : i32
      %get3A_744 = arith.index_cast %get3A_743 : i32 to index
      %get3A_745 = arith.index_cast %mul3A_25 : i32 to index
      %get3A_746 = tpu.vector_load %arg5[%get3A_744, %get3A_745] {strides = array<i32>} : memref<64x1024xf32, #tpu.memory_space<vmem>>, vector<16xf32>,
      %bitcast3A_747 = vector.bitcast %get3A_746 : vector<16xf32> to vector<16xi32>
      %shift_right_arithmetic3A_748 = arith.constant 31 : i32
      %shift_right_arithmetic3A_749 = vector.broadcast %shift_right_arithmetic3A_748 : i32 to vector<16xi32>
      %shift_right_arithmetic3A_750 = arith.shrsi %bitcast3A_747, %shift_right_arithmetic3A_749 : vector<16xi32>
      %and3A_751 = arith.constant 2147483647 : i32
      %and3A_752 = vector.broadcast %and3A_751 : i32 to vector<16xi32>
      %and3A_753 = arith.andi %shift_right_arithmetic3A_750, %and3A_752 : vector<16xi32>
      %xor3A_754 = arith.xori %bitcast3A_747, %and3A_753 : vector<16xi32>
      %and3A_755 = arith.constant -64 : i32
      %and3A_756 = vector.broadcast %and3A_755 : i32 to vector<16xi32>
      %and3A_757 = arith.andi %xor3A_754, %and3A_756 : vector<16xi32>
      %or3A_758 = arith.constant 38 : i32
      %or3A_759 = vector.broadcast %or3A_758 : i32 to vector<16xi32>
      %or3A_760 = arith.ori %and3A_757, %or3A_759 : vector<16xi32>
      %max3A_761 = arith.maxsi %or3A_760, %max3A_732 : vector<16xi32>
      %min3A_762 = arith.minsi %or3A_760, %max3A_732 : vector<16xi32>
      %max3A_763 = arith.maxsi %min3A_762, %max3A_734 : vector<16xi32>
      %min3A_764 = arith.minsi %min3A_762, %max3A_734 : vector<16xi32>
      %max3A_765 = arith.maxsi %min3A_764, %max3A_736 : vector<16xi32>
      %min3A_766 = arith.minsi %min3A_764, %max3A_736 : vector<16xi32>
      %max3A_767 = arith.maxsi %min3A_766, %max3A_738 : vector<16xi32>
      %min3A_768 = arith.minsi %min3A_766, %max3A_738 : vector<16xi32>
      %max3A_769 = arith.maxsi %min3A_768, %max3A_740 : vector<16xi32>
      %min3A_770 = arith.minsi %min3A_768, %max3A_740 : vector<16xi32>
      %max3A_771 = arith.maxsi %min3A_770, %max3A_742 : vector<16xi32>
      %get3A_772 = arith.constant 26 : i32
      %get3A_773 = arith.index_cast %get3A_772 : i32 to index
      %get3A_774 = arith.index_cast %mul3A_25 : i32 to index
      %get3A_775 = tpu.vector_load %arg5[%get3A_773, %get3A_774] {strides = array<i32>} : memref<64x1024xf32, #tpu.memory_space<vmem>>, vector<16xf32>,
      %bitcast3A_776 = vector.bitcast %get3A_775 : vector<16xf32> to vector<16xi32>
      %shift_right_arithmetic3A_777 = arith.constant 31 : i32
      %shift_right_arithmetic3A_778 = vector.broadcast %shift_right_arithmetic3A_777 : i32 to vector<16xi32>
      %shift_right_arithmetic3A_779 = arith.shrsi %bitcast3A_776, %shift_right_arithmetic3A_778 : vector<16xi32>
      %and3A_780 = arith.constant 2147483647 : i32
      %and3A_781 = vector.broadcast %and3A_780 : i32 to vector<16xi32>
      %and3A_782 = arith.andi %shift_right_arithmetic3A_779, %and3A_781 : vector<16xi32>
      %xor3A_783 = arith.xori %bitcast3A_776, %and3A_782 : vector<16xi32>
      %and3A_784 = arith.constant -64 : i32
      %and3A_785 = vector.broadcast %and3A_784 : i32 to vector<16xi32>
      %and3A_786 = arith.andi %xor3A_783, %and3A_785 : vector<16xi32>
      %or3A_787 = arith.constant 37 : i32
      %or3A_788 = vector.broadcast %or3A_787 : i32 to vector<16xi32>
      %or3A_789 = arith.ori %and3A_786, %or3A_788 : vector<16xi32>
      %max3A_790 = arith.maxsi %or3A_789, %max3A_761 : vector<16xi32>
      %min3A_791 = arith.minsi %or3A_789, %max3A_761 : vector<16xi32>
      %max3A_792 = arith.maxsi %min3A_791, %max3A_763 : vector<16xi32>
      %min3A_793 = arith.minsi %min3A_791, %max3A_763 : vector<16xi32>
      %max3A_794 = arith.maxsi %min3A_793, %max3A_765 : vector<16xi32>
      %min3A_795 = arith.minsi %min3A_793, %max3A_765 : vector<16xi32>
      %max3A_796 = arith.maxsi %min3A_795, %max3A_767 : vector<16xi32>
      %min3A_797 = arith.minsi %min3A_795, %max3A_767 : vector<16xi32>
      %max3A_798 = arith.maxsi %min3A_797, %max3A_769 : vector<16xi32>
      %min3A_799 = arith.minsi %min3A_797, %max3A_769 : vector<16xi32>
      %max3A_800 = arith.maxsi %min3A_799, %max3A_771 : vector<16xi32>
      %get3A_801 = arith.constant 27 : i32
      %get3A_802 = arith.index_cast %get3A_801 : i32 to index
      %get3A_803 = arith.index_cast %mul3A_25 : i32 to index
      %get3A_804 = tpu.vector_load %arg5[%get3A_802, %get3A_803] {strides = array<i32>} : memref<64x1024xf32, #tpu.memory_space<vmem>>, vector<16xf32>,
      %bitcast3A_805 = vector.bitcast %get3A_804 : vector<16xf32> to vector<16xi32>
      %shift_right_arithmetic3A_806 = arith.constant 31 : i32
      %shift_right_arithmetic3A_807 = vector.broadcast %shift_right_arithmetic3A_806 : i32 to vector<16xi32>
      %shift_right_arithmetic3A_808 = arith.shrsi %bitcast3A_805, %shift_right_arithmetic3A_807 : vector<16xi32>
      %and3A_809 = arith.constant 2147483647 : i32
      %and3A_810 = vector.broadcast %and3A_809 : i32 to vector<16xi32>
      %and3A_811 = arith.andi %shift_right_arithmetic3A_808, %and3A_810 : vector<16xi32>
      %xor3A_812 = arith.xori %bitcast3A_805, %and3A_811 : vector<16xi32>
      %and3A_813 = arith.constant -64 : i32
      %and3A_814 = vector.broadcast %and3A_813 : i32 to vector<16xi32>
      %and3A_815 = arith.andi %xor3A_812, %and3A_814 : vector<16xi32>
      %or3A_816 = arith.constant 36 : i32
      %or3A_817 = vector.broadcast %or3A_816 : i32 to vector<16xi32>
      %or3A_818 = arith.ori %and3A_815, %or3A_817 : vector<16xi32>
      %max3A_819 = arith.maxsi %or3A_818, %max3A_790 : vector<16xi32>
      %min3A_820 = arith.minsi %or3A_818, %max3A_790 : vector<16xi32>
      %max3A_821 = arith.maxsi %min3A_820, %max3A_792 : vector<16xi32>
      %min3A_822 = arith.minsi %min3A_820, %max3A_792 : vector<16xi32>
      %max3A_823 = arith.maxsi %min3A_822, %max3A_794 : vector<16xi32>
      %min3A_824 = arith.minsi %min3A_822, %max3A_794 : vector<16xi32>
      %max3A_825 = arith.maxsi %min3A_824, %max3A_796 : vector<16xi32>
      %min3A_826 = arith.minsi %min3A_824, %max3A_796 : vector<16xi32>
      %max3A_827 = arith.maxsi %min3A_826, %max3A_798 : vector<16xi32>
      %min3A_828 = arith.minsi %min3A_826, %max3A_798 : vector<16xi32>
      %max3A_829 = arith.maxsi %min3A_828, %max3A_800 : vector<16xi32>
      %get3A_830 = arith.constant 28 : i32
      %get3A_831 = arith.index_cast %get3A_830 : i32 to index
      %get3A_832 = arith.index_cast %mul3A_25 : i32 to index
      %get3A_833 = tpu.vector_load %arg5[%get3A_831, %get3A_832] {strides = array<i32>} : memref<64x1024xf32, #tpu.memory_space<vmem>>, vector<16xf32>,
      %bitcast3A_834 = vector.bitcast %get3A_833 : vector<16xf32> to vector<16xi32>
      %shift_right_arithmetic3A_835 = arith.constant 31 : i32
      %shift_right_arithmetic3A_836 = vector.broadcast %shift_right_arithmetic3A_835 : i32 to vector<16xi32>
      %shift_right_arithmetic3A_837 = arith.shrsi %bitcast3A_834, %shift_right_arithmetic3A_836 : vector<16xi32>
      %and3A_838 = arith.constant 2147483647 : i32
      %and3A_839 = vector.broadcast %and3A_838 : i32 to vector<16xi32>
      %and3A_840 = arith.andi %shift_right_arithmetic3A_837, %and3A_839 : vector<16xi32>
      %xor3A_841 = arith.xori %bitcast3A_834, %and3A_840 : vector<16xi32>
      %and3A_842 = arith.constant -64 : i32
      %and3A_843 = vector.broadcast %and3A_842 : i32 to vector<16xi32>
      %and3A_844 = arith.andi %xor3A_841, %and3A_843 : vector<16xi32>
      %or3A_845 = arith.constant 35 : i32
      %or3A_846 = vector.broadcast %or3A_845 : i32 to vector<16xi32>
      %or3A_847 = arith.ori %and3A_844, %or3A_846 : vector<16xi32>
      %max3A_848 = arith.maxsi %or3A_847, %max3A_819 : vector<16xi32>
      %min3A_849 = arith.minsi %or3A_847, %max3A_819 : vector<16xi32>
      %max3A_850 = arith.maxsi %min3A_849, %max3A_821 : vector<16xi32>
      %min3A_851 = arith.minsi %min3A_849, %max3A_821 : vector<16xi32>
      %max3A_852 = arith.maxsi %min3A_851, %max3A_823 : vector<16xi32>
      %min3A_853 = arith.minsi %min3A_851, %max3A_823 : vector<16xi32>
      %max3A_854 = arith.maxsi %min3A_853, %max3A_825 : vector<16xi32>
      %min3A_855 = arith.minsi %min3A_853, %max3A_825 : vector<16xi32>
      %max3A_856 = arith.maxsi %min3A_855, %max3A_827 : vector<16xi32>
      %min3A_857 = arith.minsi %min3A_855, %max3A_827 : vector<16xi32>
      %max3A_858 = arith.maxsi %min3A_857, %max3A_829 : vector<16xi32>
      %get3A_859 = arith.constant 29 : i32
      %get3A_860 = arith.index_cast %get3A_859 : i32 to index
      %get3A_861 = arith.index_cast %mul3A_25 : i32 to index
      %get3A_862 = tpu.vector_load %arg5[%get3A_860, %get3A_861] {strides = array<i32>} : memref<64x1024xf32, #tpu.memory_space<vmem>>, vector<16xf32>,
      %bitcast3A_863 = vector.bitcast %get3A_862 : vector<16xf32> to vector<16xi32>
      %shift_right_arithmetic3A_864 = arith.constant 31 : i32
      %shift_right_arithmetic3A_865 = vector.broadcast %shift_right_arithmetic3A_864 : i32 to vector<16xi32>
      %shift_right_arithmetic3A_866 = arith.shrsi %bitcast3A_863, %shift_right_arithmetic3A_865 : vector<16xi32>
      %and3A_867 = arith.constant 2147483647 : i32
      %and3A_868 = vector.broadcast %and3A_867 : i32 to vector<16xi32>
      %and3A_869 = arith.andi %shift_right_arithmetic3A_866, %and3A_868 : vector<16xi32>
      %xor3A_870 = arith.xori %bitcast3A_863, %and3A_869 : vector<16xi32>
      %and3A_871 = arith.constant -64 : i32
      %and3A_872 = vector.broadcast %and3A_871 : i32 to vector<16xi32>
      %and3A_873 = arith.andi %xor3A_870, %and3A_872 : vector<16xi32>
      %or3A_874 = arith.constant 34 : i32
      %or3A_875 = vector.broadcast %or3A_874 : i32 to vector<16xi32>
      %or3A_876 = arith.ori %and3A_873, %or3A_875 : vector<16xi32>
      %max3A_877 = arith.maxsi %or3A_876, %max3A_848 : vector<16xi32>
      %min3A_878 = arith.minsi %or3A_876, %max3A_848 : vector<16xi32>
      %max3A_879 = arith.maxsi %min3A_878, %max3A_850 : vector<16xi32>
      %min3A_880 = arith.minsi %min3A_878, %max3A_850 : vector<16xi32>
      %max3A_881 = arith.maxsi %min3A_880, %max3A_852 : vector<16xi32>
      %min3A_882 = arith.minsi %min3A_880, %max3A_852 : vector<16xi32>
      %max3A_883 = arith.maxsi %min3A_882, %max3A_854 : vector<16xi32>
      %min3A_884 = arith.minsi %min3A_882, %max3A_854 : vector<16xi32>
      %max3A_885 = arith.maxsi %min3A_884, %max3A_856 : vector<16xi32>
      %min3A_886 = arith.minsi %min3A_884, %max3A_856 : vector<16xi32>
      %max3A_887 = arith.maxsi %min3A_886, %max3A_858 : vector<16xi32>
      %get3A_888 = arith.constant 30 : i32
      %get3A_889 = arith.index_cast %get3A_888 : i32 to index
      %get3A_890 = arith.index_cast %mul3A_25 : i32 to index
      %get3A_891 = tpu.vector_load %arg5[%get3A_889, %get3A_890] {strides = array<i32>} : memref<64x1024xf32, #tpu.memory_space<vmem>>, vector<16xf32>,
      %bitcast3A_892 = vector.bitcast %get3A_891 : vector<16xf32> to vector<16xi32>
      %shift_right_arithmetic3A_893 = arith.constant 31 : i32
      %shift_right_arithmetic3A_894 = vector.broadcast %shift_right_arithmetic3A_893 : i32 to vector<16xi32>
      %shift_right_arithmetic3A_895 = arith.shrsi %bitcast3A_892, %shift_right_arithmetic3A_894 : vector<16xi32>
      %and3A_896 = arith.constant 2147483647 : i32
      %and3A_897 = vector.broadcast %and3A_896 : i32 to vector<16xi32>
      %and3A_898 = arith.andi %shift_right_arithmetic3A_895, %and3A_897 : vector<16xi32>
      %xor3A_899 = arith.xori %bitcast3A_892, %and3A_898 : vector<16xi32>
      %and3A_900 = arith.constant -64 : i32
      %and3A_901 = vector.broadcast %and3A_900 : i32 to vector<16xi32>
      %and3A_902 = arith.andi %xor3A_899, %and3A_901 : vector<16xi32>
      %or3A_903 = arith.constant 33 : i32
      %or3A_904 = vector.broadcast %or3A_903 : i32 to vector<16xi32>
      %or3A_905 = arith.ori %and3A_902, %or3A_904 : vector<16xi32>
      %max3A_906 = arith.maxsi %or3A_905, %max3A_877 : vector<16xi32>
      %min3A_907 = arith.minsi %or3A_905, %max3A_877 : vector<16xi32>
      %max3A_908 = arith.maxsi %min3A_907, %max3A_879 : vector<16xi32>
      %min3A_909 = arith.minsi %min3A_907, %max3A_879 : vector<16xi32>
      %max3A_910 = arith.maxsi %min3A_909, %max3A_881 : vector<16xi32>
      %min3A_911 = arith.minsi %min3A_909, %max3A_881 : vector<16xi32>
      %max3A_912 = arith.maxsi %min3A_911, %max3A_883 : vector<16xi32>
      %min3A_913 = arith.minsi %min3A_911, %max3A_883 : vector<16xi32>
      %max3A_914 = arith.maxsi %min3A_913, %max3A_885 : vector<16xi32>
      %min3A_915 = arith.minsi %min3A_913, %max3A_885 : vector<16xi32>
      %max3A_916 = arith.maxsi %min3A_915, %max3A_887 : vector<16xi32>
      %get3A_917 = arith.constant 31 : i32
      %get3A_918 = arith.index_cast %get3A_917 : i32 to index
      %get3A_919 = arith.index_cast %mul3A_25 : i32 to index
      %get3A_920 = tpu.vector_load %arg5[%get3A_918, %get3A_919] {strides = array<i32>} : memref<64x1024xf32, #tpu.memory_space<vmem>>, vector<16xf32>,
      %bitcast3A_921 = vector.bitcast %get3A_920 : vector<16xf32> to vector<16xi32>
      %shift_right_arithmetic3A_922 = arith.constant 31 : i32
      %shift_right_arithmetic3A_923 = vector.broadcast %shift_right_arithmetic3A_922 : i32 to vector<16xi32>
      %shift_right_arithmetic3A_924 = arith.shrsi %bitcast3A_921, %shift_right_arithmetic3A_923 : vector<16xi32>
      %and3A_925 = arith.constant 2147483647 : i32
      %and3A_926 = vector.broadcast %and3A_925 : i32 to vector<16xi32>
      %and3A_927 = arith.andi %shift_right_arithmetic3A_924, %and3A_926 : vector<16xi32>
      %xor3A_928 = arith.xori %bitcast3A_921, %and3A_927 : vector<16xi32>
      %and3A_929 = arith.constant -64 : i32
      %and3A_930 = vector.broadcast %and3A_929 : i32 to vector<16xi32>
      %and3A_931 = arith.andi %xor3A_928, %and3A_930 : vector<16xi32>
      %or3A_932 = arith.constant 32 : i32
      %or3A_933 = vector.broadcast %or3A_932 : i32 to vector<16xi32>
      %or3A_934 = arith.ori %and3A_931, %or3A_933 : vector<16xi32>
      %max3A_935 = arith.maxsi %or3A_934, %max3A_906 : vector<16xi32>
      %min3A_936 = arith.minsi %or3A_934, %max3A_906 : vector<16xi32>
      %max3A_937 = arith.maxsi %min3A_936, %max3A_908 : vector<16xi32>
      %min3A_938 = arith.minsi %min3A_936, %max3A_908 : vector<16xi32>
      %max3A_939 = arith.maxsi %min3A_938, %max3A_910 : vector<16xi32>
      %min3A_940 = arith.minsi %min3A_938, %max3A_910 : vector<16xi32>
      %max3A_941 = arith.maxsi %min3A_940, %max3A_912 : vector<16xi32>
      %min3A_942 = arith.minsi %min3A_940, %max3A_912 : vector<16xi32>
      %max3A_943 = arith.maxsi %min3A_942, %max3A_914 : vector<16xi32>
      %min3A_944 = arith.minsi %min3A_942, %max3A_914 : vector<16xi32>
      %max3A_945 = arith.maxsi %min3A_944, %max3A_916 : vector<16xi32>
      %get3A_946 = arith.constant 32 : i32
      %get3A_947 = arith.index_cast %get3A_946 : i32 to index
      %get3A_948 = arith.index_cast %mul3A_25 : i32 to index
      %get3A_949 = tpu.vector_load %arg5[%get3A_947, %get3A_948] {strides = array<i32>} : memref<64x1024xf32, #tpu.memory_space<vmem>>, vector<16xf32>,
      %bitcast3A_950 = vector.bitcast %get3A_949 : vector<16xf32> to vector<16xi32>
      %shift_right_arithmetic3A_951 = arith.constant 31 : i32
      %shift_right_arithmetic3A_952 = vector.broadcast %shift_right_arithmetic3A_951 : i32 to vector<16xi32>
      %shift_right_arithmetic3A_953 = arith.shrsi %bitcast3A_950, %shift_right_arithmetic3A_952 : vector<16xi32>
      %and3A_954 = arith.constant 2147483647 : i32
      %and3A_955 = vector.broadcast %and3A_954 : i32 to vector<16xi32>
      %and3A_956 = arith.andi %shift_right_arithmetic3A_953, %and3A_955 : vector<16xi32>
      %xor3A_957 = arith.xori %bitcast3A_950, %and3A_956 : vector<16xi32>
      %and3A_958 = arith.constant -64 : i32
      %and3A_959 = vector.broadcast %and3A_958 : i32 to vector<16xi32>
      %and3A_960 = arith.andi %xor3A_957, %and3A_959 : vector<16xi32>
      %or3A_961 = arith.constant 31 : i32
      %or3A_962 = vector.broadcast %or3A_961 : i32 to vector<16xi32>
      %or3A_963 = arith.ori %and3A_960, %or3A_962 : vector<16xi32>
      %max3A_964 = arith.maxsi %or3A_963, %max3A_935 : vector<16xi32>
      %min3A_965 = arith.minsi %or3A_963, %max3A_935 : vector<16xi32>
      %max3A_966 = arith.maxsi %min3A_965, %max3A_937 : vector<16xi32>
      %min3A_967 = arith.minsi %min3A_965, %max3A_937 : vector<16xi32>
      %max3A_968 = arith.maxsi %min3A_967, %max3A_939 : vector<16xi32>
      %min3A_969 = arith.minsi %min3A_967, %max3A_939 : vector<16xi32>
      %max3A_970 = arith.maxsi %min3A_969, %max3A_941 : vector<16xi32>
      %min3A_971 = arith.minsi %min3A_969, %max3A_941 : vector<16xi32>
      %max3A_972 = arith.maxsi %min3A_971, %max3A_943 : vector<16xi32>
      %min3A_973 = arith.minsi %min3A_971, %max3A_943 : vector<16xi32>
      %max3A_974 = arith.maxsi %min3A_973, %max3A_945 : vector<16xi32>
      %get3A_975 = arith.constant 33 : i32
      %get3A_976 = arith.index_cast %get3A_975 : i32 to index
      %get3A_977 = arith.index_cast %mul3A_25 : i32 to index
      %get3A_978 = tpu.vector_load %arg5[%get3A_976, %get3A_977] {strides = array<i32>} : memref<64x1024xf32, #tpu.memory_space<vmem>>, vector<16xf32>,
      %bitcast3A_979 = vector.bitcast %get3A_978 : vector<16xf32> to vector<16xi32>
      %shift_right_arithmetic3A_980 = arith.constant 31 : i32
      %shift_right_arithmetic3A_981 = vector.broadcast %shift_right_arithmetic3A_980 : i32 to vector<16xi32>
      %shift_right_arithmetic3A_982 = arith.shrsi %bitcast3A_979, %shift_right_arithmetic3A_981 : vector<16xi32>
      %and3A_983 = arith.constant 2147483647 : i32
      %and3A_984 = vector.broadcast %and3A_983 : i32 to vector<16xi32>
      %and3A_985 = arith.andi %shift_right_arithmetic3A_982, %and3A_984 : vector<16xi32>
      %xor3A_986 = arith.xori %bitcast3A_979, %and3A_985 : vector<16xi32>
      %and3A_987 = arith.constant -64 : i32
      %and3A_988 = vector.broadcast %and3A_987 : i32 to vector<16xi32>
      %and3A_989 = arith.andi %xor3A_986, %and3A_988 : vector<16xi32>
      %or3A_990 = arith.constant 30 : i32
      %or3A_991 = vector.broadcast %or3A_990 : i32 to vector<16xi32>
      %or3A_992 = arith.ori %and3A_989, %or3A_991 : vector<16xi32>
      %max3A_993 = arith.maxsi %or3A_992, %max3A_964 : vector<16xi32>
      %min3A_994 = arith.minsi %or3A_992, %max3A_964 : vector<16xi32>
      %max3A_995 = arith.maxsi %min3A_994, %max3A_966 : vector<16xi32>
      %min3A_996 = arith.minsi %min3A_994, %max3A_966 : vector<16xi32>
      %max3A_997 = arith.maxsi %min3A_996, %max3A_968 : vector<16xi32>
      %min3A_998 = arith.minsi %min3A_996, %max3A_968 : vector<16xi32>
      %max3A_999 = arith.maxsi %min3A_998, %max3A_970 : vector<16xi32>
      %min3A_1000 = arith.minsi %min3A_998, %max3A_970 : vector<16xi32>
      %max3A_1001 = arith.maxsi %min3A_1000, %max3A_972 : vector<16xi32>
      %min3A_1002 = arith.minsi %min3A_1000, %max3A_972 : vector<16xi32>
      %max3A_1003 = arith.maxsi %min3A_1002, %max3A_974 : vector<16xi32>
      %get3A_1004 = arith.constant 34 : i32
      %get3A_1005 = arith.index_cast %get3A_1004 : i32 to index
      %get3A_1006 = arith.index_cast %mul3A_25 : i32 to index
      %get3A_1007 = tpu.vector_load %arg5[%get3A_1005, %get3A_1006] {strides = array<i32>} : memref<64x1024xf32, #tpu.memory_space<vmem>>, vector<16xf32>,
      %bitcast3A_1008 = vector.bitcast %get3A_1007 : vector<16xf32> to vector<16xi32>
      %shift_right_arithmetic3A_1009 = arith.constant 31 : i32
      %shift_right_arithmetic3A_1010 = vector.broadcast %shift_right_arithmetic3A_1009 : i32 to vector<16xi32>
      %shift_right_arithmetic3A_1011 = arith.shrsi %bitcast3A_1008, %shift_right_arithmetic3A_1010 : vector<16xi32>
      %and3A_1012 = arith.constant 2147483647 : i32
      %and3A_1013 = vector.broadcast %and3A_1012 : i32 to vector<16xi32>
      %and3A_1014 = arith.andi %shift_right_arithmetic3A_1011, %and3A_1013 : vector<16xi32>
      %xor3A_1015 = arith.xori %bitcast3A_1008, %and3A_1014 : vector<16xi32>
      %and3A_1016 = arith.constant -64 : i32
      %and3A_1017 = vector.broadcast %and3A_1016 : i32 to vector<16xi32>
      %and3A_1018 = arith.andi %xor3A_1015, %and3A_1017 : vector<16xi32>
      %or3A_1019 = arith.constant 29 : i32
      %or3A_1020 = vector.broadcast %or3A_1019 : i32 to vector<16xi32>
      %or3A_1021 = arith.ori %and3A_1018, %or3A_1020 : vector<16xi32>
      %max3A_1022 = arith.maxsi %or3A_1021, %max3A_993 : vector<16xi32>
      %min3A_1023 = arith.minsi %or3A_1021, %max3A_993 : vector<16xi32>
      %max3A_1024 = arith.maxsi %min3A_1023, %max3A_995 : vector<16xi32>
      %min3A_1025 = arith.minsi %min3A_1023, %max3A_995 : vector<16xi32>
      %max3A_1026 = arith.maxsi %min3A_1025, %max3A_997 : vector<16xi32>
      %min3A_1027 = arith.minsi %min3A_1025, %max3A_997 : vector<16xi32>
      %max3A_1028 = arith.maxsi %min3A_1027, %max3A_999 : vector<16xi32>
      %min3A_1029 = arith.minsi %min3A_1027, %max3A_999 : vector<16xi32>
      %max3A_1030 = arith.maxsi %min3A_1029, %max3A_1001 : vector<16xi32>
      %min3A_1031 = arith.minsi %min3A_1029, %max3A_1001 : vector<16xi32>
      %max3A_1032 = arith.maxsi %min3A_1031, %max3A_1003 : vector<16xi32>
      %get3A_1033 = arith.constant 35 : i32
      %get3A_1034 = arith.index_cast %get3A_1033 : i32 to index
      %get3A_1035 = arith.index_cast %mul3A_25 : i32 to index
      %get3A_1036 = tpu.vector_load %arg5[%get3A_1034, %get3A_1035] {strides = array<i32>} : memref<64x1024xf32, #tpu.memory_space<vmem>>, vector<16xf32>,
      %bitcast3A_1037 = vector.bitcast %get3A_1036 : vector<16xf32> to vector<16xi32>
      %shift_right_arithmetic3A_1038 = arith.constant 31 : i32
      %shift_right_arithmetic3A_1039 = vector.broadcast %shift_right_arithmetic3A_1038 : i32 to vector<16xi32>
      %shift_right_arithmetic3A_1040 = arith.shrsi %bitcast3A_1037, %shift_right_arithmetic3A_1039 : vector<16xi32>
      %and3A_1041 = arith.constant 2147483647 : i32
      %and3A_1042 = vector.broadcast %and3A_1041 : i32 to vector<16xi32>
      %and3A_1043 = arith.andi %shift_right_arithmetic3A_1040, %and3A_1042 : vector<16xi32>
      %xor3A_1044 = arith.xori %bitcast3A_1037, %and3A_1043 : vector<16xi32>
      %and3A_1045 = arith.constant -64 : i32
      %and3A_1046 = vector.broadcast %and3A_1045 : i32 to vector<16xi32>
      %and3A_1047 = arith.andi %xor3A_1044, %and3A_1046 : vector<16xi32>
      %or3A_1048 = arith.constant 28 : i32
      %or3A_1049 = vector.broadcast %or3A_1048 : i32 to vector<16xi32>
      %or3A_1050 = arith.ori %and3A_1047, %or3A_1049 : vector<16xi32>
      %max3A_1051 = arith.maxsi %or3A_1050, %max3A_1022 : vector<16xi32>
      %min3A_1052 = arith.minsi %or3A_1050, %max3A_1022 : vector<16xi32>
      %max3A_1053 = arith.maxsi %min3A_1052, %max3A_1024 : vector<16xi32>
      %min3A_1054 = arith.minsi %min3A_1052, %max3A_1024 : vector<16xi32>
      %max3A_1055 = arith.maxsi %min3A_1054, %max3A_1026 : vector<16xi32>
      %min3A_1056 = arith.minsi %min3A_1054, %max3A_1026 : vector<16xi32>
      %max3A_1057 = arith.maxsi %min3A_1056, %max3A_1028 : vector<16xi32>
      %min3A_1058 = arith.minsi %min3A_1056, %max3A_1028 : vector<16xi32>
      %max3A_1059 = arith.maxsi %min3A_1058, %max3A_1030 : vector<16xi32>
      %min3A_1060 = arith.minsi %min3A_1058, %max3A_1030 : vector<16xi32>
      %max3A_1061 = arith.maxsi %min3A_1060, %max3A_1032 : vector<16xi32>
      %get3A_1062 = arith.constant 36 : i32
      %get3A_1063 = arith.index_cast %get3A_1062 : i32 to index
      %get3A_1064 = arith.index_cast %mul3A_25 : i32 to index
      %get3A_1065 = tpu.vector_load %arg5[%get3A_1063, %get3A_1064] {strides = array<i32>} : memref<64x1024xf32, #tpu.memory_space<vmem>>, vector<16xf32>,
      %bitcast3A_1066 = vector.bitcast %get3A_1065 : vector<16xf32> to vector<16xi32>
      %shift_right_arithmetic3A_1067 = arith.constant 31 : i32
      %shift_right_arithmetic3A_1068 = vector.broadcast %shift_right_arithmetic3A_1067 : i32 to vector<16xi32>
      %shift_right_arithmetic3A_1069 = arith.shrsi %bitcast3A_1066, %shift_right_arithmetic3A_1068 : vector<16xi32>
      %and3A_1070 = arith.constant 2147483647 : i32
      %and3A_1071 = vector.broadcast %and3A_1070 : i32 to vector<16xi32>
      %and3A_1072 = arith.andi %shift_right_arithmetic3A_1069, %and3A_1071 : vector<16xi32>
      %xor3A_1073 = arith.xori %bitcast3A_1066, %and3A_1072 : vector<16xi32>
      %and3A_1074 = arith.constant -64 : i32
      %and3A_1075 = vector.broadcast %and3A_1074 : i32 to vector<16xi32>
      %and3A_1076 = arith.andi %xor3A_1073, %and3A_1075 : vector<16xi32>
      %or3A_1077 = arith.constant 27 : i32
      %or3A_1078 = vector.broadcast %or3A_1077 : i32 to vector<16xi32>
      %or3A_1079 = arith.ori %and3A_1076, %or3A_1078 : vector<16xi32>
      %max3A_1080 = arith.maxsi %or3A_1079, %max3A_1051 : vector<16xi32>
      %min3A_1081 = arith.minsi %or3A_1079, %max3A_1051 : vector<16xi32>
      %max3A_1082 = arith.maxsi %min3A_1081, %max3A_1053 : vector<16xi32>
      %min3A_1083 = arith.minsi %min3A_1081, %max3A_1053 : vector<16xi32>
      %max3A_1084 = arith.maxsi %min3A_1083, %max3A_1055 : vector<16xi32>
      %min3A_1085 = arith.minsi %min3A_1083, %max3A_1055 : vector<16xi32>
      %max3A_1086 = arith.maxsi %min3A_1085, %max3A_1057 : vector<16xi32>
      %min3A_1087 = arith.minsi %min3A_1085, %max3A_1057 : vector<16xi32>
      %max3A_1088 = arith.maxsi %min3A_1087, %max3A_1059 : vector<16xi32>
      %min3A_1089 = arith.minsi %min3A_1087, %max3A_1059 : vector<16xi32>
      %max3A_1090 = arith.maxsi %min3A_1089, %max3A_1061 : vector<16xi32>
      %get3A_1091 = arith.constant 37 : i32
      %get3A_1092 = arith.index_cast %get3A_1091 : i32 to index
      %get3A_1093 = arith.index_cast %mul3A_25 : i32 to index
      %get3A_1094 = tpu.vector_load %arg5[%get3A_1092, %get3A_1093] {strides = array<i32>} : memref<64x1024xf32, #tpu.memory_space<vmem>>, vector<16xf32>,
      %bitcast3A_1095 = vector.bitcast %get3A_1094 : vector<16xf32> to vector<16xi32>
      %shift_right_arithmetic3A_1096 = arith.constant 31 : i32
      %shift_right_arithmetic3A_1097 = vector.broadcast %shift_right_arithmetic3A_1096 : i32 to vector<16xi32>
      %shift_right_arithmetic3A_1098 = arith.shrsi %bitcast3A_1095, %shift_right_arithmetic3A_1097 : vector<16xi32>
      %and3A_1099 = arith.constant 2147483647 : i32
      %and3A_1100 = vector.broadcast %and3A_1099 : i32 to vector<16xi32>
      %and3A_1101 = arith.andi %shift_right_arithmetic3A_1098, %and3A_1100 : vector<16xi32>
      %xor3A_1102 = arith.xori %bitcast3A_1095, %and3A_1101 : vector<16xi32>
      %and3A_1103 = arith.constant -64 : i32
      %and3A_1104 = vector.broadcast %and3A_1103 : i32 to vector<16xi32>
      %and3A_1105 = arith.andi %xor3A_1102, %and3A_1104 : vector<16xi32>
      %or3A_1106 = arith.constant 26 : i32
      %or3A_1107 = vector.broadcast %or3A_1106 : i32 to vector<16xi32>
      %or3A_1108 = arith.ori %and3A_1105, %or3A_1107 : vector<16xi32>
      %max3A_1109 = arith.maxsi %or3A_1108, %max3A_1080 : vector<16xi32>
      %min3A_1110 = arith.minsi %or3A_1108, %max3A_1080 : vector<16xi32>
      %max3A_1111 = arith.maxsi %min3A_1110, %max3A_1082 : vector<16xi32>
      %min3A_1112 = arith.minsi %min3A_1110, %max3A_1082 : vector<16xi32>
      %max3A_1113 = arith.maxsi %min3A_1112, %max3A_1084 : vector<16xi32>
      %min3A_1114 = arith.minsi %min3A_1112, %max3A_1084 : vector<16xi32>
      %max3A_1115 = arith.maxsi %min3A_1114, %max3A_1086 : vector<16xi32>
      %min3A_1116 = arith.minsi %min3A_1114, %max3A_1086 : vector<16xi32>
      %max3A_1117 = arith.maxsi %min3A_1116, %max3A_1088 : vector<16xi32>
      %min3A_1118 = arith.minsi %min3A_1116, %max3A_1088 : vector<16xi32>
      %max3A_1119 = arith.maxsi %min3A_1118, %max3A_1090 : vector<16xi32>
      %get3A_1120 = arith.constant 38 : i32
      %get3A_1121 = arith.index_cast %get3A_1120 : i32 to index
      %get3A_1122 = arith.index_cast %mul3A_25 : i32 to index
      %get3A_1123 = tpu.vector_load %arg5[%get3A_1121, %get3A_1122] {strides = array<i32>} : memref<64x1024xf32, #tpu.memory_space<vmem>>, vector<16xf32>,
      %bitcast3A_1124 = vector.bitcast %get3A_1123 : vector<16xf32> to vector<16xi32>
      %shift_right_arithmetic3A_1125 = arith.constant 31 : i32
      %shift_right_arithmetic3A_1126 = vector.broadcast %shift_right_arithmetic3A_1125 : i32 to vector<16xi32>
      %shift_right_arithmetic3A_1127 = arith.shrsi %bitcast3A_1124, %shift_right_arithmetic3A_1126 : vector<16xi32>
      %and3A_1128 = arith.constant 2147483647 : i32
      %and3A_1129 = vector.broadcast %and3A_1128 : i32 to vector<16xi32>
      %and3A_1130 = arith.andi %shift_right_arithmetic3A_1127, %and3A_1129 : vector<16xi32>
      %xor3A_1131 = arith.xori %bitcast3A_1124, %and3A_1130 : vector<16xi32>
      %and3A_1132 = arith.constant -64 : i32
      %and3A_1133 = vector.broadcast %and3A_1132 : i32 to vector<16xi32>
      %and3A_1134 = arith.andi %xor3A_1131, %and3A_1133 : vector<16xi32>
      %or3A_1135 = arith.constant 25 : i32
      %or3A_1136 = vector.broadcast %or3A_1135 : i32 to vector<16xi32>
      %or3A_1137 = arith.ori %and3A_1134, %or3A_1136 : vector<16xi32>
      %max3A_1138 = arith.maxsi %or3A_1137, %max3A_1109 : vector<16xi32>
      %min3A_1139 = arith.minsi %or3A_1137, %max3A_1109 : vector<16xi32>
      %max3A_1140 = arith.maxsi %min3A_1139, %max3A_1111 : vector<16xi32>
      %min3A_1141 = arith.minsi %min3A_1139, %max3A_1111 : vector<16xi32>
      %max3A_1142 = arith.maxsi %min3A_1141, %max3A_1113 : vector<16xi32>
      %min3A_1143 = arith.minsi %min3A_1141, %max3A_1113 : vector<16xi32>
      %max3A_1144 = arith.maxsi %min3A_1143, %max3A_1115 : vector<16xi32>
      %min3A_1145 = arith.minsi %min3A_1143, %max3A_1115 : vector<16xi32>
      %max3A_1146 = arith.maxsi %min3A_1145, %max3A_1117 : vector<16xi32>
      %min3A_1147 = arith.minsi %min3A_1145, %max3A_1117 : vector<16xi32>
      %max3A_1148 = arith.maxsi %min3A_1147, %max3A_1119 : vector<16xi32>
      %get3A_1149 = arith.constant 39 : i32
      %get3A_1150 = arith.index_cast %get3A_1149 : i32 to index
      %get3A_1151 = arith.index_cast %mul3A_25 : i32 to index
      %get3A_1152 = tpu.vector_load %arg5[%get3A_1150, %get3A_1151] {strides = array<i32>} : memref<64x1024xf32, #tpu.memory_space<vmem>>, vector<16xf32>,
      %bitcast3A_1153 = vector.bitcast %get3A_1152 : vector<16xf32> to vector<16xi32>
      %shift_right_arithmetic3A_1154 = arith.constant 31 : i32
      %shift_right_arithmetic3A_1155 = vector.broadcast %shift_right_arithmetic3A_1154 : i32 to vector<16xi32>
      %shift_right_arithmetic3A_1156 = arith.shrsi %bitcast3A_1153, %shift_right_arithmetic3A_1155 : vector<16xi32>
      %and3A_1157 = arith.constant 2147483647 : i32
      %and3A_1158 = vector.broadcast %and3A_1157 : i32 to vector<16xi32>
      %and3A_1159 = arith.andi %shift_right_arithmetic3A_1156, %and3A_1158 : vector<16xi32>
      %xor3A_1160 = arith.xori %bitcast3A_1153, %and3A_1159 : vector<16xi32>
      %and3A_1161 = arith.constant -64 : i32
      %and3A_1162 = vector.broadcast %and3A_1161 : i32 to vector<16xi32>
      %and3A_1163 = arith.andi %xor3A_1160, %and3A_1162 : vector<16xi32>
      %or3A_1164 = arith.constant 24 : i32
      %or3A_1165 = vector.broadcast %or3A_1164 : i32 to vector<16xi32>
      %or3A_1166 = arith.ori %and3A_1163, %or3A_1165 : vector<16xi32>
      %max3A_1167 = arith.maxsi %or3A_1166, %max3A_1138 : vector<16xi32>
      %min3A_1168 = arith.minsi %or3A_1166, %max3A_1138 : vector<16xi32>
      %max3A_1169 = arith.maxsi %min3A_1168, %max3A_1140 : vector<16xi32>
      %min3A_1170 = arith.minsi %min3A_1168, %max3A_1140 : vector<16xi32>
      %max3A_1171 = arith.maxsi %min3A_1170, %max3A_1142 : vector<16xi32>
      %min3A_1172 = arith.minsi %min3A_1170, %max3A_1142 : vector<16xi32>
      %max3A_1173 = arith.maxsi %min3A_1172, %max3A_1144 : vector<16xi32>
      %min3A_1174 = arith.minsi %min3A_1172, %max3A_1144 : vector<16xi32>
      %max3A_1175 = arith.maxsi %min3A_1174, %max3A_1146 : vector<16xi32>
      %min3A_1176 = arith.minsi %min3A_1174, %max3A_1146 : vector<16xi32>
      %max3A_1177 = arith.maxsi %min3A_1176, %max3A_1148 : vector<16xi32>
      %get3A_1178 = arith.constant 40 : i32
      %get3A_1179 = arith.index_cast %get3A_1178 : i32 to index
      %get3A_1180 = arith.index_cast %mul3A_25 : i32 to index
      %get3A_1181 = tpu.vector_load %arg5[%get3A_1179, %get3A_1180] {strides = array<i32>} : memref<64x1024xf32, #tpu.memory_space<vmem>>, vector<16xf32>,
      %bitcast3A_1182 = vector.bitcast %get3A_1181 : vector<16xf32> to vector<16xi32>
      %shift_right_arithmetic3A_1183 = arith.constant 31 : i32
      %shift_right_arithmetic3A_1184 = vector.broadcast %shift_right_arithmetic3A_1183 : i32 to vector<16xi32>
      %shift_right_arithmetic3A_1185 = arith.shrsi %bitcast3A_1182, %shift_right_arithmetic3A_1184 : vector<16xi32>
      %and3A_1186 = arith.constant 2147483647 : i32
      %and3A_1187 = vector.broadcast %and3A_1186 : i32 to vector<16xi32>
      %and3A_1188 = arith.andi %shift_right_arithmetic3A_1185, %and3A_1187 : vector<16xi32>
      %xor3A_1189 = arith.xori %bitcast3A_1182, %and3A_1188 : vector<16xi32>
      %and3A_1190 = arith.constant -64 : i32
      %and3A_1191 = vector.broadcast %and3A_1190 : i32 to vector<16xi32>
      %and3A_1192 = arith.andi %xor3A_1189, %and3A_1191 : vector<16xi32>
      %or3A_1193 = arith.constant 23 : i32
      %or3A_1194 = vector.broadcast %or3A_1193 : i32 to vector<16xi32>
      %or3A_1195 = arith.ori %and3A_1192, %or3A_1194 : vector<16xi32>
      %max3A_1196 = arith.maxsi %or3A_1195, %max3A_1167 : vector<16xi32>
      %min3A_1197 = arith.minsi %or3A_1195, %max3A_1167 : vector<16xi32>
      %max3A_1198 = arith.maxsi %min3A_1197, %max3A_1169 : vector<16xi32>
      %min3A_1199 = arith.minsi %min3A_1197, %max3A_1169 : vector<16xi32>
      %max3A_1200 = arith.maxsi %min3A_1199, %max3A_1171 : vector<16xi32>
      %min3A_1201 = arith.minsi %min3A_1199, %max3A_1171 : vector<16xi32>
      %max3A_1202 = arith.maxsi %min3A_1201, %max3A_1173 : vector<16xi32>
      %min3A_1203 = arith.minsi %min3A_1201, %max3A_1173 : vector<16xi32>
      %max3A_1204 = arith.maxsi %min3A_1203, %max3A_1175 : vector<16xi32>
      %min3A_1205 = arith.minsi %min3A_1203, %max3A_1175 : vector<16xi32>
      %max3A_1206 = arith.maxsi %min3A_1205, %max3A_1177 : vector<16xi32>
      %get3A_1207 = arith.constant 41 : i32
      %get3A_1208 = arith.index_cast %get3A_1207 : i32 to index
      %get3A_1209 = arith.index_cast %mul3A_25 : i32 to index
      %get3A_1210 = tpu.vector_load %arg5[%get3A_1208, %get3A_1209] {strides = array<i32>} : memref<64x1024xf32, #tpu.memory_space<vmem>>, vector<16xf32>,
      %bitcast3A_1211 = vector.bitcast %get3A_1210 : vector<16xf32> to vector<16xi32>
      %shift_right_arithmetic3A_1212 = arith.constant 31 : i32
      %shift_right_arithmetic3A_1213 = vector.broadcast %shift_right_arithmetic3A_1212 : i32 to vector<16xi32>
      %shift_right_arithmetic3A_1214 = arith.shrsi %bitcast3A_1211, %shift_right_arithmetic3A_1213 : vector<16xi32>
      %and3A_1215 = arith.constant 2147483647 : i32
      %and3A_1216 = vector.broadcast %and3A_1215 : i32 to vector<16xi32>
      %and3A_1217 = arith.andi %shift_right_arithmetic3A_1214, %and3A_1216 : vector<16xi32>
      %xor3A_1218 = arith.xori %bitcast3A_1211, %and3A_1217 : vector<16xi32>
      %and3A_1219 = arith.constant -64 : i32
      %and3A_1220 = vector.broadcast %and3A_1219 : i32 to vector<16xi32>
      %and3A_1221 = arith.andi %xor3A_1218, %and3A_1220 : vector<16xi32>
      %or3A_1222 = arith.constant 22 : i32
      %or3A_1223 = vector.broadcast %or3A_1222 : i32 to vector<16xi32>
      %or3A_1224 = arith.ori %and3A_1221, %or3A_1223 : vector<16xi32>
      %max3A_1225 = arith.maxsi %or3A_1224, %max3A_1196 : vector<16xi32>
      %min3A_1226 = arith.minsi %or3A_1224, %max3A_1196 : vector<16xi32>
      %max3A_1227 = arith.maxsi %min3A_1226, %max3A_1198 : vector<16xi32>
      %min3A_1228 = arith.minsi %min3A_1226, %max3A_1198 : vector<16xi32>
      %max3A_1229 = arith.maxsi %min3A_1228, %max3A_1200 : vector<16xi32>
      %min3A_1230 = arith.minsi %min3A_1228, %max3A_1200 : vector<16xi32>
      %max3A_1231 = arith.maxsi %min3A_1230, %max3A_1202 : vector<16xi32>
      %min3A_1232 = arith.minsi %min3A_1230, %max3A_1202 : vector<16xi32>
      %max3A_1233 = arith.maxsi %min3A_1232, %max3A_1204 : vector<16xi32>
      %min3A_1234 = arith.minsi %min3A_1232, %max3A_1204 : vector<16xi32>
      %max3A_1235 = arith.maxsi %min3A_1234, %max3A_1206 : vector<16xi32>
      %get3A_1236 = arith.constant 42 : i32
      %get3A_1237 = arith.index_cast %get3A_1236 : i32 to index
      %get3A_1238 = arith.index_cast %mul3A_25 : i32 to index
      %get3A_1239 = tpu.vector_load %arg5[%get3A_1237, %get3A_1238] {strides = array<i32>} : memref<64x1024xf32, #tpu.memory_space<vmem>>, vector<16xf32>,
      %bitcast3A_1240 = vector.bitcast %get3A_1239 : vector<16xf32> to vector<16xi32>
      %shift_right_arithmetic3A_1241 = arith.constant 31 : i32
      %shift_right_arithmetic3A_1242 = vector.broadcast %shift_right_arithmetic3A_1241 : i32 to vector<16xi32>
      %shift_right_arithmetic3A_1243 = arith.shrsi %bitcast3A_1240, %shift_right_arithmetic3A_1242 : vector<16xi32>
      %and3A_1244 = arith.constant 2147483647 : i32
      %and3A_1245 = vector.broadcast %and3A_1244 : i32 to vector<16xi32>
      %and3A_1246 = arith.andi %shift_right_arithmetic3A_1243, %and3A_1245 : vector<16xi32>
      %xor3A_1247 = arith.xori %bitcast3A_1240, %and3A_1246 : vector<16xi32>
      %and3A_1248 = arith.constant -64 : i32
      %and3A_1249 = vector.broadcast %and3A_1248 : i32 to vector<16xi32>
      %and3A_1250 = arith.andi %xor3A_1247, %and3A_1249 : vector<16xi32>
      %or3A_1251 = arith.constant 21 : i32
      %or3A_1252 = vector.broadcast %or3A_1251 : i32 to vector<16xi32>
      %or3A_1253 = arith.ori %and3A_1250, %or3A_1252 : vector<16xi32>
      %max3A_1254 = arith.maxsi %or3A_1253, %max3A_1225 : vector<16xi32>
      %min3A_1255 = arith.minsi %or3A_1253, %max3A_1225 : vector<16xi32>
      %max3A_1256 = arith.maxsi %min3A_1255, %max3A_1227 : vector<16xi32>
      %min3A_1257 = arith.minsi %min3A_1255, %max3A_1227 : vector<16xi32>
      %max3A_1258 = arith.maxsi %min3A_1257, %max3A_1229 : vector<16xi32>
      %min3A_1259 = arith.minsi %min3A_1257, %max3A_1229 : vector<16xi32>
      %max3A_1260 = arith.maxsi %min3A_1259, %max3A_1231 : vector<16xi32>
      %min3A_1261 = arith.minsi %min3A_1259, %max3A_1231 : vector<16xi32>
      %max3A_1262 = arith.maxsi %min3A_1261, %max3A_1233 : vector<16xi32>
      %min3A_1263 = arith.minsi %min3A_1261, %max3A_1233 : vector<16xi32>
      %max3A_1264 = arith.maxsi %min3A_1263, %max3A_1235 : vector<16xi32>
      %get3A_1265 = arith.constant 43 : i32
      %get3A_1266 = arith.index_cast %get3A_1265 : i32 to index
      %get3A_1267 = arith.index_cast %mul3A_25 : i32 to index
      %get3A_1268 = tpu.vector_load %arg5[%get3A_1266, %get3A_1267] {strides = array<i32>} : memref<64x1024xf32, #tpu.memory_space<vmem>>, vector<16xf32>,
      %bitcast3A_1269 = vector.bitcast %get3A_1268 : vector<16xf32> to vector<16xi32>
      %shift_right_arithmetic3A_1270 = arith.constant 31 : i32
      %shift_right_arithmetic3A_1271 = vector.broadcast %shift_right_arithmetic3A_1270 : i32 to vector<16xi32>
      %shift_right_arithmetic3A_1272 = arith.shrsi %bitcast3A_1269, %shift_right_arithmetic3A_1271 : vector<16xi32>
      %and3A_1273 = arith.constant 2147483647 : i32
      %and3A_1274 = vector.broadcast %and3A_1273 : i32 to vector<16xi32>
      %and3A_1275 = arith.andi %shift_right_arithmetic3A_1272, %and3A_1274 : vector<16xi32>
      %xor3A_1276 = arith.xori %bitcast3A_1269, %and3A_1275 : vector<16xi32>
      %and3A_1277 = arith.constant -64 : i32
      %and3A_1278 = vector.broadcast %and3A_1277 : i32 to vector<16xi32>
      %and3A_1279 = arith.andi %xor3A_1276, %and3A_1278 : vector<16xi32>
      %or3A_1280 = arith.constant 20 : i32
      %or3A_1281 = vector.broadcast %or3A_1280 : i32 to vector<16xi32>
      %or3A_1282 = arith.ori %and3A_1279, %or3A_1281 : vector<16xi32>
      %max3A_1283 = arith.maxsi %or3A_1282, %max3A_1254 : vector<16xi32>
      %min3A_1284 = arith.minsi %or3A_1282, %max3A_1254 : vector<16xi32>
      %max3A_1285 = arith.maxsi %min3A_1284, %max3A_1256 : vector<16xi32>
      %min3A_1286 = arith.minsi %min3A_1284, %max3A_1256 : vector<16xi32>
      %max3A_1287 = arith.maxsi %min3A_1286, %max3A_1258 : vector<16xi32>
      %min3A_1288 = arith.minsi %min3A_1286, %max3A_1258 : vector<16xi32>
      %max3A_1289 = arith.maxsi %min3A_1288, %max3A_1260 : vector<16xi32>
      %min3A_1290 = arith.minsi %min3A_1288, %max3A_1260 : vector<16xi32>
      %max3A_1291 = arith.maxsi %min3A_1290, %max3A_1262 : vector<16xi32>
      %min3A_1292 = arith.minsi %min3A_1290, %max3A_1262 : vector<16xi32>
      %max3A_1293 = arith.maxsi %min3A_1292, %max3A_1264 : vector<16xi32>
      %get3A_1294 = arith.constant 44 : i32
      %get3A_1295 = arith.index_cast %get3A_1294 : i32 to index
      %get3A_1296 = arith.index_cast %mul3A_25 : i32 to index
      %get3A_1297 = tpu.vector_load %arg5[%get3A_1295, %get3A_1296] {strides = array<i32>} : memref<64x1024xf32, #tpu.memory_space<vmem>>, vector<16xf32>,
      %bitcast3A_1298 = vector.bitcast %get3A_1297 : vector<16xf32> to vector<16xi32>
      %shift_right_arithmetic3A_1299 = arith.constant 31 : i32
      %shift_right_arithmetic3A_1300 = vector.broadcast %shift_right_arithmetic3A_1299 : i32 to vector<16xi32>
      %shift_right_arithmetic3A_1301 = arith.shrsi %bitcast3A_1298, %shift_right_arithmetic3A_1300 : vector<16xi32>
      %and3A_1302 = arith.constant 2147483647 : i32
      %and3A_1303 = vector.broadcast %and3A_1302 : i32 to vector<16xi32>
      %and3A_1304 = arith.andi %shift_right_arithmetic3A_1301, %and3A_1303 : vector<16xi32>
      %xor3A_1305 = arith.xori %bitcast3A_1298, %and3A_1304 : vector<16xi32>
      %and3A_1306 = arith.constant -64 : i32
      %and3A_1307 = vector.broadcast %and3A_1306 : i32 to vector<16xi32>
      %and3A_1308 = arith.andi %xor3A_1305, %and3A_1307 : vector<16xi32>
      %or3A_1309 = arith.constant 19 : i32
      %or3A_1310 = vector.broadcast %or3A_1309 : i32 to vector<16xi32>
      %or3A_1311 = arith.ori %and3A_1308, %or3A_1310 : vector<16xi32>
      %max3A_1312 = arith.maxsi %or3A_1311, %max3A_1283 : vector<16xi32>
      %min3A_1313 = arith.minsi %or3A_1311, %max3A_1283 : vector<16xi32>
      %max3A_1314 = arith.maxsi %min3A_1313, %max3A_1285 : vector<16xi32>
      %min3A_1315 = arith.minsi %min3A_1313, %max3A_1285 : vector<16xi32>
      %max3A_1316 = arith.maxsi %min3A_1315, %max3A_1287 : vector<16xi32>
      %min3A_1317 = arith.minsi %min3A_1315, %max3A_1287 : vector<16xi32>
      %max3A_1318 = arith.maxsi %min3A_1317, %max3A_1289 : vector<16xi32>
      %min3A_1319 = arith.minsi %min3A_1317, %max3A_1289 : vector<16xi32>
      %max3A_1320 = arith.maxsi %min3A_1319, %max3A_1291 : vector<16xi32>
      %min3A_1321 = arith.minsi %min3A_1319, %max3A_1291 : vector<16xi32>
      %max3A_1322 = arith.maxsi %min3A_1321, %max3A_1293 : vector<16xi32>
      %get3A_1323 = arith.constant 45 : i32
      %get3A_1324 = arith.index_cast %get3A_1323 : i32 to index
      %get3A_1325 = arith.index_cast %mul3A_25 : i32 to index
      %get3A_1326 = tpu.vector_load %arg5[%get3A_1324, %get3A_1325] {strides = array<i32>} : memref<64x1024xf32, #tpu.memory_space<vmem>>, vector<16xf32>,
      %bitcast3A_1327 = vector.bitcast %get3A_1326 : vector<16xf32> to vector<16xi32>
      %shift_right_arithmetic3A_1328 = arith.constant 31 : i32
      %shift_right_arithmetic3A_1329 = vector.broadcast %shift_right_arithmetic3A_1328 : i32 to vector<16xi32>
      %shift_right_arithmetic3A_1330 = arith.shrsi %bitcast3A_1327, %shift_right_arithmetic3A_1329 : vector<16xi32>
      %and3A_1331 = arith.constant 2147483647 : i32
      %and3A_1332 = vector.broadcast %and3A_1331 : i32 to vector<16xi32>
      %and3A_1333 = arith.andi %shift_right_arithmetic3A_1330, %and3A_1332 : vector<16xi32>
      %xor3A_1334 = arith.xori %bitcast3A_1327, %and3A_1333 : vector<16xi32>
      %and3A_1335 = arith.constant -64 : i32
      %and3A_1336 = vector.broadcast %and3A_1335 : i32 to vector<16xi32>
      %and3A_1337 = arith.andi %xor3A_1334, %and3A_1336 : vector<16xi32>
      %or3A_1338 = arith.constant 18 : i32
      %or3A_1339 = vector.broadcast %or3A_1338 : i32 to vector<16xi32>
      %or3A_1340 = arith.ori %and3A_1337, %or3A_1339 : vector<16xi32>
      %max3A_1341 = arith.maxsi %or3A_1340, %max3A_1312 : vector<16xi32>
      %min3A_1342 = arith.minsi %or3A_1340, %max3A_1312 : vector<16xi32>
      %max3A_1343 = arith.maxsi %min3A_1342, %max3A_1314 : vector<16xi32>
      %min3A_1344 = arith.minsi %min3A_1342, %max3A_1314 : vector<16xi32>
      %max3A_1345 = arith.maxsi %min3A_1344, %max3A_1316 : vector<16xi32>
      %min3A_1346 = arith.minsi %min3A_1344, %max3A_1316 : vector<16xi32>
      %max3A_1347 = arith.maxsi %min3A_1346, %max3A_1318 : vector<16xi32>
      %min3A_1348 = arith.minsi %min3A_1346, %max3A_1318 : vector<16xi32>
      %max3A_1349 = arith.maxsi %min3A_1348, %max3A_1320 : vector<16xi32>
      %min3A_1350 = arith.minsi %min3A_1348, %max3A_1320 : vector<16xi32>
      %max3A_1351 = arith.maxsi %min3A_1350, %max3A_1322 : vector<16xi32>
      %get3A_1352 = arith.constant 46 : i32
      %get3A_1353 = arith.index_cast %get3A_1352 : i32 to index
      %get3A_1354 = arith.index_cast %mul3A_25 : i32 to index
      %get3A_1355 = tpu.vector_load %arg5[%get3A_1353, %get3A_1354] {strides = array<i32>} : memref<64x1024xf32, #tpu.memory_space<vmem>>, vector<16xf32>,
      %bitcast3A_1356 = vector.bitcast %get3A_1355 : vector<16xf32> to vector<16xi32>
      %shift_right_arithmetic3A_1357 = arith.constant 31 : i32
      %shift_right_arithmetic3A_1358 = vector.broadcast %shift_right_arithmetic3A_1357 : i32 to vector<16xi32>
      %shift_right_arithmetic3A_1359 = arith.shrsi %bitcast3A_1356, %shift_right_arithmetic3A_1358 : vector<16xi32>
      %and3A_1360 = arith.constant 2147483647 : i32
      %and3A_1361 = vector.broadcast %and3A_1360 : i32 to vector<16xi32>
      %and3A_1362 = arith.andi %shift_right_arithmetic3A_1359, %and3A_1361 : vector<16xi32>
      %xor3A_1363 = arith.xori %bitcast3A_1356, %and3A_1362 : vector<16xi32>
      %and3A_1364 = arith.constant -64 : i32
      %and3A_1365 = vector.broadcast %and3A_1364 : i32 to vector<16xi32>
      %and3A_1366 = arith.andi %xor3A_1363, %and3A_1365 : vector<16xi32>
      %or3A_1367 = arith.constant 17 : i32
      %or3A_1368 = vector.broadcast %or3A_1367 : i32 to vector<16xi32>
      %or3A_1369 = arith.ori %and3A_1366, %or3A_1368 : vector<16xi32>
      %max3A_1370 = arith.maxsi %or3A_1369, %max3A_1341 : vector<16xi32>
      %min3A_1371 = arith.minsi %or3A_1369, %max3A_1341 : vector<16xi32>
      %max3A_1372 = arith.maxsi %min3A_1371, %max3A_1343 : vector<16xi32>
      %min3A_1373 = arith.minsi %min3A_1371, %max3A_1343 : vector<16xi32>
      %max3A_1374 = arith.maxsi %min3A_1373, %max3A_1345 : vector<16xi32>
      %min3A_1375 = arith.minsi %min3A_1373, %max3A_1345 : vector<16xi32>
      %max3A_1376 = arith.maxsi %min3A_1375, %max3A_1347 : vector<16xi32>
      %min3A_1377 = arith.minsi %min3A_1375, %max3A_1347 : vector<16xi32>
      %max3A_1378 = arith.maxsi %min3A_1377, %max3A_1349 : vector<16xi32>
      %min3A_1379 = arith.minsi %min3A_1377, %max3A_1349 : vector<16xi32>
      %max3A_1380 = arith.maxsi %min3A_1379, %max3A_1351 : vector<16xi32>
      %get3A_1381 = arith.constant 47 : i32
      %get3A_1382 = arith.index_cast %get3A_1381 : i32 to index
      %get3A_1383 = arith.index_cast %mul3A_25 : i32 to index
      %get3A_1384 = tpu.vector_load %arg5[%get3A_1382, %get3A_1383] {strides = array<i32>} : memref<64x1024xf32, #tpu.memory_space<vmem>>, vector<16xf32>,
      %bitcast3A_1385 = vector.bitcast %get3A_1384 : vector<16xf32> to vector<16xi32>
      %shift_right_arithmetic3A_1386 = arith.constant 31 : i32
      %shift_right_arithmetic3A_1387 = vector.broadcast %shift_right_arithmetic3A_1386 : i32 to vector<16xi32>
      %shift_right_arithmetic3A_1388 = arith.shrsi %bitcast3A_1385, %shift_right_arithmetic3A_1387 : vector<16xi32>
      %and3A_1389 = arith.constant 2147483647 : i32
      %and3A_1390 = vector.broadcast %and3A_1389 : i32 to vector<16xi32>
      %and3A_1391 = arith.andi %shift_right_arithmetic3A_1388, %and3A_1390 : vector<16xi32>
      %xor3A_1392 = arith.xori %bitcast3A_1385, %and3A_1391 : vector<16xi32>
      %and3A_1393 = arith.constant -64 : i32
      %and3A_1394 = vector.broadcast %and3A_1393 : i32 to vector<16xi32>
      %and3A_1395 = arith.andi %xor3A_1392, %and3A_1394 : vector<16xi32>
      %or3A_1396 = arith.constant 16 : i32
      %or3A_1397 = vector.broadcast %or3A_1396 : i32 to vector<16xi32>
      %or3A_1398 = arith.ori %and3A_1395, %or3A_1397 : vector<16xi32>
      %max3A_1399 = arith.maxsi %or3A_1398, %max3A_1370 : vector<16xi32>
      %min3A_1400 = arith.minsi %or3A_1398, %max3A_1370 : vector<16xi32>
      %max3A_1401 = arith.maxsi %min3A_1400, %max3A_1372 : vector<16xi32>
      %min3A_1402 = arith.minsi %min3A_1400, %max3A_1372 : vector<16xi32>
      %max3A_1403 = arith.maxsi %min3A_1402, %max3A_1374 : vector<16xi32>
      %min3A_1404 = arith.minsi %min3A_1402, %max3A_1374 : vector<16xi32>
      %max3A_1405 = arith.maxsi %min3A_1404, %max3A_1376 : vector<16xi32>
      %min3A_1406 = arith.minsi %min3A_1404, %max3A_1376 : vector<16xi32>
      %max3A_1407 = arith.maxsi %min3A_1406, %max3A_1378 : vector<16xi32>
      %min3A_1408 = arith.minsi %min3A_1406, %max3A_1378 : vector<16xi32>
      %max3A_1409 = arith.maxsi %min3A_1408, %max3A_1380 : vector<16xi32>
      %get3A_1410 = arith.constant 48 : i32
      %get3A_1411 = arith.index_cast %get3A_1410 : i32 to index
      %get3A_1412 = arith.index_cast %mul3A_25 : i32 to index
      %get3A_1413 = tpu.vector_load %arg5[%get3A_1411, %get3A_1412] {strides = array<i32>} : memref<64x1024xf32, #tpu.memory_space<vmem>>, vector<16xf32>,
      %bitcast3A_1414 = vector.bitcast %get3A_1413 : vector<16xf32> to vector<16xi32>
      %shift_right_arithmetic3A_1415 = arith.constant 31 : i32
      %shift_right_arithmetic3A_1416 = vector.broadcast %shift_right_arithmetic3A_1415 : i32 to vector<16xi32>
      %shift_right_arithmetic3A_1417 = arith.shrsi %bitcast3A_1414, %shift_right_arithmetic3A_1416 : vector<16xi32>
      %and3A_1418 = arith.constant 2147483647 : i32
      %and3A_1419 = vector.broadcast %and3A_1418 : i32 to vector<16xi32>
      %and3A_1420 = arith.andi %shift_right_arithmetic3A_1417, %and3A_1419 : vector<16xi32>
      %xor3A_1421 = arith.xori %bitcast3A_1414, %and3A_1420 : vector<16xi32>
      %and3A_1422 = arith.constant -64 : i32
      %and3A_1423 = vector.broadcast %and3A_1422 : i32 to vector<16xi32>
      %and3A_1424 = arith.andi %xor3A_1421, %and3A_1423 : vector<16xi32>
      %or3A_1425 = arith.constant 15 : i32
      %or3A_1426 = vector.broadcast %or3A_1425 : i32 to vector<16xi32>
      %or3A_1427 = arith.ori %and3A_1424, %or3A_1426 : vector<16xi32>
      %max3A_1428 = arith.maxsi %or3A_1427, %max3A_1399 : vector<16xi32>
      %min3A_1429 = arith.minsi %or3A_1427, %max3A_1399 : vector<16xi32>
      %max3A_1430 = arith.maxsi %min3A_1429, %max3A_1401 : vector<16xi32>
      %min3A_1431 = arith.minsi %min3A_1429, %max3A_1401 : vector<16xi32>
      %max3A_1432 = arith.maxsi %min3A_1431, %max3A_1403 : vector<16xi32>
      %min3A_1433 = arith.minsi %min3A_1431, %max3A_1403 : vector<16xi32>
      %max3A_1434 = arith.maxsi %min3A_1433, %max3A_1405 : vector<16xi32>
      %min3A_1435 = arith.minsi %min3A_1433, %max3A_1405 : vector<16xi32>
      %max3A_1436 = arith.maxsi %min3A_1435, %max3A_1407 : vector<16xi32>
      %min3A_1437 = arith.minsi %min3A_1435, %max3A_1407 : vector<16xi32>
      %max3A_1438 = arith.maxsi %min3A_1437, %max3A_1409 : vector<16xi32>
      %get3A_1439 = arith.constant 49 : i32
      %get3A_1440 = arith.index_cast %get3A_1439 : i32 to index
      %get3A_1441 = arith.index_cast %mul3A_25 : i32 to index
      %get3A_1442 = tpu.vector_load %arg5[%get3A_1440, %get3A_1441] {strides = array<i32>} : memref<64x1024xf32, #tpu.memory_space<vmem>>, vector<16xf32>,
      %bitcast3A_1443 = vector.bitcast %get3A_1442 : vector<16xf32> to vector<16xi32>
      %shift_right_arithmetic3A_1444 = arith.constant 31 : i32
      %shift_right_arithmetic3A_1445 = vector.broadcast %shift_right_arithmetic3A_1444 : i32 to vector<16xi32>
      %shift_right_arithmetic3A_1446 = arith.shrsi %bitcast3A_1443, %shift_right_arithmetic3A_1445 : vector<16xi32>
      %and3A_1447 = arith.constant 2147483647 : i32
      %and3A_1448 = vector.broadcast %and3A_1447 : i32 to vector<16xi32>
      %and3A_1449 = arith.andi %shift_right_arithmetic3A_1446, %and3A_1448 : vector<16xi32>
      %xor3A_1450 = arith.xori %bitcast3A_1443, %and3A_1449 : vector<16xi32>
      %and3A_1451 = arith.constant -64 : i32
      %and3A_1452 = vector.broadcast %and3A_1451 : i32 to vector<16xi32>
      %and3A_1453 = arith.andi %xor3A_1450, %and3A_1452 : vector<16xi32>
      %or3A_1454 = arith.constant 14 : i32
      %or3A_1455 = vector.broadcast %or3A_1454 : i32 to vector<16xi32>
      %or3A_1456 = arith.ori %and3A_1453, %or3A_1455 : vector<16xi32>
      %max3A_1457 = arith.maxsi %or3A_1456, %max3A_1428 : vector<16xi32>
      %min3A_1458 = arith.minsi %or3A_1456, %max3A_1428 : vector<16xi32>
      %max3A_1459 = arith.maxsi %min3A_1458, %max3A_1430 : vector<16xi32>
      %min3A_1460 = arith.minsi %min3A_1458, %max3A_1430 : vector<16xi32>
      %max3A_1461 = arith.maxsi %min3A_1460, %max3A_1432 : vector<16xi32>
      %min3A_1462 = arith.minsi %min3A_1460, %max3A_1432 : vector<16xi32>
      %max3A_1463 = arith.maxsi %min3A_1462, %max3A_1434 : vector<16xi32>
      %min3A_1464 = arith.minsi %min3A_1462, %max3A_1434 : vector<16xi32>
      %max3A_1465 = arith.maxsi %min3A_1464, %max3A_1436 : vector<16xi32>
      %min3A_1466 = arith.minsi %min3A_1464, %max3A_1436 : vector<16xi32>
      %max3A_1467 = arith.maxsi %min3A_1466, %max3A_1438 : vector<16xi32>
      %get3A_1468 = arith.constant 50 : i32
      %get3A_1469 = arith.index_cast %get3A_1468 : i32 to index
      %get3A_1470 = arith.index_cast %mul3A_25 : i32 to index
      %get3A_1471 = tpu.vector_load %arg5[%get3A_1469, %get3A_1470] {strides = array<i32>} : memref<64x1024xf32, #tpu.memory_space<vmem>>, vector<16xf32>,
      %bitcast3A_1472 = vector.bitcast %get3A_1471 : vector<16xf32> to vector<16xi32>
      %shift_right_arithmetic3A_1473 = arith.constant 31 : i32
      %shift_right_arithmetic3A_1474 = vector.broadcast %shift_right_arithmetic3A_1473 : i32 to vector<16xi32>
      %shift_right_arithmetic3A_1475 = arith.shrsi %bitcast3A_1472, %shift_right_arithmetic3A_1474 : vector<16xi32>
      %and3A_1476 = arith.constant 2147483647 : i32
      %and3A_1477 = vector.broadcast %and3A_1476 : i32 to vector<16xi32>
      %and3A_1478 = arith.andi %shift_right_arithmetic3A_1475, %and3A_1477 : vector<16xi32>
      %xor3A_1479 = arith.xori %bitcast3A_1472, %and3A_1478 : vector<16xi32>
      %and3A_1480 = arith.constant -64 : i32
      %and3A_1481 = vector.broadcast %and3A_1480 : i32 to vector<16xi32>
      %and3A_1482 = arith.andi %xor3A_1479, %and3A_1481 : vector<16xi32>
      %or3A_1483 = arith.constant 13 : i32
      %or3A_1484 = vector.broadcast %or3A_1483 : i32 to vector<16xi32>
      %or3A_1485 = arith.ori %and3A_1482, %or3A_1484 : vector<16xi32>
      %max3A_1486 = arith.maxsi %or3A_1485, %max3A_1457 : vector<16xi32>
      %min3A_1487 = arith.minsi %or3A_1485, %max3A_1457 : vector<16xi32>
      %max3A_1488 = arith.maxsi %min3A_1487, %max3A_1459 : vector<16xi32>
      %min3A_1489 = arith.minsi %min3A_1487, %max3A_1459 : vector<16xi32>
      %max3A_1490 = arith.maxsi %min3A_1489, %max3A_1461 : vector<16xi32>
      %min3A_1491 = arith.minsi %min3A_1489, %max3A_1461 : vector<16xi32>
      %max3A_1492 = arith.maxsi %min3A_1491, %max3A_1463 : vector<16xi32>
      %min3A_1493 = arith.minsi %min3A_1491, %max3A_1463 : vector<16xi32>
      %max3A_1494 = arith.maxsi %min3A_1493, %max3A_1465 : vector<16xi32>
      %min3A_1495 = arith.minsi %min3A_1493, %max3A_1465 : vector<16xi32>
      %max3A_1496 = arith.maxsi %min3A_1495, %max3A_1467 : vector<16xi32>
      %get3A_1497 = arith.constant 51 : i32
      %get3A_1498 = arith.index_cast %get3A_1497 : i32 to index
      %get3A_1499 = arith.index_cast %mul3A_25 : i32 to index
      %get3A_1500 = tpu.vector_load %arg5[%get3A_1498, %get3A_1499] {strides = array<i32>} : memref<64x1024xf32, #tpu.memory_space<vmem>>, vector<16xf32>,
      %bitcast3A_1501 = vector.bitcast %get3A_1500 : vector<16xf32> to vector<16xi32>
      %shift_right_arithmetic3A_1502 = arith.constant 31 : i32
      %shift_right_arithmetic3A_1503 = vector.broadcast %shift_right_arithmetic3A_1502 : i32 to vector<16xi32>
      %shift_right_arithmetic3A_1504 = arith.shrsi %bitcast3A_1501, %shift_right_arithmetic3A_1503 : vector<16xi32>
      %and3A_1505 = arith.constant 2147483647 : i32
      %and3A_1506 = vector.broadcast %and3A_1505 : i32 to vector<16xi32>
      %and3A_1507 = arith.andi %shift_right_arithmetic3A_1504, %and3A_1506 : vector<16xi32>
      %xor3A_1508 = arith.xori %bitcast3A_1501, %and3A_1507 : vector<16xi32>
      %and3A_1509 = arith.constant -64 : i32
      %and3A_1510 = vector.broadcast %and3A_1509 : i32 to vector<16xi32>
      %and3A_1511 = arith.andi %xor3A_1508, %and3A_1510 : vector<16xi32>
      %or3A_1512 = arith.constant 12 : i32
      %or3A_1513 = vector.broadcast %or3A_1512 : i32 to vector<16xi32>
      %or3A_1514 = arith.ori %and3A_1511, %or3A_1513 : vector<16xi32>
      %max3A_1515 = arith.maxsi %or3A_1514, %max3A_1486 : vector<16xi32>
      %min3A_1516 = arith.minsi %or3A_1514, %max3A_1486 : vector<16xi32>
      %max3A_1517 = arith.maxsi %min3A_1516, %max3A_1488 : vector<16xi32>
      %min3A_1518 = arith.minsi %min3A_1516, %max3A_1488 : vector<16xi32>
      %max3A_1519 = arith.maxsi %min3A_1518, %max3A_1490 : vector<16xi32>
      %min3A_1520 = arith.minsi %min3A_1518, %max3A_1490 : vector<16xi32>
      %max3A_1521 = arith.maxsi %min3A_1520, %max3A_1492 : vector<16xi32>
      %min3A_1522 = arith.minsi %min3A_1520, %max3A_1492 : vector<16xi32>
      %max3A_1523 = arith.maxsi %min3A_1522, %max3A_1494 : vector<16xi32>
      %min3A_1524 = arith.minsi %min3A_1522, %max3A_1494 : vector<16xi32>
      %max3A_1525 = arith.maxsi %min3A_1524, %max3A_1496 : vector<16xi32>
      %get3A_1526 = arith.constant 52 : i32
      %get3A_1527 = arith.index_cast %get3A_1526 : i32 to index
      %get3A_1528 = arith.index_cast %mul3A_25 : i32 to index
      %get3A_1529 = tpu.vector_load %arg5[%get3A_1527, %get3A_1528] {strides = array<i32>} : memref<64x1024xf32, #tpu.memory_space<vmem>>, vector<16xf32>,
      %bitcast3A_1530 = vector.bitcast %get3A_1529 : vector<16xf32> to vector<16xi32>
      %shift_right_arithmetic3A_1531 = arith.constant 31 : i32
      %shift_right_arithmetic3A_1532 = vector.broadcast %shift_right_arithmetic3A_1531 : i32 to vector<16xi32>
      %shift_right_arithmetic3A_1533 = arith.shrsi %bitcast3A_1530, %shift_right_arithmetic3A_1532 : vector<16xi32>
      %and3A_1534 = arith.constant 2147483647 : i32
      %and3A_1535 = vector.broadcast %and3A_1534 : i32 to vector<16xi32>
      %and3A_1536 = arith.andi %shift_right_arithmetic3A_1533, %and3A_1535 : vector<16xi32>
      %xor3A_1537 = arith.xori %bitcast3A_1530, %and3A_1536 : vector<16xi32>
      %and3A_1538 = arith.constant -64 : i32
      %and3A_1539 = vector.broadcast %and3A_1538 : i32 to vector<16xi32>
      %and3A_1540 = arith.andi %xor3A_1537, %and3A_1539 : vector<16xi32>
      %or3A_1541 = arith.constant 11 : i32
      %or3A_1542 = vector.broadcast %or3A_1541 : i32 to vector<16xi32>
      %or3A_1543 = arith.ori %and3A_1540, %or3A_1542 : vector<16xi32>
      %max3A_1544 = arith.maxsi %or3A_1543, %max3A_1515 : vector<16xi32>
      %min3A_1545 = arith.minsi %or3A_1543, %max3A_1515 : vector<16xi32>
      %max3A_1546 = arith.maxsi %min3A_1545, %max3A_1517 : vector<16xi32>
      %min3A_1547 = arith.minsi %min3A_1545, %max3A_1517 : vector<16xi32>
      %max3A_1548 = arith.maxsi %min3A_1547, %max3A_1519 : vector<16xi32>
      %min3A_1549 = arith.minsi %min3A_1547, %max3A_1519 : vector<16xi32>
      %max3A_1550 = arith.maxsi %min3A_1549, %max3A_1521 : vector<16xi32>
      %min3A_1551 = arith.minsi %min3A_1549, %max3A_1521 : vector<16xi32>
      %max3A_1552 = arith.maxsi %min3A_1551, %max3A_1523 : vector<16xi32>
      %min3A_1553 = arith.minsi %min3A_1551, %max3A_1523 : vector<16xi32>
      %max3A_1554 = arith.maxsi %min3A_1553, %max3A_1525 : vector<16xi32>
      %get3A_1555 = arith.constant 53 : i32
      %get3A_1556 = arith.index_cast %get3A_1555 : i32 to index
      %get3A_1557 = arith.index_cast %mul3A_25 : i32 to index
      %get3A_1558 = tpu.vector_load %arg5[%get3A_1556, %get3A_1557] {strides = array<i32>} : memref<64x1024xf32, #tpu.memory_space<vmem>>, vector<16xf32>,
      %bitcast3A_1559 = vector.bitcast %get3A_1558 : vector<16xf32> to vector<16xi32>
      %shift_right_arithmetic3A_1560 = arith.constant 31 : i32
      %shift_right_arithmetic3A_1561 = vector.broadcast %shift_right_arithmetic3A_1560 : i32 to vector<16xi32>
      %shift_right_arithmetic3A_1562 = arith.shrsi %bitcast3A_1559, %shift_right_arithmetic3A_1561 : vector<16xi32>
      %and3A_1563 = arith.constant 2147483647 : i32
      %and3A_1564 = vector.broadcast %and3A_1563 : i32 to vector<16xi32>
      %and3A_1565 = arith.andi %shift_right_arithmetic3A_1562, %and3A_1564 : vector<16xi32>
      %xor3A_1566 = arith.xori %bitcast3A_1559, %and3A_1565 : vector<16xi32>
      %and3A_1567 = arith.constant -64 : i32
      %and3A_1568 = vector.broadcast %and3A_1567 : i32 to vector<16xi32>
      %and3A_1569 = arith.andi %xor3A_1566, %and3A_1568 : vector<16xi32>
      %or3A_1570 = arith.constant 10 : i32
      %or3A_1571 = vector.broadcast %or3A_1570 : i32 to vector<16xi32>
      %or3A_1572 = arith.ori %and3A_1569, %or3A_1571 : vector<16xi32>
      %max3A_1573 = arith.maxsi %or3A_1572, %max3A_1544 : vector<16xi32>
      %min3A_1574 = arith.minsi %or3A_1572, %max3A_1544 : vector<16xi32>
      %max3A_1575 = arith.maxsi %min3A_1574, %max3A_1546 : vector<16xi32>
      %min3A_1576 = arith.minsi %min3A_1574, %max3A_1546 : vector<16xi32>
      %max3A_1577 = arith.maxsi %min3A_1576, %max3A_1548 : vector<16xi32>
      %min3A_1578 = arith.minsi %min3A_1576, %max3A_1548 : vector<16xi32>
      %max3A_1579 = arith.maxsi %min3A_1578, %max3A_1550 : vector<16xi32>
      %min3A_1580 = arith.minsi %min3A_1578, %max3A_1550 : vector<16xi32>
      %max3A_1581 = arith.maxsi %min3A_1580, %max3A_1552 : vector<16xi32>
      %min3A_1582 = arith.minsi %min3A_1580, %max3A_1552 : vector<16xi32>
      %max3A_1583 = arith.maxsi %min3A_1582, %max3A_1554 : vector<16xi32>
      %get3A_1584 = arith.constant 54 : i32
      %get3A_1585 = arith.index_cast %get3A_1584 : i32 to index
      %get3A_1586 = arith.index_cast %mul3A_25 : i32 to index
      %get3A_1587 = tpu.vector_load %arg5[%get3A_1585, %get3A_1586] {strides = array<i32>} : memref<64x1024xf32, #tpu.memory_space<vmem>>, vector<16xf32>,
      %bitcast3A_1588 = vector.bitcast %get3A_1587 : vector<16xf32> to vector<16xi32>
      %shift_right_arithmetic3A_1589 = arith.constant 31 : i32
      %shift_right_arithmetic3A_1590 = vector.broadcast %shift_right_arithmetic3A_1589 : i32 to vector<16xi32>
      %shift_right_arithmetic3A_1591 = arith.shrsi %bitcast3A_1588, %shift_right_arithmetic3A_1590 : vector<16xi32>
      %and3A_1592 = arith.constant 2147483647 : i32
      %and3A_1593 = vector.broadcast %and3A_1592 : i32 to vector<16xi32>
      %and3A_1594 = arith.andi %shift_right_arithmetic3A_1591, %and3A_1593 : vector<16xi32>
      %xor3A_1595 = arith.xori %bitcast3A_1588, %and3A_1594 : vector<16xi32>
      %and3A_1596 = arith.constant -64 : i32
      %and3A_1597 = vector.broadcast %and3A_1596 : i32 to vector<16xi32>
      %and3A_1598 = arith.andi %xor3A_1595, %and3A_1597 : vector<16xi32>
      %or3A_1599 = arith.constant 9 : i32
      %or3A_1600 = vector.broadcast %or3A_1599 : i32 to vector<16xi32>
      %or3A_1601 = arith.ori %and3A_1598, %or3A_1600 : vector<16xi32>
      %max3A_1602 = arith.maxsi %or3A_1601, %max3A_1573 : vector<16xi32>
      %min3A_1603 = arith.minsi %or3A_1601, %max3A_1573 : vector<16xi32>
      %max3A_1604 = arith.maxsi %min3A_1603, %max3A_1575 : vector<16xi32>
      %min3A_1605 = arith.minsi %min3A_1603, %max3A_1575 : vector<16xi32>
      %max3A_1606 = arith.maxsi %min3A_1605, %max3A_1577 : vector<16xi32>
      %min3A_1607 = arith.minsi %min3A_1605, %max3A_1577 : vector<16xi32>
      %max3A_1608 = arith.maxsi %min3A_1607, %max3A_1579 : vector<16xi32>
      %min3A_1609 = arith.minsi %min3A_1607, %max3A_1579 : vector<16xi32>
      %max3A_1610 = arith.maxsi %min3A_1609, %max3A_1581 : vector<16xi32>
      %min3A_1611 = arith.minsi %min3A_1609, %max3A_1581 : vector<16xi32>
      %max3A_1612 = arith.maxsi %min3A_1611, %max3A_1583 : vector<16xi32>
      %get3A_1613 = arith.constant 55 : i32
      %get3A_1614 = arith.index_cast %get3A_1613 : i32 to index
      %get3A_1615 = arith.index_cast %mul3A_25 : i32 to index
      %get3A_1616 = tpu.vector_load %arg5[%get3A_1614, %get3A_1615] {strides = array<i32>} : memref<64x1024xf32, #tpu.memory_space<vmem>>, vector<16xf32>,
      %bitcast3A_1617 = vector.bitcast %get3A_1616 : vector<16xf32> to vector<16xi32>
      %shift_right_arithmetic3A_1618 = arith.constant 31 : i32
      %shift_right_arithmetic3A_1619 = vector.broadcast %shift_right_arithmetic3A_1618 : i32 to vector<16xi32>
      %shift_right_arithmetic3A_1620 = arith.shrsi %bitcast3A_1617, %shift_right_arithmetic3A_1619 : vector<16xi32>
      %and3A_1621 = arith.constant 2147483647 : i32
      %and3A_1622 = vector.broadcast %and3A_1621 : i32 to vector<16xi32>
      %and3A_1623 = arith.andi %shift_right_arithmetic3A_1620, %and3A_1622 : vector<16xi32>
      %xor3A_1624 = arith.xori %bitcast3A_1617, %and3A_1623 : vector<16xi32>
      %and3A_1625 = arith.constant -64 : i32
      %and3A_1626 = vector.broadcast %and3A_1625 : i32 to vector<16xi32>
      %and3A_1627 = arith.andi %xor3A_1624, %and3A_1626 : vector<16xi32>
      %or3A_1628 = arith.constant 8 : i32
      %or3A_1629 = vector.broadcast %or3A_1628 : i32 to vector<16xi32>
      %or3A_1630 = arith.ori %and3A_1627, %or3A_1629 : vector<16xi32>
      %max3A_1631 = arith.maxsi %or3A_1630, %max3A_1602 : vector<16xi32>
      %min3A_1632 = arith.minsi %or3A_1630, %max3A_1602 : vector<16xi32>
      %max3A_1633 = arith.maxsi %min3A_1632, %max3A_1604 : vector<16xi32>
      %min3A_1634 = arith.minsi %min3A_1632, %max3A_1604 : vector<16xi32>
      %max3A_1635 = arith.maxsi %min3A_1634, %max3A_1606 : vector<16xi32>
      %min3A_1636 = arith.minsi %min3A_1634, %max3A_1606 : vector<16xi32>
      %max3A_1637 = arith.maxsi %min3A_1636, %max3A_1608 : vector<16xi32>
      %min3A_1638 = arith.minsi %min3A_1636, %max3A_1608 : vector<16xi32>
      %max3A_1639 = arith.maxsi %min3A_1638, %max3A_1610 : vector<16xi32>
      %min3A_1640 = arith.minsi %min3A_1638, %max3A_1610 : vector<16xi32>
      %max3A_1641 = arith.maxsi %min3A_1640, %max3A_1612 : vector<16xi32>
      %get3A_1642 = arith.constant 56 : i32
      %get3A_1643 = arith.index_cast %get3A_1642 : i32 to index
      %get3A_1644 = arith.index_cast %mul3A_25 : i32 to index
      %get3A_1645 = tpu.vector_load %arg5[%get3A_1643, %get3A_1644] {strides = array<i32>} : memref<64x1024xf32, #tpu.memory_space<vmem>>, vector<16xf32>,
      %bitcast3A_1646 = vector.bitcast %get3A_1645 : vector<16xf32> to vector<16xi32>
      %shift_right_arithmetic3A_1647 = arith.constant 31 : i32
      %shift_right_arithmetic3A_1648 = vector.broadcast %shift_right_arithmetic3A_1647 : i32 to vector<16xi32>
      %shift_right_arithmetic3A_1649 = arith.shrsi %bitcast3A_1646, %shift_right_arithmetic3A_1648 : vector<16xi32>
      %and3A_1650 = arith.constant 2147483647 : i32
      %and3A_1651 = vector.broadcast %and3A_1650 : i32 to vector<16xi32>
      %and3A_1652 = arith.andi %shift_right_arithmetic3A_1649, %and3A_1651 : vector<16xi32>
      %xor3A_1653 = arith.xori %bitcast3A_1646, %and3A_1652 : vector<16xi32>
      %and3A_1654 = arith.constant -64 : i32
      %and3A_1655 = vector.broadcast %and3A_1654 : i32 to vector<16xi32>
      %and3A_1656 = arith.andi %xor3A_1653, %and3A_1655 : vector<16xi32>
      %or3A_1657 = arith.constant 7 : i32
      %or3A_1658 = vector.broadcast %or3A_1657 : i32 to vector<16xi32>
      %or3A_1659 = arith.ori %and3A_1656, %or3A_1658 : vector<16xi32>
      %max3A_1660 = arith.maxsi %or3A_1659, %max3A_1631 : vector<16xi32>
      %min3A_1661 = arith.minsi %or3A_1659, %max3A_1631 : vector<16xi32>
      %max3A_1662 = arith.maxsi %min3A_1661, %max3A_1633 : vector<16xi32>
      %min3A_1663 = arith.minsi %min3A_1661, %max3A_1633 : vector<16xi32>
      %max3A_1664 = arith.maxsi %min3A_1663, %max3A_1635 : vector<16xi32>
      %min3A_1665 = arith.minsi %min3A_1663, %max3A_1635 : vector<16xi32>
      %max3A_1666 = arith.maxsi %min3A_1665, %max3A_1637 : vector<16xi32>
      %min3A_1667 = arith.minsi %min3A_1665, %max3A_1637 : vector<16xi32>
      %max3A_1668 = arith.maxsi %min3A_1667, %max3A_1639 : vector<16xi32>
      %min3A_1669 = arith.minsi %min3A_1667, %max3A_1639 : vector<16xi32>
      %max3A_1670 = arith.maxsi %min3A_1669, %max3A_1641 : vector<16xi32>
      %get3A_1671 = arith.constant 57 : i32
      %get3A_1672 = arith.index_cast %get3A_1671 : i32 to index
      %get3A_1673 = arith.index_cast %mul3A_25 : i32 to index
      %get3A_1674 = tpu.vector_load %arg5[%get3A_1672, %get3A_1673] {strides = array<i32>} : memref<64x1024xf32, #tpu.memory_space<vmem>>, vector<16xf32>,
      %bitcast3A_1675 = vector.bitcast %get3A_1674 : vector<16xf32> to vector<16xi32>
      %shift_right_arithmetic3A_1676 = arith.constant 31 : i32
      %shift_right_arithmetic3A_1677 = vector.broadcast %shift_right_arithmetic3A_1676 : i32 to vector<16xi32>
      %shift_right_arithmetic3A_1678 = arith.shrsi %bitcast3A_1675, %shift_right_arithmetic3A_1677 : vector<16xi32>
      %and3A_1679 = arith.constant 2147483647 : i32
      %and3A_1680 = vector.broadcast %and3A_1679 : i32 to vector<16xi32>
      %and3A_1681 = arith.andi %shift_right_arithmetic3A_1678, %and3A_1680 : vector<16xi32>
      %xor3A_1682 = arith.xori %bitcast3A_1675, %and3A_1681 : vector<16xi32>
      %and3A_1683 = arith.constant -64 : i32
      %and3A_1684 = vector.broadcast %and3A_1683 : i32 to vector<16xi32>
      %and3A_1685 = arith.andi %xor3A_1682, %and3A_1684 : vector<16xi32>
      %or3A_1686 = arith.constant 6 : i32
      %or3A_1687 = vector.broadcast %or3A_1686 : i32 to vector<16xi32>
      %or3A_1688 = arith.ori %and3A_1685, %or3A_1687 : vector<16xi32>
      %max3A_1689 = arith.maxsi %or3A_1688, %max3A_1660 : vector<16xi32>
      %min3A_1690 = arith.minsi %or3A_1688, %max3A_1660 : vector<16xi32>
      %max3A_1691 = arith.maxsi %min3A_1690, %max3A_1662 : vector<16xi32>
      %min3A_1692 = arith.minsi %min3A_1690, %max3A_1662 : vector<16xi32>
      %max3A_1693 = arith.maxsi %min3A_1692, %max3A_1664 : vector<16xi32>
      %min3A_1694 = arith.minsi %min3A_1692, %max3A_1664 : vector<16xi32>
      %max3A_1695 = arith.maxsi %min3A_1694, %max3A_1666 : vector<16xi32>
      %min3A_1696 = arith.minsi %min3A_1694, %max3A_1666 : vector<16xi32>
      %max3A_1697 = arith.maxsi %min3A_1696, %max3A_1668 : vector<16xi32>
      %min3A_1698 = arith.minsi %min3A_1696, %max3A_1668 : vector<16xi32>
      %max3A_1699 = arith.maxsi %min3A_1698, %max3A_1670 : vector<16xi32>
      %get3A_1700 = arith.constant 58 : i32
      %get3A_1701 = arith.index_cast %get3A_1700 : i32 to index
      %get3A_1702 = arith.index_cast %mul3A_25 : i32 to index
      %get3A_1703 = tpu.vector_load %arg5[%get3A_1701, %get3A_1702] {strides = array<i32>} : memref<64x1024xf32, #tpu.memory_space<vmem>>, vector<16xf32>,
      %bitcast3A_1704 = vector.bitcast %get3A_1703 : vector<16xf32> to vector<16xi32>
      %shift_right_arithmetic3A_1705 = arith.constant 31 : i32
      %shift_right_arithmetic3A_1706 = vector.broadcast %shift_right_arithmetic3A_1705 : i32 to vector<16xi32>
      %shift_right_arithmetic3A_1707 = arith.shrsi %bitcast3A_1704, %shift_right_arithmetic3A_1706 : vector<16xi32>
      %and3A_1708 = arith.constant 2147483647 : i32
      %and3A_1709 = vector.broadcast %and3A_1708 : i32 to vector<16xi32>
      %and3A_1710 = arith.andi %shift_right_arithmetic3A_1707, %and3A_1709 : vector<16xi32>
      %xor3A_1711 = arith.xori %bitcast3A_1704, %and3A_1710 : vector<16xi32>
      %and3A_1712 = arith.constant -64 : i32
      %and3A_1713 = vector.broadcast %and3A_1712 : i32 to vector<16xi32>
      %and3A_1714 = arith.andi %xor3A_1711, %and3A_1713 : vector<16xi32>
      %or3A_1715 = arith.constant 5 : i32
      %or3A_1716 = vector.broadcast %or3A_1715 : i32 to vector<16xi32>
      %or3A_1717 = arith.ori %and3A_1714, %or3A_1716 : vector<16xi32>
      %max3A_1718 = arith.maxsi %or3A_1717, %max3A_1689 : vector<16xi32>
      %min3A_1719 = arith.minsi %or3A_1717, %max3A_1689 : vector<16xi32>
      %max3A_1720 = arith.maxsi %min3A_1719, %max3A_1691 : vector<16xi32>
      %min3A_1721 = arith.minsi %min3A_1719, %max3A_1691 : vector<16xi32>
      %max3A_1722 = arith.maxsi %min3A_1721, %max3A_1693 : vector<16xi32>
      %min3A_1723 = arith.minsi %min3A_1721, %max3A_1693 : vector<16xi32>
      %max3A_1724 = arith.maxsi %min3A_1723, %max3A_1695 : vector<16xi32>
      %min3A_1725 = arith.minsi %min3A_1723, %max3A_1695 : vector<16xi32>
      %max3A_1726 = arith.maxsi %min3A_1725, %max3A_1697 : vector<16xi32>
      %min3A_1727 = arith.minsi %min3A_1725, %max3A_1697 : vector<16xi32>
      %max3A_1728 = arith.maxsi %min3A_1727, %max3A_1699 : vector<16xi32>
      %get3A_1729 = arith.constant 59 : i32
      %get3A_1730 = arith.index_cast %get3A_1729 : i32 to index
      %get3A_1731 = arith.index_cast %mul3A_25 : i32 to index
      %get3A_1732 = tpu.vector_load %arg5[%get3A_1730, %get3A_1731] {strides = array<i32>} : memref<64x1024xf32, #tpu.memory_space<vmem>>, vector<16xf32>,
      %bitcast3A_1733 = vector.bitcast %get3A_1732 : vector<16xf32> to vector<16xi32>
      %shift_right_arithmetic3A_1734 = arith.constant 31 : i32
      %shift_right_arithmetic3A_1735 = vector.broadcast %shift_right_arithmetic3A_1734 : i32 to vector<16xi32>
      %shift_right_arithmetic3A_1736 = arith.shrsi %bitcast3A_1733, %shift_right_arithmetic3A_1735 : vector<16xi32>
      %and3A_1737 = arith.constant 2147483647 : i32
      %and3A_1738 = vector.broadcast %and3A_1737 : i32 to vector<16xi32>
      %and3A_1739 = arith.andi %shift_right_arithmetic3A_1736, %and3A_1738 : vector<16xi32>
      %xor3A_1740 = arith.xori %bitcast3A_1733, %and3A_1739 : vector<16xi32>
      %and3A_1741 = arith.constant -64 : i32
      %and3A_1742 = vector.broadcast %and3A_1741 : i32 to vector<16xi32>
      %and3A_1743 = arith.andi %xor3A_1740, %and3A_1742 : vector<16xi32>
      %or3A_1744 = arith.constant 4 : i32
      %or3A_1745 = vector.broadcast %or3A_1744 : i32 to vector<16xi32>
      %or3A_1746 = arith.ori %and3A_1743, %or3A_1745 : vector<16xi32>
      %max3A_1747 = arith.maxsi %or3A_1746, %max3A_1718 : vector<16xi32>
      %min3A_1748 = arith.minsi %or3A_1746, %max3A_1718 : vector<16xi32>
      %max3A_1749 = arith.maxsi %min3A_1748, %max3A_1720 : vector<16xi32>
      %min3A_1750 = arith.minsi %min3A_1748, %max3A_1720 : vector<16xi32>
      %max3A_1751 = arith.maxsi %min3A_1750, %max3A_1722 : vector<16xi32>
      %min3A_1752 = arith.minsi %min3A_1750, %max3A_1722 : vector<16xi32>
      %max3A_1753 = arith.maxsi %min3A_1752, %max3A_1724 : vector<16xi32>
      %min3A_1754 = arith.minsi %min3A_1752, %max3A_1724 : vector<16xi32>
      %max3A_1755 = arith.maxsi %min3A_1754, %max3A_1726 : vector<16xi32>
      %min3A_1756 = arith.minsi %min3A_1754, %max3A_1726 : vector<16xi32>
      %max3A_1757 = arith.maxsi %min3A_1756, %max3A_1728 : vector<16xi32>
      %get3A_1758 = arith.constant 60 : i32
      %get3A_1759 = arith.index_cast %get3A_1758 : i32 to index
      %get3A_1760 = arith.index_cast %mul3A_25 : i32 to index
      %get3A_1761 = tpu.vector_load %arg5[%get3A_1759, %get3A_1760] {strides = array<i32>} : memref<64x1024xf32, #tpu.memory_space<vmem>>, vector<16xf32>,
      %bitcast3A_1762 = vector.bitcast %get3A_1761 : vector<16xf32> to vector<16xi32>
      %shift_right_arithmetic3A_1763 = arith.constant 31 : i32
      %shift_right_arithmetic3A_1764 = vector.broadcast %shift_right_arithmetic3A_1763 : i32 to vector<16xi32>
      %shift_right_arithmetic3A_1765 = arith.shrsi %bitcast3A_1762, %shift_right_arithmetic3A_1764 : vector<16xi32>
      %and3A_1766 = arith.constant 2147483647 : i32
      %and3A_1767 = vector.broadcast %and3A_1766 : i32 to vector<16xi32>
      %and3A_1768 = arith.andi %shift_right_arithmetic3A_1765, %and3A_1767 : vector<16xi32>
      %xor3A_1769 = arith.xori %bitcast3A_1762, %and3A_1768 : vector<16xi32>
      %and3A_1770 = arith.constant -64 : i32
      %and3A_1771 = vector.broadcast %and3A_1770 : i32 to vector<16xi32>
      %and3A_1772 = arith.andi %xor3A_1769, %and3A_1771 : vector<16xi32>
      %or3A_1773 = arith.constant 3 : i32
      %or3A_1774 = vector.broadcast %or3A_1773 : i32 to vector<16xi32>
      %or3A_1775 = arith.ori %and3A_1772, %or3A_1774 : vector<16xi32>
      %max3A_1776 = arith.maxsi %or3A_1775, %max3A_1747 : vector<16xi32>
      %min3A_1777 = arith.minsi %or3A_1775, %max3A_1747 : vector<16xi32>
      %max3A_1778 = arith.maxsi %min3A_1777, %max3A_1749 : vector<16xi32>
      %min3A_1779 = arith.minsi %min3A_1777, %max3A_1749 : vector<16xi32>
      %max3A_1780 = arith.maxsi %min3A_1779, %max3A_1751 : vector<16xi32>
      %min3A_1781 = arith.minsi %min3A_1779, %max3A_1751 : vector<16xi32>
      %max3A_1782 = arith.maxsi %min3A_1781, %max3A_1753 : vector<16xi32>
      %min3A_1783 = arith.minsi %min3A_1781, %max3A_1753 : vector<16xi32>
      %max3A_1784 = arith.maxsi %min3A_1783, %max3A_1755 : vector<16xi32>
      %min3A_1785 = arith.minsi %min3A_1783, %max3A_1755 : vector<16xi32>
      %max3A_1786 = arith.maxsi %min3A_1785, %max3A_1757 : vector<16xi32>
      %get3A_1787 = arith.constant 61 : i32
      %get3A_1788 = arith.index_cast %get3A_1787 : i32 to index
      %get3A_1789 = arith.index_cast %mul3A_25 : i32 to index
      %get3A_1790 = tpu.vector_load %arg5[%get3A_1788, %get3A_1789] {strides = array<i32>} : memref<64x1024xf32, #tpu.memory_space<vmem>>, vector<16xf32>,
      %bitcast3A_1791 = vector.bitcast %get3A_1790 : vector<16xf32> to vector<16xi32>
      %shift_right_arithmetic3A_1792 = arith.constant 31 : i32
      %shift_right_arithmetic3A_1793 = vector.broadcast %shift_right_arithmetic3A_1792 : i32 to vector<16xi32>
      %shift_right_arithmetic3A_1794 = arith.shrsi %bitcast3A_1791, %shift_right_arithmetic3A_1793 : vector<16xi32>
      %and3A_1795 = arith.constant 2147483647 : i32
      %and3A_1796 = vector.broadcast %and3A_1795 : i32 to vector<16xi32>
      %and3A_1797 = arith.andi %shift_right_arithmetic3A_1794, %and3A_1796 : vector<16xi32>
      %xor3A_1798 = arith.xori %bitcast3A_1791, %and3A_1797 : vector<16xi32>
      %and3A_1799 = arith.constant -64 : i32
      %and3A_1800 = vector.broadcast %and3A_1799 : i32 to vector<16xi32>
      %and3A_1801 = arith.andi %xor3A_1798, %and3A_1800 : vector<16xi32>
      %or3A_1802 = arith.constant 2 : i32
      %or3A_1803 = vector.broadcast %or3A_1802 : i32 to vector<16xi32>
      %or3A_1804 = arith.ori %and3A_1801, %or3A_1803 : vector<16xi32>
      %max3A_1805 = arith.maxsi %or3A_1804, %max3A_1776 : vector<16xi32>
      %min3A_1806 = arith.minsi %or3A_1804, %max3A_1776 : vector<16xi32>
      %max3A_1807 = arith.maxsi %min3A_1806, %max3A_1778 : vector<16xi32>
      %min3A_1808 = arith.minsi %min3A_1806, %max3A_1778 : vector<16xi32>
      %max3A_1809 = arith.maxsi %min3A_1808, %max3A_1780 : vector<16xi32>
      %min3A_1810 = arith.minsi %min3A_1808, %max3A_1780 : vector<16xi32>
      %max3A_1811 = arith.maxsi %min3A_1810, %max3A_1782 : vector<16xi32>
      %min3A_1812 = arith.minsi %min3A_1810, %max3A_1782 : vector<16xi32>
      %max3A_1813 = arith.maxsi %min3A_1812, %max3A_1784 : vector<16xi32>
      %min3A_1814 = arith.minsi %min3A_1812, %max3A_1784 : vector<16xi32>
      %max3A_1815 = arith.maxsi %min3A_1814, %max3A_1786 : vector<16xi32>
      %add3A_1816 = vector.broadcast %mul3A_25 : i32 to vector<16xi32>
      %add3A_1817 = arith.addi %add3A_1816, %iota3A : vector<16xi32>
      %and3A_1818 = arith.constant 63 : i32
      %and3A_1819 = vector.broadcast %and3A_1818 : i32 to vector<16xi32>
      %and3A_1820 = arith.andi %max3A_1805, %and3A_1819 : vector<16xi32>
      %sub3A = arith.constant 63 : i32
      %sub3A_1821 = vector.broadcast %sub3A : i32 to vector<16xi32>
      %sub3A_1822 = arith.subi %sub3A_1821, %and3A_1820 : vector<16xi32>
      %and3A_1823 = arith.constant 63 : i32
      %and3A_1824 = vector.broadcast %and3A_1823 : i32 to vector<16xi32>
      %and3A_1825 = arith.andi %max3A_1807, %and3A_1824 : vector<16xi32>
      %sub3A_1826 = arith.constant 63 : i32
      %sub3A_1827 = vector.broadcast %sub3A_1826 : i32 to vector<16xi32>
      %sub3A_1828 = arith.subi %sub3A_1827, %and3A_1825 : vector<16xi32>
      %and3A_1829 = arith.constant 63 : i32
      %and3A_1830 = vector.broadcast %and3A_1829 : i32 to vector<16xi32>
      %and3A_1831 = arith.andi %max3A_1809, %and3A_1830 : vector<16xi32>
      %sub3A_1832 = arith.constant 63 : i32
      %sub3A_1833 = vector.broadcast %sub3A_1832 : i32 to vector<16xi32>
      %sub3A_1834 = arith.subi %sub3A_1833, %and3A_1831 : vector<16xi32>
      %and3A_1835 = arith.constant 63 : i32
      %and3A_1836 = vector.broadcast %and3A_1835 : i32 to vector<16xi32>
      %and3A_1837 = arith.andi %max3A_1811, %and3A_1836 : vector<16xi32>
      %sub3A_1838 = arith.constant 63 : i32
      %sub3A_1839 = vector.broadcast %sub3A_1838 : i32 to vector<16xi32>
      %sub3A_1840 = arith.subi %sub3A_1839, %and3A_1837 : vector<16xi32>
      %and3A_1841 = arith.constant 63 : i32
      %and3A_1842 = vector.broadcast %and3A_1841 : i32 to vector<16xi32>
      %and3A_1843 = arith.andi %max3A_1813, %and3A_1842 : vector<16xi32>
      %sub3A_1844 = arith.constant 63 : i32
      %sub3A_1845 = vector.broadcast %sub3A_1844 : i32 to vector<16xi32>
      %sub3A_1846 = arith.subi %sub3A_1845, %and3A_1843 : vector<16xi32>
      %and3A_1847 = arith.constant 63 : i32
      %and3A_1848 = vector.broadcast %and3A_1847 : i32 to vector<16xi32>
      %and3A_1849 = arith.andi %max3A_1815, %and3A_1848 : vector<16xi32>
      %sub3A_1850 = arith.constant 63 : i32
      %sub3A_1851 = vector.broadcast %sub3A_1850 : i32 to vector<16xi32>
      %sub3A_1852 = arith.subi %sub3A_1851, %and3A_1849 : vector<16xi32>
      %gather3A = tpu.vector_load_idx %arg5[%sub3A_1822, %add3A_1817] : memref<64x1024xf32, #tpu.memory_space<vmem>>[vector<16xi32>, vector<16xi32>], vector<16xf32>,
      %gather3A_1853 = tpu.vector_load_idx %arg5[%sub3A_1828, %add3A_1817] : memref<64x1024xf32, #tpu.memory_space<vmem>>[vector<16xi32>, vector<16xi32>], vector<16xf32>,
      %gather3A_1854 = tpu.vector_load_idx %arg5[%sub3A_1834, %add3A_1817] : memref<64x1024xf32, #tpu.memory_space<vmem>>[vector<16xi32>, vector<16xi32>], vector<16xf32>,
      %gather3A_1855 = tpu.vector_load_idx %arg5[%sub3A_1840, %add3A_1817] : memref<64x1024xf32, #tpu.memory_space<vmem>>[vector<16xi32>, vector<16xi32>], vector<16xf32>,
      %gather3A_1856 = tpu.vector_load_idx %arg5[%sub3A_1846, %add3A_1817] : memref<64x1024xf32, #tpu.memory_space<vmem>>[vector<16xi32>, vector<16xi32>], vector<16xf32>,
      %gather3A_1857 = tpu.vector_load_idx %arg5[%sub3A_1852, %add3A_1817] : memref<64x1024xf32, #tpu.memory_space<vmem>>[vector<16xi32>, vector<16xi32>], vector<16xf32>,
      %get3A_1858 = arith.constant 62 : i32
      %get3A_1859 = arith.index_cast %get3A_1858 : i32 to index
      %get3A_1860 = arith.index_cast %mul3A_25 : i32 to index
      %get3A_1861 = tpu.vector_load %arg5[%get3A_1859, %get3A_1860] {strides = array<i32>} : memref<64x1024xf32, #tpu.memory_space<vmem>>, vector<16xf32>,
      %get3A_1862 = arith.constant 63 : i32
      %get3A_1863 = arith.index_cast %get3A_1862 : i32 to index
      %get3A_1864 = arith.index_cast %mul3A_25 : i32 to index
      %get3A_1865 = tpu.vector_load %arg5[%get3A_1863, %get3A_1864] {strides = array<i32>} : memref<64x1024xf32, #tpu.memory_space<vmem>>, vector<16xf32>,
      %max3A_1866 = arith.maximumf %gather3A, %get3A_1861 : vector<16xf32>
      %max3A_1867 = arith.maximumf %max3A_1866, %get3A_1865 : vector<16xf32>
      %sub3A_1868 = arith.subf %gather3A, %max3A_1867 : vector<16xf32>
      %exp3A = math.exp %sub3A_1868 : vector<16xf32>
      %sub3A_1869 = arith.subf %gather3A_1853, %max3A_1867 : vector<16xf32>
      %exp3A_1870 = math.exp %sub3A_1869 : vector<16xf32>
      %sub3A_1871 = arith.subf %gather3A_1854, %max3A_1867 : vector<16xf32>
      %exp3A_1872 = math.exp %sub3A_1871 : vector<16xf32>
      %sub3A_1873 = arith.subf %gather3A_1855, %max3A_1867 : vector<16xf32>
      %exp3A_1874 = math.exp %sub3A_1873 : vector<16xf32>
      %sub3A_1875 = arith.subf %gather3A_1856, %max3A_1867 : vector<16xf32>
      %exp3A_1876 = math.exp %sub3A_1875 : vector<16xf32>
      %sub3A_1877 = arith.subf %gather3A_1857, %max3A_1867 : vector<16xf32>
      %exp3A_1878 = math.exp %sub3A_1877 : vector<16xf32>
      %sub3A_1879 = arith.subf %get3A_1861, %max3A_1867 : vector<16xf32>
      %exp3A_1880 = math.exp %sub3A_1879 : vector<16xf32>
      %sub3A_1881 = arith.subf %get3A_1865, %max3A_1867 : vector<16xf32>
      %exp3A_1882 = math.exp %sub3A_1881 : vector<16xf32>
      %add3A_1883 = arith.addf %exp3A, %exp3A_1870 : vector<16xf32>
      %add3A_1884 = arith.addf %exp3A_1872, %exp3A_1874 : vector<16xf32>
      %add3A_1885 = arith.addf %add3A_1883, %add3A_1884 : vector<16xf32>
      %add3A_1886 = arith.addf %exp3A_1876, %exp3A_1878 : vector<16xf32>
      %add3A_1887 = arith.addf %exp3A_1880, %exp3A_1882 : vector<16xf32>
      %add3A_1888 = arith.addf %add3A_1886, %add3A_1887 : vector<16xf32>
      %add3A_1889 = arith.addf %add3A_1885, %add3A_1888 : vector<16xf32>
      %div3A = arith.constant 1.000000e+00 : f32
      %div3A_1890 = vector.broadcast %div3A : f32 to vector<16xf32>
      %div3A_1891 = arith.divf %div3A_1890, %add3A_1889 : vector<16xf32>
      %swap3A = arith.constant 0 : i32
      %swap3A_1892 = arith.index_cast %swap3A : i32 to index
      %swap3A_1893 = arith.index_cast %mul3A_25 : i32 to index
      %swap3A_1894 = tpu.vector_load %arg6[%swap3A_1892, %swap3A_1893] {strides = array<i32>} : memref<8x1024xi32, #tpu.memory_space<vmem>>, vector<16xi32>,
      tpu.vector_store %arg6[%swap3A_1892, %swap3A_1893], %sub3A_1822 {strides = array<i32>} : memref<8x1024xi32, #tpu.memory_space<vmem>>, vector<16xi32>,
      %mul3A_1895 = arith.mulf %exp3A, %div3A_1891 : vector<16xf32>
      %swap3A_1896 = arith.constant 0 : i32
      %swap3A_1897 = arith.index_cast %swap3A_1896 : i32 to index
      %swap3A_1898 = arith.index_cast %mul3A_25 : i32 to index
      %swap3A_1899 = tpu.vector_load %arg7[%swap3A_1897, %swap3A_1898] {strides = array<i32>} : memref<8x1024xf32, #tpu.memory_space<vmem>>, vector<16xf32>,
      tpu.vector_store %arg7[%swap3A_1897, %swap3A_1898], %mul3A_1895 {strides = array<i32>} : memref<8x1024xf32, #tpu.memory_space<vmem>>, vector<16xf32>,
      %swap3A_1900 = arith.constant 1 : i32
      %swap3A_1901 = arith.index_cast %swap3A_1900 : i32 to index
      %swap3A_1902 = arith.index_cast %mul3A_25 : i32 to index
      %swap3A_1903 = tpu.vector_load %arg6[%swap3A_1901, %swap3A_1902] {strides = array<i32>} : memref<8x1024xi32, #tpu.memory_space<vmem>>, vector<16xi32>,
      tpu.vector_store %arg6[%swap3A_1901, %swap3A_1902], %sub3A_1828 {strides = array<i32>} : memref<8x1024xi32, #tpu.memory_space<vmem>>, vector<16xi32>,
      %mul3A_1904 = arith.mulf %exp3A_1870, %div3A_1891 : vector<16xf32>
      %swap3A_1905 = arith.constant 1 : i32
      %swap3A_1906 = arith.index_cast %swap3A_1905 : i32 to index
      %swap3A_1907 = arith.index_cast %mul3A_25 : i32 to index
      %swap3A_1908 = tpu.vector_load %arg7[%swap3A_1906, %swap3A_1907] {strides = array<i32>} : memref<8x1024xf32, #tpu.memory_space<vmem>>, vector<16xf32>,
      tpu.vector_store %arg7[%swap3A_1906, %swap3A_1907], %mul3A_1904 {strides = array<i32>} : memref<8x1024xf32, #tpu.memory_space<vmem>>, vector<16xf32>,
      %swap3A_1909 = arith.constant 2 : i32
      %swap3A_1910 = arith.index_cast %swap3A_1909 : i32 to index
      %swap3A_1911 = arith.index_cast %mul3A_25 : i32 to index
      %swap3A_1912 = tpu.vector_load %arg6[%swap3A_1910, %swap3A_1911] {strides = array<i32>} : memref<8x1024xi32, #tpu.memory_space<vmem>>, vector<16xi32>,
      tpu.vector_store %arg6[%swap3A_1910, %swap3A_1911], %sub3A_1834 {strides = array<i32>} : memref<8x1024xi32, #tpu.memory_space<vmem>>, vector<16xi32>,
      %mul3A_1913 = arith.mulf %exp3A_1872, %div3A_1891 : vector<16xf32>
      %swap3A_1914 = arith.constant 2 : i32
      %swap3A_1915 = arith.index_cast %swap3A_1914 : i32 to index
      %swap3A_1916 = arith.index_cast %mul3A_25 : i32 to index
      %swap3A_1917 = tpu.vector_load %arg7[%swap3A_1915, %swap3A_1916] {strides = array<i32>} : memref<8x1024xf32, #tpu.memory_space<vmem>>, vector<16xf32>,
      tpu.vector_store %arg7[%swap3A_1915, %swap3A_1916], %mul3A_1913 {strides = array<i32>} : memref<8x1024xf32, #tpu.memory_space<vmem>>, vector<16xf32>,
      %swap3A_1918 = arith.constant 3 : i32
      %swap3A_1919 = arith.index_cast %swap3A_1918 : i32 to index
      %swap3A_1920 = arith.index_cast %mul3A_25 : i32 to index
      %swap3A_1921 = tpu.vector_load %arg6[%swap3A_1919, %swap3A_1920] {strides = array<i32>} : memref<8x1024xi32, #tpu.memory_space<vmem>>, vector<16xi32>,
      tpu.vector_store %arg6[%swap3A_1919, %swap3A_1920], %sub3A_1840 {strides = array<i32>} : memref<8x1024xi32, #tpu.memory_space<vmem>>, vector<16xi32>,
      %mul3A_1922 = arith.mulf %exp3A_1874, %div3A_1891 : vector<16xf32>
      %swap3A_1923 = arith.constant 3 : i32
      %swap3A_1924 = arith.index_cast %swap3A_1923 : i32 to index
      %swap3A_1925 = arith.index_cast %mul3A_25 : i32 to index
      %swap3A_1926 = tpu.vector_load %arg7[%swap3A_1924, %swap3A_1925] {strides = array<i32>} : memref<8x1024xf32, #tpu.memory_space<vmem>>, vector<16xf32>,
      tpu.vector_store %arg7[%swap3A_1924, %swap3A_1925], %mul3A_1922 {strides = array<i32>} : memref<8x1024xf32, #tpu.memory_space<vmem>>, vector<16xf32>,
      %swap3A_1927 = arith.constant 4 : i32
      %swap3A_1928 = arith.index_cast %swap3A_1927 : i32 to index
      %swap3A_1929 = arith.index_cast %mul3A_25 : i32 to index
      %swap3A_1930 = tpu.vector_load %arg6[%swap3A_1928, %swap3A_1929] {strides = array<i32>} : memref<8x1024xi32, #tpu.memory_space<vmem>>, vector<16xi32>,
      tpu.vector_store %arg6[%swap3A_1928, %swap3A_1929], %sub3A_1846 {strides = array<i32>} : memref<8x1024xi32, #tpu.memory_space<vmem>>, vector<16xi32>,
      %mul3A_1931 = arith.mulf %exp3A_1876, %div3A_1891 : vector<16xf32>
      %swap3A_1932 = arith.constant 4 : i32
      %swap3A_1933 = arith.index_cast %swap3A_1932 : i32 to index
      %swap3A_1934 = arith.index_cast %mul3A_25 : i32 to index
      %swap3A_1935 = tpu.vector_load %arg7[%swap3A_1933, %swap3A_1934] {strides = array<i32>} : memref<8x1024xf32, #tpu.memory_space<vmem>>, vector<16xf32>,
      tpu.vector_store %arg7[%swap3A_1933, %swap3A_1934], %mul3A_1931 {strides = array<i32>} : memref<8x1024xf32, #tpu.memory_space<vmem>>, vector<16xf32>,
      %swap3A_1936 = arith.constant 5 : i32
      %swap3A_1937 = arith.index_cast %swap3A_1936 : i32 to index
      %swap3A_1938 = arith.index_cast %mul3A_25 : i32 to index
      %swap3A_1939 = tpu.vector_load %arg6[%swap3A_1937, %swap3A_1938] {strides = array<i32>} : memref<8x1024xi32, #tpu.memory_space<vmem>>, vector<16xi32>,
      tpu.vector_store %arg6[%swap3A_1937, %swap3A_1938], %sub3A_1852 {strides = array<i32>} : memref<8x1024xi32, #tpu.memory_space<vmem>>, vector<16xi32>,
      %mul3A_1940 = arith.mulf %exp3A_1878, %div3A_1891 : vector<16xf32>
      %swap3A_1941 = arith.constant 5 : i32
      %swap3A_1942 = arith.index_cast %swap3A_1941 : i32 to index
      %swap3A_1943 = arith.index_cast %mul3A_25 : i32 to index
      %swap3A_1944 = tpu.vector_load %arg7[%swap3A_1942, %swap3A_1943] {strides = array<i32>} : memref<8x1024xf32, #tpu.memory_space<vmem>>, vector<16xf32>,
      tpu.vector_store %arg7[%swap3A_1942, %swap3A_1943], %mul3A_1940 {strides = array<i32>} : memref<8x1024xf32, #tpu.memory_space<vmem>>, vector<16xf32>,
      %swap3A_1945 = arith.constant 6 : i32
      %swap3A_1946 = arith.index_cast %swap3A_1945 : i32 to index
      %swap3A_1947 = arith.index_cast %mul3A_25 : i32 to index
      %swap3A_1948 = tpu.vector_load %arg6[%swap3A_1946, %swap3A_1947] {strides = array<i32>} : memref<8x1024xi32, #tpu.memory_space<vmem>>, vector<16xi32>,
      tpu.vector_store %arg6[%swap3A_1946, %swap3A_1947], %broadcast_in_dim3A_5 {strides = array<i32>} : memref<8x1024xi32, #tpu.memory_space<vmem>>, vector<16xi32>,
      %mul3A_1949 = arith.mulf %exp3A_1880, %div3A_1891 : vector<16xf32>
      %swap3A_1950 = arith.constant 6 : i32
      %swap3A_1951 = arith.index_cast %swap3A_1950 : i32 to index
      %swap3A_1952 = arith.index_cast %mul3A_25 : i32 to index
      %swap3A_1953 = tpu.vector_load %arg7[%swap3A_1951, %swap3A_1952] {strides = array<i32>} : memref<8x1024xf32, #tpu.memory_space<vmem>>, vector<16xf32>,
      tpu.vector_store %arg7[%swap3A_1951, %swap3A_1952], %mul3A_1949 {strides = array<i32>} : memref<8x1024xf32, #tpu.memory_space<vmem>>, vector<16xf32>,
      %swap3A_1954 = arith.constant 7 : i32
      %swap3A_1955 = arith.index_cast %swap3A_1954 : i32 to index
      %swap3A_1956 = arith.index_cast %mul3A_25 : i32 to index
      %swap3A_1957 = tpu.vector_load %arg6[%swap3A_1955, %swap3A_1956] {strides = array<i32>} : memref<8x1024xi32, #tpu.memory_space<vmem>>, vector<16xi32>,
      tpu.vector_store %arg6[%swap3A_1955, %swap3A_1956], %broadcast_in_dim3A_7 {strides = array<i32>} : memref<8x1024xi32, #tpu.memory_space<vmem>>, vector<16xi32>,
      %mul3A_1958 = arith.mulf %exp3A_1882, %div3A_1891 : vector<16xf32>
      %swap3A_1959 = arith.constant 7 : i32
      %swap3A_1960 = arith.index_cast %swap3A_1959 : i32 to index
      %swap3A_1961 = arith.index_cast %mul3A_25 : i32 to index
      %swap3A_1962 = tpu.vector_load %arg7[%swap3A_1960, %swap3A_1961] {strides = array<i32>} : memref<8x1024xf32, #tpu.memory_space<vmem>>, vector<16xf32>,
      tpu.vector_store %arg7[%swap3A_1960, %swap3A_1961], %mul3A_1958 {strides = array<i32>} : memref<8x1024xf32, #tpu.memory_space<vmem>>, vector<16xf32>,
    }
    %scan3A_17 = arith.constant 64 : i32
    "tpu.region"() ({
      %run_scoped3A = tpu.sem_alloc : memref<!tpu.dma_semaphore, #tpu.memory_space<semaphore_mem>>
      %dma_start3A = arith.constant 0 : i32
      %dma_start3A_19 = tpu.memref_slice %arg3[%dma_start3A, %add3A_11] : memref<8x32768xi32, #tpu.memory_space<hbm>> -> memref<8x1024xi32, #tpu.memory_space<hbm>>
      %dma_start3A_20 = arith.constant 0 : i32
      %dma_start3A_21 = tpu.memref_slice %arg3[%dma_start3A_20, %add3A_11] : memref<8x32768xi32, #tpu.memory_space<hbm>> -> memref<8x1024xi32, #tpu.memory_space<hbm>>
      tpu.enqueue_dma source(%arg6 : memref<8x1024xi32, #tpu.memory_space<vmem>>) target(%dma_start3A_21 : memref<8x1024xi32, #tpu.memory_space<hbm>>) target_semaphore(%run_scoped3A : memref<!tpu.dma_semaphore, #tpu.memory_space<semaphore_mem>>)
      %dma_wait3A = arith.constant 0 : i32
      %dma_wait3A_22 = tpu.memref_slice %arg3[%dma_wait3A, %add3A_11] : memref<8x32768xi32, #tpu.memory_space<hbm>> -> memref<8x1024xi32, #tpu.memory_space<hbm>>
      %dma_wait3A_23 = arith.constant 0 : i32
      %dma_wait3A_24 = tpu.memref_slice %arg3[%dma_wait3A_23, %add3A_11] : memref<8x32768xi32, #tpu.memory_space<hbm>> -> memref<8x1024xi32, #tpu.memory_space<hbm>>
      tpu.wait_dma2 semaphore(%run_scoped3A : memref<!tpu.dma_semaphore, #tpu.memory_space<semaphore_mem>>) src(%arg6 : memref<8x1024xi32, #tpu.memory_space<vmem>>) dst(%dma_wait3A_24 : memref<8x1024xi32, #tpu.memory_space<hbm>>)
      tpu.yield
    }) : () -> ()
    "tpu.region"() ({
      %run_scoped3A = tpu.sem_alloc : memref<!tpu.dma_semaphore, #tpu.memory_space<semaphore_mem>>
      %dma_start3A = arith.constant 0 : i32
      %dma_start3A_19 = tpu.memref_slice %arg4[%dma_start3A, %add3A_11] : memref<8x32768xf32, #tpu.memory_space<hbm>> -> memref<8x1024xf32, #tpu.memory_space<hbm>>
      %dma_start3A_20 = arith.constant 0 : i32
      %dma_start3A_21 = tpu.memref_slice %arg4[%dma_start3A_20, %add3A_11] : memref<8x32768xf32, #tpu.memory_space<hbm>> -> memref<8x1024xf32, #tpu.memory_space<hbm>>
      tpu.enqueue_dma source(%arg7 : memref<8x1024xf32, #tpu.memory_space<vmem>>) target(%dma_start3A_21 : memref<8x1024xf32, #tpu.memory_space<hbm>>) target_semaphore(%run_scoped3A : memref<!tpu.dma_semaphore, #tpu.memory_space<semaphore_mem>>)
      %dma_wait3A = arith.constant 0 : i32
      %dma_wait3A_22 = tpu.memref_slice %arg4[%dma_wait3A, %add3A_11] : memref<8x32768xf32, #tpu.memory_space<hbm>> -> memref<8x1024xf32, #tpu.memory_space<hbm>>
      %dma_wait3A_23 = arith.constant 0 : i32
      %dma_wait3A_24 = tpu.memref_slice %arg4[%dma_wait3A_23, %add3A_11] : memref<8x32768xf32, #tpu.memory_space<hbm>> -> memref<8x1024xf32, #tpu.memory_space<hbm>>
      tpu.wait_dma2 semaphore(%run_scoped3A : memref<!tpu.dma_semaphore, #tpu.memory_space<semaphore_mem>>) src(%arg7 : memref<8x1024xf32, #tpu.memory_space<vmem>>) dst(%dma_wait3A_24 : memref<8x1024xf32, #tpu.memory_space<hbm>>)
      tpu.yield
    }) : () -> ()
    %scan3A_18 = arith.constant 1 : i32
    return
  }
}

</mosaic_0001>

<sc_bundles>
// kernel: kernel.3.cloned.1.call-start
scs
__scs_entry_jumppad:
0x0: {  	(pc) =	sbr.rel $0x88, $3  }
0x1: {  	(tag) =	ssettag $0x0;
	lr =	simm.s32 $0x1  }
0x2: {  	[smem:$0x3FA0] =	sst lr;
	_ =	strace $0xD0000000  }
0x3: {  	_ = 	snop  }
0x4: {  	_ = 	snop  }
0x5: {  	_ = 	snop  }
0x6: {  	_ = 	snop  }
0x7: {  	_ = 	snop  }
__scs_overlays_trampoline_lowered:
0x8: {  	[smem:$0x3FAF] =	sst s0  }
0x9: {  	[smem:$0x3FB0] =	sst s1  }
0xa: {  	[smem:$0x3FB1] =	sst s2  }
0xb: {  	[smem:$0x3FB2] =	sst s3  }
0xc: {  	[smem:$0x3FB3] =	sst s4  }
0xd: {  	[smem:$0x3FB4] =	sst s5  }
0xe: {  	[smem:$0x3FB5] =	sst s6  }
0xf: {  	[smem:$0x3FB6] =	sst s7  }
0x10: {  	[smem:$0x3FB7] =	sst s8  }
0x11: {  	[smem:$0x3FB8] =	sst s9;
	s0 =	simm.s32 @!p0 $0x0  }
0x12: {  	s1 =	sld [smem:$0x3F9E];
	s0 =	simm.s32 @p0 $0x1  }
0x13: {  	[smem:$0x3FB9] =	sst s0;
	s0 =	simm.s32 @!p1 $0x0  }
0x14: {  	s2 =	sld [smem:$0x3F9D];
	s0 =	simm.s32 @p1 $0x1  }
0x15: {  	[smem:$0x3FBA] =	sst s0;
	s0 =	simm.s32 @!p2 $0x0  }
0x16: {  	s3 =	sld [smem:$0x3FDB];
	s0 =	simm.s32 @p2 $0x1  }
0x17: {  	s4 =	simm.s32 $0x1BF5;
	[smem:$0x3FBC] =	sst s0  }
0x18: {  	s0 =	sld [smem:$0x3F9F];
	_ =	swait.ge [sflag:s4], $0x0  }
0x19: {  	s7 =	sld [smem:$0x3FA0]  }
0x1a: {  	s8 =	sadd.s32 $0xFFFFE003, lr  }
0x1b: {  	s9 =	sadd.s32 $0xFFFFFEF7, lr;
	s5 =	simm.s32 $0xFFFFFFFF;
	p2 =	slt.u32 s8, $0xFFFFF086  }
0x1c: {  	p1 =	slt.u32 s9, $0xF7A;
	s5 =	simm.s32 @!p2 $0x0  }
0x1d: {  	s5 =	simm.s32 @p1 $0x1;
	p0 =	seq.s32 s7, s2  }
0x1e: {  	s7 =	smul.u32 @!p0 $0xF7A, s2;
	p2 =	seq.s32 @!p0 s5, $0x0  }
0x1f: {  	s9 =	smul.u32 $0xF7A, s1;
	s8 =	simm.s32 @!p0 $0x1BF5;
	p2 =	por !p2, p0  }
0x20: {  	[sflag:s8] =	ssyncset.s32 @!p0 $0xFFFFF086;
	s6 =	sadd.s32 @!p0 s3, s7;
	s7 =	simm.s32 @!p0 $0x108  }
0x21: {  	s3 =	sadd.s32 s3, s9;
	s6 =	sadd.s32 @!p0 $0x88, s6;
	s7 =	simm.s32 @p2 $0x1082  }
0x22: {  	[simem:s7], [sflag:s8] =	dma.local @!p0 [hbm:s6], $0xF7A  }
0x23: {  	s9 =	sor.u32 $0xD0000000, s2;
	s6 =	simm.s32 $0x108;
	_ =	swait.ge @!p0 [sflag:s8], $0x0  }
0x24: {  	s3 =	sadd.s32 $0x88, s3;
	s6 =	simm.s32 @!p1 $0x1082;
	[sflag:s4] =	ssyncset.s32 $0xFFFFF086  }
0x25: {  	[simem:s6], [sflag:s4] =	dma.local [hbm:s3], $0xF7A  }
0x26: {  	[smem:$0x3FA0] =	sst s1;
	(tag) =	ssettag s2;
	_ =	strace s9  }
0x27: {  	s1 =	sld [smem:$0x3FB0]  }
0x28: {  	s2 =	sld [smem:$0x3FB1]  }
0x29: {  	s4 =	sld [smem:$0x3FB3]  }
0x2a: {  	p0 =	seq.s32 s5, $0x0;
	s5 =	sld [smem:$0x3FB4]  }
0x2b: {  	s6 =	sld [smem:$0x3FB5]  }
0x2c: {  	s7 =	sld [smem:$0x3FB6]  }
0x2d: {  	s3 =	simm.s32 $0x108;
	s8 =	sld [smem:$0x3FB7]  }
0x2e: {  	s3 =	simm.s32 @!p0 $0x1082;
	s9 =	sld [smem:$0x3FB8]  }
0x2f: {  	lr =	sadd.s32 s0, s3;
	s0 =	sld [smem:$0x3FAF]  }
0x30: {  	s3 =	sld [smem:$0x3FB2]  }
0x31: {  	[smem:$0x3FBB] =	sst s10  }
0x32: {  	s10 =	sld [smem:$0x3FB9];
	_ =	sdelay $0x3  }
0x33: {  	p0 =	seq.s32 s10, $0x1;
	s10 =	sld [smem:$0x3FBB];
	_ =	sdelay $0x3  }
0x34: {  	[smem:$0x3FBB] =	sst s10  }
0x35: {  	s10 =	sld [smem:$0x3FBA];
	_ =	sdelay $0x3  }
0x36: {  	p1 =	seq.s32 s10, $0x1;
	s10 =	sld [smem:$0x3FBB];
	_ =	sdelay $0x3  }
0x37: {  	[smem:$0x3FBB] =	sst s10  }
0x38: {  	s10 =	sld [smem:$0x3FBC]  }
0x39: {  	_ = 	snop;
	(pc) =	sbr.ind lr, $3  }
0x3a: {  	_ = 	snop  }
0x3b: {  	_ = 	snop  }
0x3c: {  	p2 =	seq.s32 s10, $0x1;
	s10 =	sld [smem:$0x3FBB]  }
0x3d: {  	_ =	shalt  }
0x3e: {  	_ =	shalt  }
0x3f: {  	_ =	shalt  }
0x40: {  	_ =	shalt  }
0x41: {  	_ =	shalt  }
0x42: {  	_ =	shalt  }
0x43: {  	_ =	shalt  }
0x44: {  	_ =	shalt  }
0x45: {  	_ =	shalt  }
0x46: {  	_ =	shalt  }
0x47: {  	_ =	shalt  }
0x48: {  	_ =	shalt  }
0x49: {  	_ =	shalt  }
0x4a: {  	_ =	shalt  }
0x4b: {  	_ =	shalt  }
0x4c: {  	_ =	shalt  }
0x4d: {  	_ =	shalt  }
0x4e: {  	_ =	shalt  }
0x4f: {  	_ =	shalt  }
0x50: {  	_ =	shalt  }
0x51: {  	_ =	shalt  }
0x52: {  	_ =	shalt  }
0x53: {  	_ =	shalt  }
0x54: {  	_ =	shalt  }
0x55: {  	_ =	shalt  }
0x56: {  	_ =	shalt  }
0x57: {  	_ =	shalt  }
0x58: {  	_ =	shalt  }
0x59: {  	_ =	shalt  }
0x5a: {  	_ =	shalt  }
0x5b: {  	_ =	shalt  }
0x5c: {  	_ =	shalt  }
0x5d: {  	_ =	shalt  }
0x5e: {  	_ =	shalt  }
0x5f: {  	_ =	shalt  }
0x60: {  	_ =	shalt  }
0x61: {  	_ =	shalt  }
0x62: {  	_ =	shalt  }
0x63: {  	_ =	shalt  }
0x64: {  	_ =	shalt  }
0x65: {  	_ =	shalt  }
0x66: {  	_ =	shalt  }
0x67: {  	_ =	shalt  }
0x68: {  	_ =	shalt  }
0x69: {  	_ =	shalt  }
0x6a: {  	_ =	shalt  }
0x6b: {  	_ =	shalt  }
0x6c: {  	_ =	shalt  }
0x6d: {  	_ =	shalt  }
0x6e: {  	_ =	shalt  }
0x6f: {  	_ =	shalt  }
0x70: {  	_ =	shalt  }
0x71: {  	_ =	shalt  }
0x72: {  	_ =	shalt  }
0x73: {  	_ =	shalt  }
0x74: {  	_ =	shalt  }
0x75: {  	_ =	shalt  }
0x76: {  	_ =	shalt  }
0x77: {  	_ =	shalt  }
0x78: {  	_ =	shalt  }
0x79: {  	_ =	shalt  }
0x7a: {  	_ =	shalt  }
0x7b: {  	_ =	shalt  }
0x7c: {  	_ =	shalt  }
0x7d: {  	_ =	shalt  }
0x7e: {  	_ =	shalt  }
0x7f: {  	_ =	shalt  }
0x80: {  	_ =	shalt  }
0x81: {  	_ =	shalt  }
0x82: {  	_ =	shalt  }
0x83: {  	_ =	shalt  }
0x84: {  	_ =	shalt  }
0x85: {  	_ =	shalt  }
0x86: {  	_ =	shalt  }
0x87: {  	_ =	shalt  }
.Lfunc_end0:
.L_simem_size_0:
called_computation_lowered:
.L_overlay_start_0:
0x88: {  	s2 =	sld [smem:$0x3FD9]  }
0x89: {  	s3 =	sld [smem:$0x3FFE];
	_ =	sdelay $0x1  }
0x8a: {  	s1 =	srdreg.scid  }
0x8b: {  	s0 =	sand.u32 $0x1, s1  }
0x8c: {  	s15 =	sshll.u32 s0, $0xA;
	s2 =	sadd.s32 s3, s2  }
0x8d: {  	s2 =	sadd.s32 s2, s15  }
0x8e: {  	[smem:$0x3FC7] =	sst s2  }
0x8f: {  	_ = 	snop  }
0x90: {  	s2 =	sld [smem:$0x3FD0];
	_ =	sdelay $0x2  }
0x91: {  	s4 =	simm.s32 $0xA;
	s5 =	simm.s32 $0x10;
	s16 =	sld [smem:$0x3FC9]  }
0x92: {  	[smem:s5], [sflag:s4] =	dma.local [hbm:s2], $0x1  }
0x93: {  	_ =	swait.eq [sflag:s4], $0x1  }
0x94: {  	[sflag:s4] =	ssyncset.done $0x0  }
0x95: {  	s17 =	sld [smem:$0x10];
	[sflag:s4] =	ssyncadd.s32 $0xFFFFFFFF  }
0x96: {  	s18 =	sld [smem:$0x11];
	(tm) =	ssettm $0x1  }
0x97: {  	s19 =	sld [smem:$0x3FFB];
	_ =	sdelay $0x3  }
0x98: {  	_ =	strace s19  }
0x99: {  	s5 =	sld [smem:$0x3FFC];
	_ =	sdelay $0x3  }
0x9a: {  	_ =	strace s5  }
0x9b: {  	s5 =	sld [smem:$0x3FFD];
	_ =	sdelay $0x3  }
0x9c: {  	_ =	strace s5  }
0x9d: {  	_ =	strace $0x8FFFFFFF  }
0x9e: {  	s20 =	sld [smem:$0x3FDB];
	_ =	sdelay $0x1  }
0x9f: {  	s6 =	simm.s32 $_scs_section_size  }
0xa0: {  	s7 =	simm.s32 $_size__tile_overlayer_lowered;
	s8 =	simm.s32 $_tile_overlayer_lowered  }
0xa1: {  	s23 =	simm.s32 $0x1BFF;
	s22 =	sshll.u32 s8, $0x1;
	s5 =	sadd.s32 s6, s20  }
0xa2: {  	s9 =	simm.s32 $0x0;
	s21 =	sshll.u32 s7, $0x1;
	s7 =	sadd.s32 s22, s5  }
0xa3: {  	[timem:s9], [sflag:s23] =	dma.local [hbm:s7], s21  }
0xa4: {  	_ =	swait.ge [sflag:s23], s21  }
0xa5: {  	s6 =	ssub.s32 $0x0, s21;
	[sflag:s23] =	ssyncset.done $0x0  }
0xa6: {  	[sflag:s23] =	ssyncadd.s32 s6;
	_ =	sdelay $0x1  }
0xa7: {  	s24 =	simm.s32 $0x1B8B  }
0xa8: {  	_ =	swait.ge [sflag:s24], $0x1  }
0xa9: {  	[sflag:s24] =	ssyncset.done $0x0  }
0xaa: {  	s25 =	simm.s32 $0x1B8E;
	[sflag:s24] =	ssyncadd.s32 $0xFFFFFFFF  }
0xab: {  	s26 =	simm.s32 $execute0_lowered;
	[smem:$0x3FD2] =	sst s25  }
0xac: {  	s6 =	sshll.u32 s26, $0x1;
	_ =	strace $0x80000046;
	[dreg:$0x1] =	wrdreg $0xFFFFFFFF  }
0xad: {  	s28 =	simm.s32 $_size_execute0_lowered;
	s5 =	sadd.s32 s5, s6;
	[dreg:$0x0] =	wrdreg $0x0  }
0xae: {  	s6 =	sshll.u32 s28, $0x1;
	[dreg:$0x2] =	wrdreg s5  }
0xaf: {  	[dreg:$0x3] =	wrdreg s6  }
0xb0: {  	[dreg:$0x4] =	wrdreg $0xC0  }
0xb1: {  	_ =	task [dreg:s9], $0x5FFFF  }
0xb2: {  	[dreg:$0x1] =	wrdreg $0xFFFFFFFF  }
0xb3: {  	[dreg:$0x0] =	wrdreg $0x60  }
0xb4: {  	[dreg:$0x2] =	wrdreg s16  }
0xb5: {  	[dreg:$0x3] =	wrdreg s17  }
0xb6: {  	[dreg:$0x4] =	wrdreg s18  }
0xb7: {  	[dreg:$0x5] =	wrdreg $0x9  }
0xb8: {  	_ =	task.clear_ibuf [dreg:s9], $0x6FFFF;
	_ =	strace $0x90000046  }
0xb9: {  	s29 =	simm.s32 $0x9;
	_ =	strace $0x80000048  }
0xba: {  	_ =	swait.ge [sflag:s29], $0x1  }
0xbb: {  	[sflag:s29] =	ssyncadd.s32 $0xFFFFFFFF  }
0xbc: {  	_ =	strace $0x90000048  }
0xbd: {  	_ =	sfence  }
0xbe: {  	s30 =	sld [smem:$0x0];
	_ =	sdelay $0x2  }
0xbf: {  	s31 =	sshll.u32 s1, $0xD;
	s1 =	sshrl.u32 s1, $0x2  }
0xc0: {  	s3 =	sand.u32 $0x4000, s31;
	s1 =	sadd.s32 s1, s30  }
0xc1: {  	s0 =	sor.u32 s3, s0;
	s1 =	sshll.u32 s1, $0x11  }
0xc2: {  	s0 =	sor.u32 s1, s0  }
0xc3: {  	s0 =	sadd.s32 $0x8F2B, s0  }
0xc4: {  	[sflag:s0] =	ssyncadd.remote.s32 $0x1  }
0xc5: {  	_ =	sfence.sel $0xFFFF  }
0xc6: {  	[dreg:$0x0] =	wrdreg $0xFFFFFFFF;
	(pc) =	sbr.abs _section_cstart, $3  }
0xc7: {  	[dreg:$0x1] =	wrdreg $0xFFFFFFFF  }
0xc8: {  	_ =	task.clear_ibuf [dreg:s9], $0x2FFFF;
	_ =	strace $0x9FFFFFFF  }
0xc9: {  	(tm) =	ssettm $0x7FFFFFFF  }
tec
execute0_lowered:
.L_overlay_start_1:
0x0: {  	(tag) =	ssettag $0x1  }
0x1: {  	s3 =	rddreg [dreg:$0x0]  }
0x2: {  	s4 =	rddreg [dreg:$0x1]  }
0x3: {  	s5 =	rddreg [dreg:$0x2]  }
0x4: {  	s0 =	rddreg [dreg:$0x3];
	s6 =	srdreg.scid  }
0x5: {  	s2 =	simm.s32 $0x0;
	s1 =	stileid.u32;
	s10 =	simm.s32 $0x10000  }
0x6: {  	s11 =	simm.s32 $0x12000;
	s12 =	simm.s32 $0x0;
	s6 =	sand.u32 $0x1, s6  }
0x7: {  	s8 =	sshll.u32 s1, $0xB;
	[smem:$0x7FF] =	sst s2;
	s7 =	ssub.s32 $0x2, s6  }
0x8: {  	s6 =	sshll.u32 s6, $0xA;
	_ =	strace $0x80000047;
	s9 =	sshrl.u32 s7, $0x1  }
0x9: {  	s6 =	sor.u32 s6, s8;
	s8 =	simm.s32 $0x40000;
	s7 =	ssub.s32 s7, s9  }
0xa: {  	s3 =	sadd.s32 s3, s6;
	s4 =	sadd.s32 s4, s6;
	s5 =	sadd.s32 s5, s6  }
0xb: {  	v0 =	vimm.s32 $0x3F;
	v1 =	vimm.s32 $0x3E;
	v2 =	vlaneseq.u32;
	s9 =	simm.s32 $0x1;
	s6 =	smax.u32 s7, $0x1;
	s7 =	simm.s32 $0x2000  }
.LBB2_1:
0xc: {  	[tilespmem:s2], [sflag:$0x1] =	stream.strided.gather [hbm4b:s3+s7], $0x10000, s8, s7, $0x38;
	[tilespmem:$0x14000] =	vst v63  }
0xd: {  	_ =	swait.ge [sflag:s9], $0x10000  }
0xe: {  	[sflag:s9] =	ssyncset.done $0x0  }
0xf: {  	s13 =	simm.s32 $0x0;
	s14 =	simm.s32 $0x0;
	[sflag:s9] =	ssyncadd.s32 $0xFFFF0000  }
.LBB2_2:
0x10: {  	s15 =	sand.u32 $0x70, s14;
	s16 =	sand.u32 $0x1C00, s13  }
0x11: {  	s15 =	sor.u32 s15, s16  }
0x12: {  	v3 =	vld [tilespmem:s15+$0x0]  }
0x13: {  	v4 =	vld [tilespmem:s15+$0x80]  }
0x14: {  	v5 =	vld [tilespmem:s15+$0x100]  }
0x15: {  	v29 =	vld [tilespmem:s15+$0x180]  }
0x16: {  	v8 =	vld [tilespmem:s15+$0x200]  }
0x17: {  	s31 =	sor.u32 s13, s14;
	v34 =	vld [tilespmem:s15+$0x280]  }
0x18: {  	s16 =	sor.u32 $0x380, s31;
	v40 =	vld [tilespmem:s15+$0x300]  }
0x19: {  	v47 =	vld [tilespmem:s16+$0x0]  }
0x1a: {  	v55 =	vld [tilespmem:s15+$0x2000]  }
0x1b: {  	v63 =	vld [tilespmem:s15+$0x2080]  }
0x1c: {  	v21 =	vld [tilespmem:s15+$0x2100];
	v6 =	vshra.s32 v3, $0x1F;
	v7 =	vshra.s32 v4, $0x1F;
	v4 =	vand.u32 $0xFFFFFFC0, v4  }
0x1d: {  	v30 =	vshra.s32 v5, $0x1F;
	v5 =	vand.u32 $0xFFFFFFC0, v5;
	v32 =	vshra.s32 v29, $0x1F  }
0x1e: {  	v35 =	vshra.s32 v8, $0x1F;
	v8 =	vand.u32 $0xFFFFFFC0, v8;
	v38 =	vshra.s32 v34, $0x1F  }
0x1f: {  	v13 =	vshra.s32 v40, $0x1F;
	v53 =	vshra.s32 v47, $0x1F;
	v14 =	vshra.s32 v55, $0x1F  }
0x20: {  	v19 =	vshra.s32 v63, $0x1F;
	v6 =	vand.u32 $0x7FFFFFC0, v6;
	v28 =	vand.u32 $0x7FFFFFC0, v7  }
0x21: {  	v26 =	vshra.s32 v21, $0x1F;
	v3 =	vxor.u32 v3, v6;
	v4 =	vxor.u32 v4, v28  }
0x22: {  	v6 =	vand.u32 $0x7FFFFFC0, v30;
	v3 =	vor.u32 $0x3F, v3;
	v4 =	vor.u32 $0x3E, v4  }
0x23: {  	v7 =	vand.u32 $0xFFFFFFC0, v29;
	v5 =	vxor.u32 v5, v6;
	vm0 =	vlt.s32 v4, v3  }
0x24: {  	v13 =	vand.u32 $0x7FFFFFC0, v13;
	v5 =	vor.u32 $0x3D, v5;
	v31 =	vsel vm0, v3, v4  }
0x25: {  	v3 =	vsel vm0, v4, v3;
	v4 =	vand.u32 $0x7FFFFFC0, v32;
	vm14 =	vlt.s32 v5, v31  }
0x26: {  	v14 =	vand.u32 $0x7FFFFFC0, v14;
	v4 =	vxor.u32 v7, v4;
	v9 =	vsel vm14, v5, v31  }
0x27: {  	v5 =	vsel vm14, v31, v5;
	v4 =	vor.u32 $0x3C, v4;
	vm1 =	vlt.s32 v9, v3  }
0x28: {  	v28 =	vld [tilespmem:s15+$0x2180];
	v7 =	vand.u32 $0xFFFFFFC0, v34;
	vm0 =	vlt.s32 v4, v5;
	v33 =	vsel vm1, v3, v9  }
0x29: {  	v3 =	vsel vm1, v9, v3;
	v10 =	vsel vm0, v4, v5;
	v9 =	vand.u32 $0x7FFFFFC0, v35  }
0x2a: {  	v4 =	vsel vm0, v5, v4;
	vm15 =	vlt.s32 v10, v33;
	v36 =	vxor.u32 v8, v9  }
0x2b: {  	v9 =	vand.u32 $0x7FFFFFC0, v38;
	v37 =	vsel vm15, v33, v10;
	v6 =	vsel vm15, v10, v33  }
0x2c: {  	v5 =	vor.u32 $0x3B, v36;
	v7 =	vxor.u32 v7, v9;
	v9 =	vand.u32 $0xFFFFFFC0, v40  }
0x2d: {  	v10 =	vand.u32 $0xFFFFFFC0, v21;
	v33 =	vshra.s32 v28, $0x1F;
	vm0 =	vlt.s32 v6, v3  }
0x2e: {  	vm4 =	vlt.s32 v5, v4;
	v7 =	vor.u32 $0x3A, v7;
	v9 =	vxor.u32 v9, v13  }
0x2f: {  	v13 =	vand.u32 $0xFFFFFFC0, v47;
	v39 =	vsel vm4, v5, v4;
	v11 =	vsel vm0, v3, v6  }
0x30: {  	v4 =	vsel vm4, v4, v5;
	v3 =	vsel vm0, v6, v3;
	vm2 =	vlt.s32 v39, v37  }
0x31: {  	v36 =	vld [tilespmem:s15+$0x2200];
	v48 =	vor.u32 $0x39, v9;
	vm1 =	vlt.s32 v7, v4;
	v41 =	vsel vm2, v39, v37  }
0x32: {  	v42 =	vsel vm2, v37, v39;
	v44 =	vsel vm1, v7, v4;
	v4 =	vsel vm1, v4, v7  }
0x33: {  	vm5 =	vlt.s32 v41, v11;
	vm2 =	vlt.s32 v44, v42;
	vm1 =	vlt.s32 v48, v4  }
0x34: {  	v43 =	vsel vm5, v41, v11;
	v5 =	vsel vm5, v11, v41;
	v12 =	vsel vm2, v44, v42  }
0x35: {  	v6 =	vsel vm2, v42, v44;
	v50 =	vsel vm1, v48, v4;
	v4 =	vsel vm1, v4, v48  }
0x36: {  	v41 =	vshra.s32 v36, $0x1F;
	vm6 =	vlt.s32 v43, v3;
	vm3 =	vlt.s32 v12, v5  }
0x37: {  	vm9 =	vlt.s32 v50, v6;
	v45 =	vsel vm6, v3, v43;
	v3 =	vsel vm6, v43, v3  }
0x38: {  	v46 =	vsel vm3, v12, v5;
	v5 =	vsel vm3, v5, v12;
	v52 =	vsel vm9, v50, v6  }
0x39: {  	v12 =	vand.u32 $0x7FFFFFC0, v53;
	v6 =	vsel vm9, v6, v50;
	vm7 =	vlt.s32 v46, v45  }
0x3a: {  	vm10 =	vlt.s32 v52, v5;
	v12 =	vxor.u32 v13, v12;
	v13 =	vand.u32 $0xFFFFFFC0, v55  }
0x3b: {  	v49 =	vsel vm7, v46, v45;
	v8 =	vsel vm7, v45, v46;
	v54 =	vsel vm10, v52, v5  }
0x3c: {  	v56 =	vor.u32 $0x38, v12;
	v5 =	vsel vm10, v5, v52;
	v13 =	vxor.u32 v13, v14  }
0x3d: {  	v12 =	vand.u32 $0x7FFFFFC0, v26;
	v14 =	vand.u32 $0x7FFFFFC0, v33;
	vm8 =	vlt.s32 v49, v3  }
0x3e: {  	v43 =	vld [tilespmem:s15+$0x2280];
	vm11 =	vlt.s32 v54, v8;
	vm1 =	vlt.s32 v56, v4;
	v62 =	vor.u32 $0x37, v13  }
0x3f: {  	v50 =	vld [tilespmem:s15+$0x2300];
	v13 =	vand.u32 $0xFFFFFFC0, v63;
	v10 =	vxor.u32 v10, v12;
	v12 =	vand.u32 $0xFFFFFFC0, v28  }
0x40: {  	v51 =	vsel vm8, v3, v49;
	v3 =	vsel vm8, v49, v3;
	v57 =	vsel vm11, v54, v8  }
0x41: {  	v7 =	vsel vm11, v8, v54;
	v58 =	vsel vm1, v56, v4;
	v4 =	vsel vm1, v4, v56  }
0x42: {  	v10 =	vor.u32 $0x35, v10;
	v12 =	vxor.u32 v12, v14;
	vm12 =	vlt.s32 v57, v51  }
0x43: {  	vm13 =	vlt.s32 v58, v6;
	vm7 =	vlt.s32 v62, v4;
	v35 =	vor.u32 $0x34, v12  }
0x44: {  	v12 =	vand.u32 $0xFFFFFFC0, v36;
	v48 =	vshra.s32 v43, $0x1F;
	v55 =	vshra.s32 v50, $0x1F  }
0x45: {  	v59 =	vsel vm12, v51, v57;
	v9 =	vsel vm12, v57, v51;
	v60 =	vsel vm13, v58, v6  }
0x46: {  	v6 =	vsel vm13, v6, v58;
	v16 =	vsel vm7, v62, v4;
	v4 =	vsel vm7, v4, v62  }
0x47: {  	v14 =	vand.u32 $0x7FFFFFC0, v55;
	vm14 =	vgt.s32 v9, v3;
	vm15 =	vlt.s32 v60, v5  }
0x48: {  	vm9 =	vlt.s32 v16, v6;
	v3 =	vsel vm14, v9, v3;
	v61 =	vsel vm15, v60, v5  }
0x49: {  	v58 =	vld [tilespmem:s15+$0x2380];
	v5 =	vsel vm15, v5, v60;
	v18 =	vsel vm9, v16, v6;
	v9 =	vand.u32 $0x7FFFFFC0, v19  }
0x4a: {  	v6 =	vsel vm9, v6, v16;
	vm6 =	vlt.s32 v61, v7;
	vm11 =	vlt.s32 v18, v5  }
0x4b: {  	v9 =	vxor.u32 v13, v9;
	v15 =	vsel vm6, v61, v7;
	v7 =	vsel vm6, v7, v61  }
0x4c: {  	v20 =	vsel vm11, v18, v5;
	v9 =	vor.u32 $0x36, v9;
	v5 =	vsel vm11, v5, v18  }
0x4d: {  	vm8 =	vlt.s32 v15, v59;
	vm12 =	vlt.s32 v20, v7;
	vm14 =	vlt.s32 v9, v4  }
0x4e: {  	v63 =	vshra.s32 v58, $0x1F;
	v17 =	vsel vm8, v15, v59;
	v8 =	vsel vm8, v59, v15  }
0x4f: {  	v22 =	vsel vm12, v20, v7;
	v7 =	vsel vm12, v7, v20;
	v24 =	vsel vm14, v9, v4  }
0x50: {  	v4 =	vsel vm14, v4, v9;
	vm10 =	vgt.s32 v17, v3;
	vm13 =	vlt.s32 v22, v8  }
0x51: {  	vm4 =	vlt.s32 v24, v6;
	vm7 =	vlt.s32 v10, v4;
	v3 =	vsel vm10, v17, v3  }
0x52: {  	v23 =	vsel vm13, v22, v8;
	v8 =	vsel vm13, v8, v22;
	v25 =	vsel vm4, v24, v6  }
0x53: {  	v6 =	vsel vm4, v6, v24;
	v30 =	vsel vm7, v10, v4;
	v4 =	vsel vm7, v4, v10  }
0x54: {  	v10 =	vand.u32 $0xFFFFFFC0, v43;
	vm15 =	vgt.s32 v23, v3;
	vm5 =	vlt.s32 v25, v5  }
0x55: {  	vm9 =	vlt.s32 v30, v6;
	vm13 =	vlt.s32 v35, v4;
	v3 =	vsel vm15, v23, v3  }
0x56: {  	v27 =	vsel vm5, v25, v5;
	v5 =	vsel vm5, v5, v25;
	v32 =	vsel vm9, v30, v6  }
0x57: {  	v17 =	vld [tilespmem:s15+$0x4000];
	v6 =	vsel vm9, v6, v30;
	v38 =	vsel vm13, v35, v4;
	v4 =	vsel vm13, v4, v35  }
0x58: {  	vm6 =	vlt.s32 v27, v7;
	vm11 =	vlt.s32 v32, v5;
	vm15 =	vlt.s32 v38, v6  }
0x59: {  	v24 =	vld [tilespmem:s15+$0x4080];
	v29 =	vsel vm6, v27, v7;
	v7 =	vsel vm6, v7, v27;
	v34 =	vsel vm11, v32, v5  }
0x5a: {  	v5 =	vsel vm11, v5, v32;
	v40 =	vsel vm15, v38, v6;
	v6 =	vsel vm15, v6, v38  }
0x5b: {  	vm8 =	vlt.s32 v29, v8;
	vm12 =	vlt.s32 v34, v7;
	vm5 =	vlt.s32 v40, v5  }
0x5c: {  	v22 =	vshra.s32 v17, $0x1F;
	v31 =	vsel vm8, v8, v29;
	v8 =	vsel vm8, v29, v8  }
0x5d: {  	v37 =	vsel vm12, v34, v7;
	v7 =	vsel vm12, v7, v34;
	v42 =	vsel vm5, v40, v5  }
0x5e: {  	v32 =	vld [tilespmem:s15+$0x4100];
	v5 =	vsel vm5, v5, v40;
	v29 =	vshra.s32 v24, $0x1F;
	vm10 =	vgt.s32 v8, v3  }
0x5f: {  	vm14 =	vlt.s32 v37, v31;
	vm6 =	vlt.s32 v42, v7;
	v3 =	vsel vm10, v8, v3  }
0x60: {  	v39 =	vsel vm14, v37, v31;
	v9 =	vsel vm14, v31, v37;
	v8 =	vand.u32 $0x7FFFFFC0, v41  }
0x61: {  	v44 =	vsel vm6, v42, v7;
	v7 =	vsel vm6, v7, v42;
	vm4 =	vgt.s32 v39, v3  }
0x62: {  	v8 =	vxor.u32 v12, v8;
	vm7 =	vlt.s32 v44, v9;
	v12 =	vand.u32 $0x7FFFFFC0, v48  }
0x63: {  	v37 =	vshra.s32 v32, $0x1F;
	v3 =	vsel vm4, v39, v3;
	v8 =	vor.u32 $0x33, v8  }
0x64: {  	v45 =	vsel vm7, v44, v9;
	v9 =	vsel vm7, v9, v44;
	v10 =	vxor.u32 v10, v12  }
0x65: {  	v12 =	vand.u32 $0xFFFFFFC0, v50;
	vm8 =	vlt.s32 v8, v4;
	vm9 =	vgt.s32 v45, v3  }
0x66: {  	v10 =	vor.u32 $0x32, v10;
	v12 =	vxor.u32 v12, v14;
	v14 =	vand.u32 $0x7FFFFFC0, v29  }
0x67: {  	v39 =	vld [tilespmem:s15+$0x4180];
	v46 =	vsel vm8, v8, v4;
	v3 =	vsel vm9, v45, v3;
	v4 =	vsel vm8, v4, v8  }
0x68: {  	v57 =	vor.u32 $0x31, v12;
	v12 =	vand.u32 $0xFFFFFFC0, v58;
	vm10 =	vlt.s32 v46, v6  }
0x69: {  	vm13 =	vlt.s32 v10, v4;
	v47 =	vsel vm10, v46, v6;
	v6 =	vsel vm10, v6, v46  }
0x6a: {  	v52 =	vsel vm13, v10, v4;
	v4 =	vsel vm13, v4, v10;
	v10 =	vand.u32 $0xFFFFFFC0, v17  }
0x6b: {  	vm11 =	vlt.s32 v47, v5;
	vm15 =	vlt.s32 v52, v6;
	vm9 =	vlt.s32 v57, v4  }
0x6c: {  	v44 =	vshra.s32 v39, $0x1F;
	v49 =	vsel vm11, v47, v5;
	v5 =	vsel vm11, v5, v47  }
0x6d: {  	v54 =	vsel vm15, v52, v6;
	v6 =	vsel vm15, v6, v52;
	v60 =	vsel vm9, v57, v4  }
0x6e: {  	v4 =	vsel vm9, v4, v57;
	vm12 =	vlt.s32 v49, v7;
	vm7 =	vlt.s32 v54, v5  }
0x6f: {  	v46 =	vld [tilespmem:s15+$0x4200];
	vm11 =	vlt.s32 v60, v6;
	v51 =	vsel vm12, v49, v7;
	v7 =	vsel vm12, v7, v49  }
0x70: {  	v56 =	vsel vm7, v54, v5;
	v5 =	vsel vm7, v5, v54;
	v62 =	vsel vm11, v60, v6  }
0x71: {  	v6 =	vsel vm11, v6, v60;
	vm14 =	vlt.s32 v51, v9;
	vm8 =	vlt.s32 v56, v7  }
0x72: {  	vm13 =	vlt.s32 v62, v5;
	v53 =	vsel vm14, v9, v51;
	v9 =	vsel vm14, v51, v9  }
0x73: {  	v59 =	vsel vm8, v56, v7;
	v7 =	vsel vm8, v7, v56;
	v16 =	vsel vm13, v62, v5  }
0x74: {  	v54 =	vld [tilespmem:s15+$0x4280];
	v5 =	vsel vm13, v5, v62;
	v51 =	vshra.s32 v46, $0x1F;
	vm6 =	vgt.s32 v9, v3  }
0x75: {  	vm10 =	vlt.s32 v59, v53;
	vm14 =	vlt.s32 v16, v7;
	v3 =	vsel vm6, v9, v3  }
0x76: {  	v61 =	vsel vm10, v59, v53;
	v8 =	vsel vm10, v53, v59;
	v9 =	vand.u32 $0x7FFFFFC0, v63  }
0x77: {  	v18 =	vsel vm14, v16, v7;
	v7 =	vsel vm14, v7, v16;
	vm12 =	vgt.s32 v61, v3  }
0x78: {  	v9 =	vxor.u32 v12, v9;
	vm15 =	vlt.s32 v18, v8;
	v12 =	vand.u32 $0x7FFFFFC0, v22  }
0x79: {  	v59 =	vshra.s32 v54, $0x1F;
	v3 =	vsel vm12, v61, v3;
	v9 =	vor.u32 $0x30, v9  }
0x7a: {  	v19 =	vsel vm15, v18, v8;
	v8 =	vsel vm15, v8, v18;
	v10 =	vxor.u32 v10, v12  }
0x7b: {  	v12 =	vand.u32 $0xFFFFFFC0, v24;
	vm4 =	vlt.s32 v9, v4;
	vm5 =	vgt.s32 v19, v3  }
0x7c: {  	v10 =	vor.u32 $0x2F, v10;
	v12 =	vxor.u32 v12, v14;
	v14 =	vand.u32 $0x7FFFFFC0, v51  }
0x7d: {  	v61 =	vld [tilespmem:s15+$0x4300];
	v20 =	vsel vm4, v9, v4;
	v3 =	vsel vm5, v19, v3;
	v4 =	vsel vm4, v4, v9  }
0x7e: {  	v31 =	vor.u32 $0x2E, v12;
	v12 =	vand.u32 $0xFFFFFFC0, v32;
	vm6 =	vlt.s32 v20, v6  }
0x7f: {  	vm9 =	vlt.s32 v10, v4;
	v21 =	vsel vm6, v20, v6;
	v6 =	vsel vm6, v6, v20  }
0x80: {  	v26 =	vsel vm9, v10, v4;
	v4 =	vsel vm9, v4, v10;
	v10 =	vand.u32 $0xFFFFFFC0, v39  }
0x81: {  	vm7 =	vlt.s32 v21, v5;
	vm11 =	vlt.s32 v26, v6;
	vm15 =	vlt.s32 v31, v4  }
0x82: {  	v18 =	vshra.s32 v61, $0x1F;
	v23 =	vsel vm7, v21, v5;
	v5 =	vsel vm7, v5, v21  }
0x83: {  	v28 =	vsel vm11, v26, v6;
	v6 =	vsel vm11, v6, v26;
	v34 =	vsel vm15, v31, v4  }
0x84: {  	v4 =	vsel vm15, v4, v31;
	vm8 =	vlt.s32 v23, v7;
	vm13 =	vlt.s32 v28, v5  }
0x85: {  	v20 =	vld [tilespmem:s15+$0x4380];
	vm5 =	vlt.s32 v34, v6;
	v25 =	vsel vm8, v23, v7;
	v7 =	vsel vm8, v7, v23  }
0x86: {  	v30 =	vsel vm13, v28, v5;
	v5 =	vsel vm13, v5, v28;
	v36 =	vsel vm5, v34, v6  }
0x87: {  	v6 =	vsel vm5, v6, v34;
	vm10 =	vlt.s32 v25, v8;
	vm14 =	vlt.s32 v30, v7  }
0x88: {  	vm7 =	vlt.s32 v36, v5;
	v27 =	vsel vm10, v8, v25;
	v8 =	vsel vm10, v25, v8  }
0x89: {  	v33 =	vsel vm14, v30, v7;
	v7 =	vsel vm14, v7, v30;
	v38 =	vsel vm7, v36, v5  }
0x8a: {  	v28 =	vld [tilespmem:s15+$0x6000];
	v5 =	vsel vm7, v5, v36;
	v25 =	vshra.s32 v20, $0x1F;
	vm12 =	vgt.s32 v8, v3  }
0x8b: {  	vm4 =	vlt.s32 v33, v27;
	vm8 =	vlt.s32 v38, v7;
	v3 =	vsel vm12, v8, v3  }
0x8c: {  	v35 =	vsel vm4, v33, v27;
	v9 =	vsel vm4, v27, v33;
	v8 =	vand.u32 $0x7FFFFFC0, v37  }
0x8d: {  	v40 =	vsel vm8, v38, v7;
	v7 =	vsel vm8, v7, v38;
	vm6 =	vgt.s32 v35, v3  }
0x8e: {  	v8 =	vxor.u32 v12, v8;
	vm9 =	vlt.s32 v40, v9;
	v12 =	vand.u32 $0x7FFFFFC0, v44  }
0x8f: {  	v33 =	vshra.s32 v28, $0x1F;
	v3 =	vsel vm6, v35, v3;
	v8 =	vor.u32 $0x2D, v8  }
0x90: {  	v41 =	vsel vm9, v40, v9;
	v9 =	vsel vm9, v9, v40;
	v10 =	vxor.u32 v10, v12  }
0x91: {  	v12 =	vand.u32 $0xFFFFFFC0, v46;
	vm10 =	vlt.s32 v8, v4;
	vm11 =	vgt.s32 v41, v3  }
0x92: {  	v10 =	vor.u32 $0x2C, v10;
	v12 =	vxor.u32 v12, v14;
	v14 =	vand.u32 $0x7FFFFFC0, v25  }
0x93: {  	v35 =	vld [tilespmem:s15+$0x6080];
	v42 =	vsel vm10, v8, v4;
	v3 =	vsel vm11, v41, v3;
	v4 =	vsel vm10, v4, v8  }
0x94: {  	v53 =	vor.u32 $0x2B, v12;
	v12 =	vand.u32 $0xFFFFFFC0, v54;
	vm12 =	vlt.s32 v42, v6  }
0x95: {  	vm15 =	vlt.s32 v10, v4;
	v43 =	vsel vm12, v42, v6;
	v6 =	vsel vm12, v6, v42  }
0x96: {  	v48 =	vsel vm15, v10, v4;
	v4 =	vsel vm15, v4, v10;
	v10 =	vand.u32 $0xFFFFFFC0, v61  }
0x97: {  	vm13 =	vlt.s32 v43, v5;
	vm7 =	vlt.s32 v48, v6;
	vm11 =	vlt.s32 v53, v4  }
0x98: {  	v40 =	vshra.s32 v35, $0x1F;
	v45 =	vsel vm13, v43, v5;
	v5 =	vsel vm13, v5, v43  }
0x99: {  	v50 =	vsel vm7, v48, v6;
	v6 =	vsel vm7, v6, v48;
	v56 =	vsel vm11, v53, v4  }
0x9a: {  	v4 =	vsel vm11, v4, v53;
	vm14 =	vlt.s32 v45, v7;
	vm9 =	vlt.s32 v50, v5  }
0x9b: {  	v42 =	vld [tilespmem:s15+$0x6100];
	vm13 =	vlt.s32 v56, v6;
	v47 =	vsel vm14, v45, v7;
	v7 =	vsel vm14, v7, v45  }
0x9c: {  	v52 =	vsel vm9, v50, v5;
	v5 =	vsel vm9, v5, v50;
	v58 =	vsel vm13, v56, v6  }
0x9d: {  	v6 =	vsel vm13, v6, v56;
	vm6 =	vlt.s32 v47, v9;
	vm10 =	vlt.s32 v52, v7  }
0x9e: {  	vm15 =	vlt.s32 v58, v5;
	v49 =	vsel vm6, v9, v47;
	v9 =	vsel vm6, v47, v9  }
0x9f: {  	v55 =	vsel vm10, v52, v7;
	v7 =	vsel vm10, v7, v52;
	v60 =	vsel vm15, v58, v5  }
0xa0: {  	v50 =	vld [tilespmem:s15+$0x6180];
	v5 =	vsel vm15, v5, v58;
	v47 =	vshra.s32 v42, $0x1F;
	vm8 =	vgt.s32 v9, v3  }
0xa1: {  	vm12 =	vlt.s32 v55, v49;
	vm4 =	vlt.s32 v60, v7;
	v3 =	vsel vm8, v9, v3  }
0xa2: {  	v57 =	vsel vm12, v55, v49;
	v8 =	vsel vm12, v49, v55;
	v9 =	vand.u32 $0x7FFFFFC0, v59  }
0xa3: {  	v62 =	vsel vm4, v60, v7;
	v7 =	vsel vm4, v7, v60;
	vm14 =	vgt.s32 v57, v3  }
0xa4: {  	v9 =	vxor.u32 v12, v9;
	vm5 =	vlt.s32 v62, v8;
	v12 =	vand.u32 $0x7FFFFFC0, v18  }
0xa5: {  	v55 =	vshra.s32 v50, $0x1F;
	v3 =	vsel vm14, v57, v3;
	v9 =	vor.u32 $0x2A, v9  }
0xa6: {  	v63 =	vsel vm5, v62, v8;
	v8 =	vsel vm5, v8, v62;
	v10 =	vxor.u32 v10, v12  }
0xa7: {  	v12 =	vand.u32 $0xFFFFFFC0, v20;
	vm6 =	vlt.s32 v9, v4;
	vm7 =	vgt.s32 v63, v3  }
0xa8: {  	v10 =	vor.u32 $0x29, v10;
	v12 =	vxor.u32 v12, v14;
	v14 =	vand.u32 $0x7FFFFFC0, v47  }
0xa9: {  	v57 =	vld [tilespmem:s15+$0x6200];
	v16 =	vsel vm6, v9, v4;
	v3 =	vsel vm7, v63, v3;
	v4 =	vsel vm6, v4, v9  }
0xaa: {  	v27 =	vor.u32 $0x28, v12;
	v12 =	vand.u32 $0xFFFFFFC0, v28;
	vm8 =	vlt.s32 v16, v6  }
0xab: {  	vm11 =	vlt.s32 v10, v4;
	v17 =	vsel vm8, v16, v6;
	v6 =	vsel vm8, v6, v16  }
0xac: {  	v22 =	vsel vm11, v10, v4;
	v4 =	vsel vm11, v4, v10;
	v10 =	vand.u32 $0xFFFFFFC0, v35  }
0xad: {  	vm9 =	vlt.s32 v17, v5;
	vm13 =	vlt.s32 v22, v6;
	vm7 =	vlt.s32 v27, v4  }
0xae: {  	v62 =	vshra.s32 v57, $0x1F;
	v19 =	vsel vm9, v17, v5;
	v5 =	vsel vm9, v5, v17  }
0xaf: {  	v24 =	vsel vm13, v22, v6;
	v6 =	vsel vm13, v6, v22;
	v30 =	vsel vm7, v27, v4  }
0xb0: {  	v4 =	vsel vm7, v4, v27;
	vm10 =	vlt.s32 v19, v7;
	vm15 =	vlt.s32 v24, v5  }
0xb1: {  	v16 =	vld [tilespmem:s15+$0x6280];
	vm9 =	vlt.s32 v30, v6;
	v21 =	vsel vm10, v19, v7;
	v7 =	vsel vm10, v7, v19  }
0xb2: {  	v26 =	vsel vm15, v24, v5;
	v5 =	vsel vm15, v5, v24;
	v32 =	vsel vm9, v30, v6  }
0xb3: {  	v6 =	vsel vm9, v6, v30;
	vm12 =	vlt.s32 v21, v8;
	vm6 =	vlt.s32 v26, v7  }
0xb4: {  	vm11 =	vlt.s32 v32, v5;
	v23 =	vsel vm12, v8, v21;
	v8 =	vsel vm12, v21, v8  }
0xb5: {  	v29 =	vsel vm6, v26, v7;
	v7 =	vsel vm6, v7, v26;
	v34 =	vsel vm11, v32, v5  }
0xb6: {  	v24 =	vld [tilespmem:s15+$0x6300];
	v5 =	vsel vm11, v5, v32;
	v21 =	vshra.s32 v16, $0x1F;
	vm14 =	vgt.s32 v8, v3  }
0xb7: {  	vm8 =	vlt.s32 v29, v23;
	vm12 =	vlt.s32 v34, v7;
	v3 =	vsel vm14, v8, v3  }
0xb8: {  	v31 =	vsel vm8, v29, v23;
	v9 =	vsel vm8, v23, v29;
	v8 =	vand.u32 $0x7FFFFFC0, v33  }
0xb9: {  	v36 =	vsel vm12, v34, v7;
	v7 =	vsel vm12, v7, v34;
	vm10 =	vgt.s32 v31, v3  }
0xba: {  	v8 =	vxor.u32 v12, v8;
	vm13 =	vlt.s32 v36, v9;
	v12 =	vand.u32 $0x7FFFFFC0, v40  }
0xbb: {  	v29 =	vshra.s32 v24, $0x1F;
	v3 =	vsel vm10, v31, v3;
	v8 =	vor.u32 $0x27, v8  }
0xbc: {  	v37 =	vsel vm13, v36, v9;
	v9 =	vsel vm13, v9, v36;
	v10 =	vxor.u32 v10, v12  }
0xbd: {  	v12 =	vand.u32 $0xFFFFFFC0, v42;
	vm14 =	vlt.s32 v8, v4;
	vm15 =	vgt.s32 v37, v3  }
0xbe: {  	v10 =	vor.u32 $0x26, v10;
	v12 =	vxor.u32 v12, v14;
	v14 =	vand.u32 $0x7FFFFFC0, v21  }
0xbf: {  	v31 =	vld [tilespmem:s15+$0x6380];
	v38 =	vsel vm14, v8, v4;
	v3 =	vsel vm15, v37, v3;
	v4 =	vsel vm14, v4, v8  }
0xc0: {  	v49 =	vor.u32 $0x25, v12;
	v12 =	vand.u32 $0xFFFFFFC0, v50;
	vm4 =	vlt.s32 v38, v6  }
0xc1: {  	vm7 =	vlt.s32 v10, v4;
	v39 =	vsel vm4, v38, v6;
	v6 =	vsel vm4, v6, v38  }
0xc2: {  	v44 =	vsel vm7, v10, v4;
	v4 =	vsel vm7, v4, v10;
	v10 =	vand.u32 $0xFFFFFFC0, v57  }
0xc3: {  	vm5 =	vlt.s32 v39, v5;
	vm9 =	vlt.s32 v44, v6;
	vm13 =	vlt.s32 v49, v4  }
0xc4: {  	v36 =	vshra.s32 v31, $0x1F;
	v41 =	vsel vm5, v39, v5;
	v5 =	vsel vm5, v5, v39  }
0xc5: {  	v46 =	vsel vm9, v44, v6;
	v6 =	vsel vm9, v6, v44;
	v52 =	vsel vm13, v49, v4  }
0xc6: {  	v4 =	vsel vm13, v4, v49;
	vm6 =	vlt.s32 v41, v7;
	vm11 =	vlt.s32 v46, v5  }
0xc7: {  	v38 =	vld [tilespmem:s15+$0x8000];
	vm15 =	vlt.s32 v52, v6;
	v43 =	vsel vm6, v41, v7;
	v7 =	vsel vm6, v7, v41  }
0xc8: {  	v48 =	vsel vm11, v46, v5;
	v5 =	vsel vm11, v5, v46;
	v54 =	vsel vm15, v52, v6  }
0xc9: {  	v6 =	vsel vm15, v6, v52;
	vm8 =	vlt.s32 v43, v9;
	vm12 =	vlt.s32 v48, v7  }
0xca: {  	vm5 =	vlt.s32 v54, v5;
	v45 =	vsel vm8, v9, v43;
	v9 =	vsel vm8, v43, v9  }
0xcb: {  	v51 =	vsel vm12, v48, v7;
	v7 =	vsel vm12, v7, v48;
	v56 =	vsel vm5, v54, v5  }
0xcc: {  	v46 =	vld [tilespmem:s15+$0x8080];
	v5 =	vsel vm5, v5, v54;
	v43 =	vshra.s32 v38, $0x1F;
	vm10 =	vgt.s32 v9, v3  }
0xcd: {  	vm14 =	vlt.s32 v51, v45;
	vm6 =	vlt.s32 v56, v7;
	v3 =	vsel vm10, v9, v3  }
0xce: {  	v53 =	vsel vm14, v51, v45;
	v8 =	vsel vm14, v45, v51;
	v9 =	vand.u32 $0x7FFFFFC0, v55  }
0xcf: {  	v58 =	vsel vm6, v56, v7;
	v7 =	vsel vm6, v7, v56;
	vm4 =	vgt.s32 v53, v3  }
0xd0: {  	v9 =	vxor.u32 v12, v9;
	vm7 =	vlt.s32 v58, v8;
	v12 =	vand.u32 $0x7FFFFFC0, v62  }
0xd1: {  	v51 =	vshra.s32 v46, $0x1F;
	v3 =	vsel vm4, v53, v3;
	v9 =	vor.u32 $0x24, v9  }
0xd2: {  	v59 =	vsel vm7, v58, v8;
	v8 =	vsel vm7, v8, v58;
	v10 =	vxor.u32 v10, v12  }
0xd3: {  	v12 =	vand.u32 $0xFFFFFFC0, v16;
	vm8 =	vlt.s32 v9, v4;
	vm9 =	vgt.s32 v59, v3  }
0xd4: {  	v10 =	vor.u32 $0x23, v10;
	v12 =	vxor.u32 v12, v14;
	v14 =	vand.u32 $0x7FFFFFC0, v43  }
0xd5: {  	v53 =	vld [tilespmem:s15+$0x8100];
	v60 =	vsel vm8, v9, v4;
	v3 =	vsel vm9, v59, v3;
	v4 =	vsel vm8, v4, v9  }
0xd6: {  	v23 =	vor.u32 $0x22, v12;
	v12 =	vand.u32 $0xFFFFFFC0, v24;
	vm10 =	vlt.s32 v60, v6  }
0xd7: {  	vm13 =	vlt.s32 v10, v4;
	v61 =	vsel vm10, v60, v6;
	v6 =	vsel vm10, v6, v60  }
0xd8: {  	v18 =	vsel vm13, v10, v4;
	v4 =	vsel vm13, v4, v10;
	v10 =	vand.u32 $0xFFFFFFC0, v31  }
0xd9: {  	vm11 =	vlt.s32 v61, v5;
	vm15 =	vlt.s32 v18, v6;
	vm9 =	vlt.s32 v23, v4  }
0xda: {  	v58 =	vshra.s32 v53, $0x1F;
	v63 =	vsel vm11, v61, v5;
	v5 =	vsel vm11, v5, v61  }
0xdb: {  	v20 =	vsel vm15, v18, v6;
	v6 =	vsel vm15, v6, v18;
	v26 =	vsel vm9, v23, v4  }
0xdc: {  	v4 =	vsel vm9, v4, v23;
	vm12 =	vlt.s32 v63, v7;
	vm7 =	vlt.s32 v20, v5  }
0xdd: {  	v60 =	vld [tilespmem:s15+$0x8180];
	vm11 =	vlt.s32 v26, v6;
	v17 =	vsel vm12, v63, v7;
	v7 =	vsel vm12, v7, v63  }
0xde: {  	v22 =	vsel vm7, v20, v5;
	v5 =	vsel vm7, v5, v20;
	v28 =	vsel vm11, v26, v6  }
0xdf: {  	v6 =	vsel vm11, v6, v26;
	vm14 =	vlt.s32 v17, v8;
	vm8 =	vlt.s32 v22, v7  }
0xe0: {  	vm13 =	vlt.s32 v28, v5;
	v19 =	vsel vm14, v8, v17;
	v8 =	vsel vm14, v17, v8  }
0xe1: {  	v25 =	vsel vm8, v22, v7;
	v7 =	vsel vm8, v7, v22;
	v30 =	vsel vm13, v28, v5  }
0xe2: {  	v20 =	vld [tilespmem:s15+$0x8200];
	v5 =	vsel vm13, v5, v28;
	v17 =	vshra.s32 v60, $0x1F;
	vm6 =	vgt.s32 v8, v3  }
0xe3: {  	vm10 =	vlt.s32 v25, v19;
	vm14 =	vlt.s32 v30, v7;
	v3 =	vsel vm6, v8, v3  }
0xe4: {  	v27 =	vsel vm10, v25, v19;
	v9 =	vsel vm10, v19, v25;
	v8 =	vand.u32 $0x7FFFFFC0, v29  }
0xe5: {  	v32 =	vsel vm14, v30, v7;
	v7 =	vsel vm14, v7, v30;
	vm12 =	vgt.s32 v27, v3  }
0xe6: {  	v8 =	vxor.u32 v12, v8;
	vm15 =	vlt.s32 v32, v9;
	v12 =	vand.u32 $0x7FFFFFC0, v36  }
0xe7: {  	v25 =	vshra.s32 v20, $0x1F;
	v3 =	vsel vm12, v27, v3;
	v8 =	vor.u32 $0x21, v8  }
0xe8: {  	v33 =	vsel vm15, v32, v9;
	v9 =	vsel vm15, v9, v32;
	v10 =	vxor.u32 v10, v12  }
0xe9: {  	v12 =	vand.u32 $0xFFFFFFC0, v38;
	vm4 =	vlt.s32 v8, v4;
	vm5 =	vgt.s32 v33, v3  }
0xea: {  	v10 =	vor.u32 $0x20, v10;
	v12 =	vxor.u32 v12, v14;
	v14 =	vand.u32 $0x7FFFFFC0, v17  }
0xeb: {  	v27 =	vld [tilespmem:s15+$0x8280];
	v34 =	vsel vm4, v8, v4;
	v3 =	vsel vm5, v33, v3;
	v4 =	vsel vm4, v4, v8  }
0xec: {  	v45 =	vor.u32 $0x1F, v12;
	v12 =	vand.u32 $0xFFFFFFC0, v46;
	vm6 =	vlt.s32 v34, v6  }
0xed: {  	vm9 =	vlt.s32 v10, v4;
	v35 =	vsel vm6, v34, v6;
	v6 =	vsel vm6, v6, v34  }
0xee: {  	v40 =	vsel vm9, v10, v4;
	v4 =	vsel vm9, v4, v10;
	v10 =	vand.u32 $0xFFFFFFC0, v53  }
0xef: {  	vm7 =	vlt.s32 v35, v5;
	vm11 =	vlt.s32 v40, v6;
	vm15 =	vlt.s32 v45, v4  }
0xf0: {  	v32 =	vshra.s32 v27, $0x1F;
	v37 =	vsel vm7, v35, v5;
	v5 =	vsel vm7, v5, v35  }
0xf1: {  	v42 =	vsel vm11, v40, v6;
	v6 =	vsel vm11, v6, v40;
	v48 =	vsel vm15, v45, v4  }
0xf2: {  	v4 =	vsel vm15, v4, v45;
	vm8 =	vlt.s32 v37, v7;
	vm13 =	vlt.s32 v42, v5  }
0xf3: {  	v34 =	vld [tilespmem:s15+$0x8300];
	vm5 =	vlt.s32 v48, v6;
	v39 =	vsel vm8, v37, v7;
	v7 =	vsel vm8, v7, v37  }
0xf4: {  	v44 =	vsel vm13, v42, v5;
	v5 =	vsel vm13, v5, v42;
	v50 =	vsel vm5, v48, v6  }
0xf5: {  	v6 =	vsel vm5, v6, v48;
	vm10 =	vlt.s32 v39, v9;
	vm14 =	vlt.s32 v44, v7  }
0xf6: {  	vm7 =	vlt.s32 v50, v5;
	v41 =	vsel vm10, v9, v39;
	v9 =	vsel vm10, v39, v9  }
0xf7: {  	v47 =	vsel vm14, v44, v7;
	v7 =	vsel vm14, v7, v44;
	v52 =	vsel vm7, v50, v5  }
0xf8: {  	v42 =	vld [tilespmem:s15+$0x8380];
	v5 =	vsel vm7, v5, v50;
	v39 =	vshra.s32 v34, $0x1F;
	vm12 =	vgt.s32 v9, v3  }
0xf9: {  	vm4 =	vlt.s32 v47, v41;
	vm8 =	vlt.s32 v52, v7;
	v3 =	vsel vm12, v9, v3  }
0xfa: {  	v49 =	vsel vm4, v47, v41;
	v8 =	vsel vm4, v41, v47;
	v9 =	vand.u32 $0x7FFFFFC0, v51  }
0xfb: {  	v54 =	vsel vm8, v52, v7;
	v7 =	vsel vm8, v7, v52;
	vm6 =	vgt.s32 v49, v3  }
0xfc: {  	v9 =	vxor.u32 v12, v9;
	vm9 =	vlt.s32 v54, v8;
	v12 =	vand.u32 $0x7FFFFFC0, v58  }
0xfd: {  	v47 =	vshra.s32 v42, $0x1F;
	v3 =	vsel vm6, v49, v3;
	v9 =	vor.u32 $0x1E, v9  }
0xfe: {  	v55 =	vsel vm9, v54, v8;
	v8 =	vsel vm9, v8, v54;
	v10 =	vxor.u32 v10, v12  }
0xff: {  	v12 =	vand.u32 $0xFFFFFFC0, v60;
	vm10 =	vlt.s32 v9, v4;
	vm11 =	vgt.s32 v55, v3  }
0x100: {  	v10 =	vor.u32 $0x1D, v10;
	v12 =	vxor.u32 v12, v14;
	v14 =	vand.u32 $0x7FFFFFC0, v39  }
0x101: {  	v49 =	vld [tilespmem:s15+$0xA000];
	v56 =	vsel vm10, v9, v4;
	v3 =	vsel vm11, v55, v3;
	v4 =	vsel vm10, v4, v9  }
0x102: {  	v19 =	vor.u32 $0x1C, v12;
	v12 =	vand.u32 $0xFFFFFFC0, v20;
	vm12 =	vlt.s32 v56, v6  }
0x103: {  	vm15 =	vlt.s32 v10, v4;
	v57 =	vsel vm12, v56, v6;
	v6 =	vsel vm12, v6, v56  }
0x104: {  	v62 =	vsel vm15, v10, v4;
	v4 =	vsel vm15, v4, v10;
	v10 =	vand.u32 $0xFFFFFFC0, v27  }
0x105: {  	vm13 =	vlt.s32 v57, v5;
	vm7 =	vlt.s32 v62, v6;
	vm11 =	vlt.s32 v19, v4  }
0x106: {  	v54 =	vshra.s32 v49, $0x1F;
	v59 =	vsel vm13, v57, v5;
	v5 =	vsel vm13, v5, v57  }
0x107: {  	v16 =	vsel vm7, v62, v6;
	v6 =	vsel vm7, v6, v62;
	v22 =	vsel vm11, v19, v4  }
0x108: {  	v4 =	vsel vm11, v4, v19;
	vm14 =	vlt.s32 v59, v7;
	vm9 =	vlt.s32 v16, v5  }
0x109: {  	v56 =	vld [tilespmem:s15+$0xA080];
	vm13 =	vlt.s32 v22, v6;
	v61 =	vsel vm14, v59, v7;
	v7 =	vsel vm14, v7, v59  }
0x10a: {  	v18 =	vsel vm9, v16, v5;
	v5 =	vsel vm9, v5, v16;
	v24 =	vsel vm13, v22, v6  }
0x10b: {  	v6 =	vsel vm13, v6, v22;
	vm6 =	vlt.s32 v61, v8;
	vm10 =	vlt.s32 v18, v7  }
0x10c: {  	vm15 =	vlt.s32 v24, v5;
	v63 =	vsel vm6, v8, v61;
	v8 =	vsel vm6, v61, v8  }
0x10d: {  	v21 =	vsel vm10, v18, v7;
	v7 =	vsel vm10, v7, v18;
	v26 =	vsel vm15, v24, v5  }
0x10e: {  	v16 =	vld [tilespmem:s15+$0xA100];
	v5 =	vsel vm15, v5, v24;
	v61 =	vshra.s32 v56, $0x1F;
	vm8 =	vgt.s32 v8, v3  }
0x10f: {  	vm12 =	vlt.s32 v21, v63;
	vm4 =	vlt.s32 v26, v7;
	v3 =	vsel vm8, v8, v3  }
0x110: {  	v23 =	vsel vm12, v21, v63;
	v9 =	vsel vm12, v63, v21;
	v8 =	vand.u32 $0x7FFFFFC0, v25  }
0x111: {  	v28 =	vsel vm4, v26, v7;
	v7 =	vsel vm4, v7, v26;
	vm14 =	vgt.s32 v23, v3  }
0x112: {  	v8 =	vxor.u32 v12, v8;
	vm5 =	vlt.s32 v28, v9;
	v12 =	vand.u32 $0x7FFFFFC0, v32  }
0x113: {  	v21 =	vshra.s32 v16, $0x1F;
	v3 =	vsel vm14, v23, v3;
	v8 =	vor.u32 $0x1B, v8  }
0x114: {  	v29 =	vsel vm5, v28, v9;
	v9 =	vsel vm5, v9, v28;
	v10 =	vxor.u32 v10, v12  }
0x115: {  	v12 =	vand.u32 $0xFFFFFFC0, v34;
	vm6 =	vlt.s32 v8, v4;
	vm7 =	vgt.s32 v29, v3  }
0x116: {  	v10 =	vor.u32 $0x1A, v10;
	v12 =	vxor.u32 v12, v14;
	v14 =	vand.u32 $0x7FFFFFC0, v61  }
0x117: {  	v23 =	vld [tilespmem:s15+$0xA180];
	v30 =	vsel vm6, v8, v4;
	v3 =	vsel vm7, v29, v3;
	v4 =	vsel vm6, v4, v8  }
0x118: {  	v41 =	vor.u32 $0x19, v12;
	v12 =	vand.u32 $0xFFFFFFC0, v42;
	vm8 =	vlt.s32 v30, v6  }
0x119: {  	vm11 =	vlt.s32 v10, v4;
	v31 =	vsel vm8, v30, v6;
	v6 =	vsel vm8, v6, v30  }
0x11a: {  	v36 =	vsel vm11, v10, v4;
	v4 =	vsel vm11, v4, v10;
	v10 =	vand.u32 $0xFFFFFFC0, v49  }
0x11b: {  	vm9 =	vlt.s32 v31, v5;
	vm13 =	vlt.s32 v36, v6;
	vm7 =	vlt.s32 v41, v4  }
0x11c: {  	v28 =	vshra.s32 v23, $0x1F;
	v33 =	vsel vm9, v31, v5;
	v5 =	vsel vm9, v5, v31  }
0x11d: {  	v38 =	vsel vm13, v36, v6;
	v6 =	vsel vm13, v6, v36;
	v44 =	vsel vm7, v41, v4  }
0x11e: {  	v4 =	vsel vm7, v4, v41;
	vm10 =	vlt.s32 v33, v7;
	vm15 =	vlt.s32 v38, v5  }
0x11f: {  	v30 =	vld [tilespmem:s15+$0xA200];
	vm9 =	vlt.s32 v44, v6;
	v35 =	vsel vm10, v33, v7;
	v7 =	vsel vm10, v7, v33  }
0x120: {  	v40 =	vsel vm15, v38, v5;
	v5 =	vsel vm15, v5, v38;
	v46 =	vsel vm9, v44, v6  }
0x121: {  	v6 =	vsel vm9, v6, v44;
	vm12 =	vlt.s32 v35, v9;
	vm6 =	vlt.s32 v40, v7  }
0x122: {  	vm11 =	vlt.s32 v46, v5;
	v37 =	vsel vm12, v9, v35;
	v9 =	vsel vm12, v35, v9  }
0x123: {  	v43 =	vsel vm6, v40, v7;
	v7 =	vsel vm6, v7, v40;
	v48 =	vsel vm11, v46, v5  }
0x124: {  	v38 =	vld [tilespmem:s15+$0xA280];
	v5 =	vsel vm11, v5, v46;
	v35 =	vshra.s32 v30, $0x1F;
	vm14 =	vgt.s32 v9, v3  }
0x125: {  	vm8 =	vlt.s32 v43, v37;
	vm12 =	vlt.s32 v48, v7;
	v3 =	vsel vm14, v9, v3  }
0x126: {  	v45 =	vsel vm8, v43, v37;
	v8 =	vsel vm8, v37, v43;
	v9 =	vand.u32 $0x7FFFFFC0, v47  }
0x127: {  	v50 =	vsel vm12, v48, v7;
	v7 =	vsel vm12, v7, v48;
	vm10 =	vgt.s32 v45, v3  }
0x128: {  	v9 =	vxor.u32 v12, v9;
	vm13 =	vlt.s32 v50, v8;
	v12 =	vand.u32 $0x7FFFFFC0, v54  }
0x129: {  	v43 =	vshra.s32 v38, $0x1F;
	v3 =	vsel vm10, v45, v3;
	v9 =	vor.u32 $0x18, v9  }
0x12a: {  	v51 =	vsel vm13, v50, v8;
	v8 =	vsel vm13, v8, v50;
	v10 =	vxor.u32 v10, v12  }
0x12b: {  	v12 =	vand.u32 $0xFFFFFFC0, v56;
	vm14 =	vlt.s32 v9, v4;
	vm15 =	vgt.s32 v51, v3  }
0x12c: {  	v10 =	vor.u32 $0x17, v10;
	v12 =	vxor.u32 v12, v14;
	v14 =	vand.u32 $0x7FFFFFC0, v35  }
0x12d: {  	v45 =	vld [tilespmem:s15+$0xA300];
	v52 =	vsel vm14, v9, v4;
	v3 =	vsel vm15, v51, v3;
	v4 =	vsel vm14, v4, v9  }
0x12e: {  	v63 =	vor.u32 $0x16, v12;
	v12 =	vand.u32 $0xFFFFFFC0, v16;
	vm4 =	vlt.s32 v52, v6  }
0x12f: {  	vm7 =	vlt.s32 v10, v4;
	v53 =	vsel vm4, v52, v6;
	v6 =	vsel vm4, v6, v52  }
0x130: {  	v58 =	vsel vm7, v10, v4;
	v4 =	vsel vm7, v4, v10;
	v10 =	vand.u32 $0xFFFFFFC0, v23  }
0x131: {  	vm5 =	vlt.s32 v53, v5;
	vm9 =	vlt.s32 v58, v6;
	vm13 =	vlt.s32 v63, v4  }
0x132: {  	v50 =	vshra.s32 v45, $0x1F;
	v55 =	vsel vm5, v53, v5;
	v5 =	vsel vm5, v5, v53  }
0x133: {  	v60 =	vsel vm9, v58, v6;
	v6 =	vsel vm9, v6, v58;
	v18 =	vsel vm13, v63, v4  }
0x134: {  	v4 =	vsel vm13, v4, v63;
	vm6 =	vlt.s32 v55, v7;
	vm11 =	vlt.s32 v60, v5  }
0x135: {  	v52 =	vld [tilespmem:s15+$0xA380];
	vm15 =	vlt.s32 v18, v6;
	v57 =	vsel vm6, v55, v7;
	v7 =	vsel vm6, v7, v55  }
0x136: {  	v62 =	vsel vm11, v60, v5;
	v5 =	vsel vm11, v5, v60;
	v20 =	vsel vm15, v18, v6  }
0x137: {  	v6 =	vsel vm15, v6, v18;
	vm8 =	vlt.s32 v57, v8;
	vm12 =	vlt.s32 v62, v7  }
0x138: {  	vm5 =	vlt.s32 v20, v5;
	v59 =	vsel vm8, v8, v57;
	v8 =	vsel vm8, v57, v8  }
0x139: {  	v17 =	vsel vm12, v62, v7;
	v7 =	vsel vm12, v7, v62;
	v22 =	vsel vm5, v20, v5  }
0x13a: {  	v60 =	vld [tilespmem:s15+$0xC000];
	v5 =	vsel vm5, v5, v20;
	v57 =	vshra.s32 v52, $0x1F;
	vm10 =	vgt.s32 v8, v3  }
0x13b: {  	vm14 =	vlt.s32 v17, v59;
	vm6 =	vlt.s32 v22, v7;
	v3 =	vsel vm10, v8, v3  }
0x13c: {  	v19 =	vsel vm14, v17, v59;
	v9 =	vsel vm14, v59, v17;
	v8 =	vand.u32 $0x7FFFFFC0, v21  }
0x13d: {  	v24 =	vsel vm6, v22, v7;
	v7 =	vsel vm6, v7, v22;
	vm4 =	vgt.s32 v19, v3  }
0x13e: {  	v8 =	vxor.u32 v12, v8;
	vm7 =	vlt.s32 v24, v9;
	v12 =	vand.u32 $0x7FFFFFC0, v28  }
0x13f: {  	v17 =	vshra.s32 v60, $0x1F;
	v3 =	vsel vm4, v19, v3;
	v8 =	vor.u32 $0x15, v8  }
0x140: {  	v25 =	vsel vm7, v24, v9;
	v9 =	vsel vm7, v9, v24;
	v10 =	vxor.u32 v10, v12  }
0x141: {  	v12 =	vand.u32 $0xFFFFFFC0, v30;
	vm8 =	vlt.s32 v8, v4;
	vm9 =	vgt.s32 v25, v3  }
0x142: {  	v10 =	vor.u32 $0x14, v10;
	v12 =	vxor.u32 v12, v14;
	v14 =	vand.u32 $0x7FFFFFC0, v57  }
0x143: {  	v19 =	vld [tilespmem:s15+$0xC080];
	v26 =	vsel vm8, v8, v4;
	v3 =	vsel vm9, v25, v3;
	v4 =	vsel vm8, v4, v8  }
0x144: {  	v37 =	vor.u32 $0x13, v12;
	v12 =	vand.u32 $0xFFFFFFC0, v38;
	vm10 =	vlt.s32 v26, v6  }
0x145: {  	vm13 =	vlt.s32 v10, v4;
	v27 =	vsel vm10, v26, v6;
	v6 =	vsel vm10, v6, v26  }
0x146: {  	v32 =	vsel vm13, v10, v4;
	v4 =	vsel vm13, v4, v10;
	v10 =	vand.u32 $0xFFFFFFC0, v45  }
0x147: {  	vm11 =	vlt.s32 v27, v5;
	vm15 =	vlt.s32 v32, v6;
	vm9 =	vlt.s32 v37, v4  }
0x148: {  	v24 =	vshra.s32 v19, $0x1F;
	v29 =	vsel vm11, v27, v5;
	v5 =	vsel vm11, v5, v27  }
0x149: {  	v34 =	vsel vm15, v32, v6;
	v6 =	vsel vm15, v6, v32;
	v40 =	vsel vm9, v37, v4  }
0x14a: {  	v4 =	vsel vm9, v4, v37;
	vm12 =	vlt.s32 v29, v7;
	vm7 =	vlt.s32 v34, v5  }
0x14b: {  	v26 =	vld [tilespmem:s15+$0xC100];
	vm11 =	vlt.s32 v40, v6;
	v31 =	vsel vm12, v29, v7;
	v7 =	vsel vm12, v7, v29  }
0x14c: {  	v36 =	vsel vm7, v34, v5;
	v5 =	vsel vm7, v5, v34;
	v42 =	vsel vm11, v40, v6  }
0x14d: {  	v6 =	vsel vm11, v6, v40;
	vm14 =	vlt.s32 v31, v9;
	vm8 =	vlt.s32 v36, v7  }
0x14e: {  	vm13 =	vlt.s32 v42, v5;
	v33 =	vsel vm14, v9, v31;
	v9 =	vsel vm14, v31, v9  }
0x14f: {  	v39 =	vsel vm8, v36, v7;
	v7 =	vsel vm8, v7, v36;
	v44 =	vsel vm13, v42, v5  }
0x150: {  	v34 =	vld [tilespmem:s15+$0xC180];
	v5 =	vsel vm13, v5, v42;
	v31 =	vshra.s32 v26, $0x1F;
	vm6 =	vgt.s32 v9, v3  }
0x151: {  	vm10 =	vlt.s32 v39, v33;
	vm14 =	vlt.s32 v44, v7;
	v3 =	vsel vm6, v9, v3  }
0x152: {  	v41 =	vsel vm10, v39, v33;
	v8 =	vsel vm10, v33, v39;
	v9 =	vand.u32 $0x7FFFFFC0, v43  }
0x153: {  	v46 =	vsel vm14, v44, v7;
	v7 =	vsel vm14, v7, v44;
	vm12 =	vgt.s32 v41, v3  }
0x154: {  	v9 =	vxor.u32 v12, v9;
	vm15 =	vlt.s32 v46, v8;
	v12 =	vand.u32 $0x7FFFFFC0, v50  }
0x155: {  	v39 =	vshra.s32 v34, $0x1F;
	v3 =	vsel vm12, v41, v3;
	v9 =	vor.u32 $0x12, v9  }
0x156: {  	v47 =	vsel vm15, v46, v8;
	v8 =	vsel vm15, v8, v46;
	v10 =	vxor.u32 v10, v12  }
0x157: {  	v12 =	vand.u32 $0xFFFFFFC0, v52;
	vm4 =	vlt.s32 v9, v4;
	vm5 =	vgt.s32 v47, v3  }
0x158: {  	v10 =	vor.u32 $0x11, v10;
	v12 =	vxor.u32 v12, v14;
	v14 =	vand.u32 $0x7FFFFFC0, v31  }
0x159: {  	v41 =	vld [tilespmem:s15+$0xC200];
	v48 =	vsel vm4, v9, v4;
	v3 =	vsel vm5, v47, v3;
	v4 =	vsel vm4, v4, v9  }
0x15a: {  	v59 =	vor.u32 $0x10, v12;
	v12 =	vand.u32 $0xFFFFFFC0, v60;
	vm6 =	vlt.s32 v48, v6  }
0x15b: {  	vm9 =	vlt.s32 v10, v4;
	v49 =	vsel vm6, v48, v6;
	v6 =	vsel vm6, v6, v48  }
0x15c: {  	v54 =	vsel vm9, v10, v4;
	v4 =	vsel vm9, v4, v10;
	v10 =	vand.u32 $0xFFFFFFC0, v19  }
0x15d: {  	vm7 =	vlt.s32 v49, v5;
	vm11 =	vlt.s32 v54, v6;
	vm15 =	vlt.s32 v59, v4  }
0x15e: {  	v46 =	vshra.s32 v41, $0x1F;
	v51 =	vsel vm7, v49, v5;
	v5 =	vsel vm7, v5, v49  }
0x15f: {  	v56 =	vsel vm11, v54, v6;
	v6 =	vsel vm11, v6, v54;
	v62 =	vsel vm15, v59, v4  }
0x160: {  	v4 =	vsel vm15, v4, v59;
	vm8 =	vlt.s32 v51, v7;
	vm13 =	vlt.s32 v56, v5  }
0x161: {  	v48 =	vld [tilespmem:s15+$0xC280];
	vm5 =	vlt.s32 v62, v6;
	v53 =	vsel vm8, v51, v7;
	v7 =	vsel vm8, v7, v51  }
0x162: {  	v58 =	vsel vm13, v56, v5;
	v5 =	vsel vm13, v5, v56;
	v16 =	vsel vm5, v62, v6  }
0x163: {  	v6 =	vsel vm5, v6, v62;
	vm10 =	vlt.s32 v53, v8;
	vm14 =	vlt.s32 v58, v7  }
0x164: {  	vm7 =	vlt.s32 v16, v5;
	v55 =	vsel vm10, v8, v53;
	v8 =	vsel vm10, v53, v8  }
0x165: {  	v61 =	vsel vm14, v58, v7;
	v7 =	vsel vm14, v7, v58;
	v18 =	vsel vm7, v16, v5  }
0x166: {  	v56 =	vld [tilespmem:s15+$0xC300];
	v5 =	vsel vm7, v5, v16;
	v53 =	vshra.s32 v48, $0x1F;
	vm12 =	vgt.s32 v8, v3  }
0x167: {  	vm4 =	vlt.s32 v61, v55;
	vm8 =	vlt.s32 v18, v7;
	v3 =	vsel vm12, v8, v3  }
0x168: {  	v63 =	vsel vm4, v61, v55;
	v9 =	vsel vm4, v55, v61;
	v8 =	vand.u32 $0x7FFFFFC0, v17  }
0x169: {  	v20 =	vsel vm8, v18, v7;
	v7 =	vsel vm8, v7, v18;
	vm6 =	vgt.s32 v63, v3  }
0x16a: {  	v8 =	vxor.u32 v12, v8;
	vm9 =	vlt.s32 v20, v9;
	v12 =	vand.u32 $0x7FFFFFC0, v24  }
0x16b: {  	v61 =	vshra.s32 v56, $0x1F;
	v3 =	vsel vm6, v63, v3;
	v8 =	vor.u32 $0xF, v8  }
0x16c: {  	v21 =	vsel vm9, v20, v9;
	v9 =	vsel vm9, v9, v20;
	v10 =	vxor.u32 v10, v12  }
0x16d: {  	v12 =	vand.u32 $0xFFFFFFC0, v26;
	vm10 =	vlt.s32 v8, v4;
	vm11 =	vgt.s32 v21, v3  }
0x16e: {  	v10 =	vor.u32 $0xE, v10;
	v12 =	vxor.u32 v12, v14;
	v14 =	vand.u32 $0x7FFFFFC0, v53  }
0x16f: {  	v63 =	vld [tilespmem:s15+$0xC380];
	v22 =	vsel vm10, v8, v4;
	v3 =	vsel vm11, v21, v3;
	v4 =	vsel vm10, v4, v8  }
0x170: {  	v33 =	vor.u32 $0xD, v12;
	v12 =	vand.u32 $0xFFFFFFC0, v34;
	vm12 =	vlt.s32 v22, v6  }
0x171: {  	vm15 =	vlt.s32 v10, v4;
	v23 =	vsel vm12, v22, v6;
	v6 =	vsel vm12, v6, v22  }
0x172: {  	v28 =	vsel vm15, v10, v4;
	v4 =	vsel vm15, v4, v10;
	v10 =	vand.u32 $0xFFFFFFC0, v41  }
0x173: {  	vm13 =	vlt.s32 v23, v5;
	vm7 =	vlt.s32 v28, v6;
	vm11 =	vlt.s32 v33, v4  }
0x174: {  	v20 =	vshra.s32 v63, $0x1F;
	v25 =	vsel vm13, v23, v5;
	v5 =	vsel vm13, v5, v23  }
0x175: {  	v30 =	vsel vm7, v28, v6;
	v6 =	vsel vm7, v6, v28;
	v36 =	vsel vm11, v33, v4  }
0x176: {  	v4 =	vsel vm11, v4, v33;
	vm14 =	vlt.s32 v25, v7;
	vm9 =	vlt.s32 v30, v5  }
0x177: {  	v22 =	vld [tilespmem:s15+$0xE000];
	vm13 =	vlt.s32 v36, v6;
	v27 =	vsel vm14, v25, v7;
	v7 =	vsel vm14, v7, v25  }
0x178: {  	v32 =	vsel vm9, v30, v5;
	v5 =	vsel vm9, v5, v30;
	v38 =	vsel vm13, v36, v6  }
0x179: {  	v6 =	vsel vm13, v6, v36;
	vm6 =	vlt.s32 v27, v9;
	vm10 =	vlt.s32 v32, v7  }
0x17a: {  	vm15 =	vlt.s32 v38, v5;
	v29 =	vsel vm6, v9, v27;
	v9 =	vsel vm6, v27, v9  }
0x17b: {  	v35 =	vsel vm10, v32, v7;
	v7 =	vsel vm10, v7, v32;
	v40 =	vsel vm15, v38, v5  }
0x17c: {  	v30 =	vld [tilespmem:s15+$0xE080];
	v5 =	vsel vm15, v5, v38;
	v27 =	vshra.s32 v22, $0x1F;
	vm8 =	vgt.s32 v9, v3  }
0x17d: {  	vm12 =	vlt.s32 v35, v29;
	vm4 =	vlt.s32 v40, v7;
	v3 =	vsel vm8, v9, v3  }
0x17e: {  	v37 =	vsel vm12, v35, v29;
	v8 =	vsel vm12, v29, v35;
	v9 =	vand.u32 $0x7FFFFFC0, v39  }
0x17f: {  	v42 =	vsel vm4, v40, v7;
	v7 =	vsel vm4, v7, v40;
	vm14 =	vgt.s32 v37, v3  }
0x180: {  	v9 =	vxor.u32 v12, v9;
	vm5 =	vlt.s32 v42, v8;
	v12 =	vand.u32 $0x7FFFFFC0, v46  }
0x181: {  	v35 =	vshra.s32 v30, $0x1F;
	v3 =	vsel vm14, v37, v3;
	v9 =	vor.u32 $0xC, v9  }
0x182: {  	v43 =	vsel vm5, v42, v8;
	v8 =	vsel vm5, v8, v42;
	v10 =	vxor.u32 v10, v12  }
0x183: {  	v12 =	vand.u32 $0xFFFFFFC0, v48;
	vm6 =	vlt.s32 v9, v4;
	vm7 =	vgt.s32 v43, v3  }
0x184: {  	v10 =	vor.u32 $0xB, v10;
	v12 =	vxor.u32 v12, v14;
	v14 =	vand.u32 $0x7FFFFFC0, v27  }
0x185: {  	v37 =	vld [tilespmem:s15+$0xE100];
	v27 =	vor.u32 s14, v2;
	v44 =	vsel vm6, v9, v4;
	v3 =	vsel vm7, v43, v3  }
0x186: {  	v4 =	vsel vm6, v4, v9;
	v55 =	vor.u32 $0xA, v12;
	vm8 =	vlt.s32 v44, v6  }
0x187: {  	v12 =	vand.u32 $0xFFFFFFC0, v56;
	vm11 =	vlt.s32 v10, v4;
	v45 =	vsel vm8, v44, v6  }
0x188: {  	v6 =	vsel vm8, v6, v44;
	v50 =	vsel vm11, v10, v4;
	v4 =	vsel vm11, v4, v10  }
0x189: {  	v10 =	vand.u32 $0xFFFFFFC0, v63;
	vm9 =	vlt.s32 v45, v5;
	vm13 =	vlt.s32 v50, v6  }
0x18a: {  	vm6 =	vlt.s32 v55, v4;
	v42 =	vshra.s32 v37, $0x1F;
	v47 =	vsel vm9, v45, v5  }
0x18b: {  	v5 =	vsel vm9, v5, v45;
	v52 =	vsel vm13, v50, v6;
	v6 =	vsel vm13, v6, v50  }
0x18c: {  	v58 =	vsel vm6, v55, v4;
	v4 =	vsel vm6, v4, v55;
	vm10 =	vlt.s32 v47, v7  }
0x18d: {  	v44 =	vld [tilespmem:s15+$0xE180];
	vm15 =	vlt.s32 v52, v5;
	vm8 =	vlt.s32 v58, v6;
	v49 =	vsel vm10, v47, v7  }
0x18e: {  	v7 =	vsel vm10, v7, v47;
	v54 =	vsel vm15, v52, v5;
	v5 =	vsel vm15, v5, v52  }
0x18f: {  	v60 =	vsel vm8, v58, v6;
	v6 =	vsel vm8, v6, v58;
	vm12 =	vlt.s32 v49, v8  }
0x190: {  	vm5 =	vlt.s32 v54, v7;
	vm10 =	vlt.s32 v60, v5;
	v51 =	vsel vm12, v8, v49  }
0x191: {  	v15 =	vld [tilespmem:s15+$0xE280];
	v8 =	vsel vm12, v49, v8;
	v57 =	vsel vm5, v54, v7;
	v7 =	vsel vm5, v7, v54  }
0x192: {  	v52 =	vld [tilespmem:s15+$0xE200];
	v62 =	vsel vm10, v60, v5;
	v5 =	vsel vm10, v5, v60;
	v49 =	vshra.s32 v44, $0x1F  }
0x193: {  	vm14 =	vgt.s32 v8, v3;
	vm7 =	vlt.s32 v57, v51;
	vm11 =	vlt.s32 v62, v7  }
0x194: {  	v3 =	vsel vm14, v8, v3;
	v59 =	vsel vm7, v57, v51;
	v9 =	vsel vm7, v51, v57  }
0x195: {  	v8 =	vand.u32 $0x7FFFFFC0, v61;
	v16 =	vsel vm11, v62, v7;
	v7 =	vsel vm11, v7, v62  }
0x196: {  	v62 =	vshra.s32 v15, $0x1F;
	vm9 =	vgt.s32 v59, v3;
	v8 =	vxor.u32 v12, v8  }
0x197: {  	vm12 =	vlt.s32 v16, v9;
	v12 =	vand.u32 $0x7FFFFFC0, v20;
	v57 =	vshra.s32 v52, $0x1F  }
0x198: {  	v3 =	vsel vm9, v59, v3;
	v8 =	vor.u32 $0x9, v8;
	v17 =	vsel vm12, v16, v9  }
0x199: {  	v9 =	vsel vm12, v9, v16;
	v10 =	vxor.u32 v10, v12;
	v12 =	vand.u32 $0xFFFFFFC0, v22  }
0x19a: {  	v16 =	vand.u32 $0xFFFFFFC0, v15;
	v15 =	vand.u32 $0x7F, v27;
	vm13 =	vlt.s32 v8, v4  }
0x19b: {  	vm14 =	vgt.s32 v17, v3;
	v10 =	vor.u32 $0x8, v10;
	v12 =	vxor.u32 v12, v14  }
0x19c: {  	v14 =	vand.u32 $0x7FFFFFC0, v49;
	v18 =	vsel vm13, v8, v4;
	v3 =	vsel vm14, v17, v3  }
0x19d: {  	v4 =	vsel vm13, v4, v8;
	v29 =	vor.u32 $0x7, v12;
	vm15 =	vlt.s32 v18, v6  }
0x19e: {  	v12 =	vand.u32 $0xFFFFFFC0, v30;
	vm6 =	vlt.s32 v10, v4;
	v19 =	vsel vm15, v18, v6  }
0x19f: {  	v6 =	vsel vm15, v6, v18;
	v24 =	vsel vm6, v10, v4;
	v4 =	vsel vm6, v4, v10  }
0x1a0: {  	v10 =	vand.u32 $0xFFFFFFC0, v37;
	vm4 =	vlt.s32 v19, v5;
	vm8 =	vlt.s32 v24, v6  }
0x1a1: {  	vm12 =	vlt.s32 v29, v4;
	v21 =	vsel vm4, v19, v5;
	v5 =	vsel vm4, v5, v19  }
0x1a2: {  	v26 =	vsel vm8, v24, v6;
	v6 =	vsel vm8, v6, v24;
	v32 =	vsel vm12, v29, v4  }
0x1a3: {  	v4 =	vsel vm12, v4, v29;
	vm5 =	vlt.s32 v21, v7;
	vm10 =	vlt.s32 v26, v5  }
0x1a4: {  	vm14 =	vlt.s32 v32, v6;
	v23 =	vsel vm5, v21, v7;
	v7 =	vsel vm5, v7, v21  }
0x1a5: {  	v28 =	vsel vm10, v26, v5;
	v5 =	vsel vm10, v5, v26;
	v34 =	vsel vm14, v32, v6  }
0x1a6: {  	v6 =	vsel vm14, v6, v32;
	vm7 =	vlt.s32 v23, v9;
	vm11 =	vlt.s32 v28, v7  }
0x1a7: {  	vm4 =	vlt.s32 v34, v5;
	v25 =	vsel vm7, v9, v23;
	v9 =	vsel vm7, v23, v9  }
0x1a8: {  	v31 =	vsel vm11, v28, v7;
	v7 =	vsel vm11, v7, v28;
	v36 =	vsel vm4, v34, v5  }
0x1a9: {  	v5 =	vsel vm4, v5, v34;
	v28 =	vmov s14;
	vm9 =	vgt.s32 v9, v3  }
0x1aa: {  	vm13 =	vlt.s32 v31, v25;
	vm5 =	vlt.s32 v36, v7;
	v3 =	vsel vm9, v9, v3  }
0x1ab: {  	v33 =	vsel vm13, v31, v25;
	v8 =	vsel vm13, v25, v31;
	v9 =	vand.u32 $0x7FFFFFC0, v35  }
0x1ac: {  	v38 =	vsel vm5, v36, v7;
	v7 =	vsel vm5, v7, v36;
	vm15 =	vgt.s32 v33, v3  }
0x1ad: {  	v9 =	vxor.u32 v12, v9;
	vm6 =	vlt.s32 v38, v8;
	v12 =	vand.u32 $0x7FFFFFC0, v42  }
0x1ae: {  	v3 =	vsel vm15, v33, v3;
	v9 =	vor.u32 $0x6, v9;
	v39 =	vsel vm6, v38, v8  }
0x1af: {  	v8 =	vsel vm6, v8, v38;
	v10 =	vxor.u32 v10, v12;
	v12 =	vand.u32 $0xFFFFFFC0, v44  }
0x1b0: {  	vm7 =	vlt.s32 v9, v4;
	vm8 =	vgt.s32 v39, v3;
	v10 =	vor.u32 $0x5, v10  }
0x1b1: {  	v12 =	vxor.u32 v12, v14;
	v40 =	vsel vm7, v9, v4;
	v3 =	vsel vm8, v39, v3  }
0x1b2: {  	v4 =	vsel vm7, v4, v9;
	v51 =	vor.u32 $0x4, v12;
	vm9 =	vlt.s32 v40, v6  }
0x1b3: {  	v12 =	vand.u32 $0xFFFFFFC0, v52;
	vm12 =	vlt.s32 v10, v4;
	v41 =	vsel vm9, v40, v6  }
0x1b4: {  	v6 =	vsel vm9, v6, v40;
	v46 =	vsel vm12, v10, v4;
	v4 =	vsel vm12, v4, v10  }
0x1b5: {  	v10 =	vand.u32 $0x7FFFFFC0, v62;
	vm10 =	vlt.s32 v41, v5;
	vm14 =	vlt.s32 v46, v6  }
0x1b6: {  	vm8 =	vlt.s32 v51, v4;
	v10 =	vxor.u32 v16, v10;
	v43 =	vsel vm10, v41, v5  }
0x1b7: {  	v5 =	vsel vm10, v5, v41;
	v48 =	vsel vm14, v46, v6;
	v6 =	vsel vm14, v6, v46  }
0x1b8: {  	v54 =	vsel vm8, v51, v4;
	v4 =	vsel vm8, v4, v51;
	v10 =	vor.u32 $0x2, v10  }
0x1b9: {  	vm11 =	vlt.s32 v43, v7;
	vm6 =	vlt.s32 v48, v5;
	vm10 =	vlt.s32 v54, v6  }
0x1ba: {  	v45 =	vsel vm11, v43, v7;
	v7 =	vsel vm11, v7, v43;
	v50 =	vsel vm6, v48, v5  }
0x1bb: {  	v5 =	vsel vm6, v5, v48;
	v56 =	vsel vm10, v54, v6;
	v6 =	vsel vm10, v6, v54  }
0x1bc: {  	vm13 =	vlt.s32 v45, v8;
	vm7 =	vlt.s32 v50, v7;
	vm12 =	vlt.s32 v56, v5  }
0x1bd: {  	v47 =	vsel vm13, v8, v45;
	v8 =	vsel vm13, v45, v8;
	v53 =	vsel vm7, v50, v7  }
0x1be: {  	v7 =	vsel vm7, v7, v50;
	v58 =	vsel vm12, v56, v5;
	v5 =	vsel vm12, v5, v56  }
0x1bf: {  	vm15 =	vgt.s32 v8, v3;
	vm9 =	vlt.s32 v53, v47;
	vm13 =	vlt.s32 v58, v7  }
0x1c0: {  	v3 =	vsel vm15, v8, v3;
	v55 =	vsel vm9, v53, v47;
	v8 =	vand.u32 $0x7FFFFFC0, v57  }
0x1c1: {  	v9 =	vsel vm9, v47, v53;
	v59 =	vsel vm13, v58, v7;
	v8 =	vxor.u32 v12, v8  }
0x1c2: {  	v7 =	vsel vm13, v7, v58;
	vm11 =	vgt.s32 v55, v3;
	v8 =	vor.u32 $0x3, v8  }
0x1c3: {  	vm14 =	vlt.s32 v59, v9;
	v3 =	vsel vm11, v55, v3;
	vm15 =	vlt.s32 v8, v4  }
0x1c4: {  	v60 =	vsel vm14, v9, v59;
	v9 =	vsel vm14, v59, v9;
	v61 =	vsel vm15, v8, v4  }
0x1c5: {  	vm7 =	vgt.s32 v9, v3;
	v4 =	vsel vm15, v4, v8;
	vm6 =	vlt.s32 v61, v6  }
0x1c6: {  	v3 =	vsel vm7, v9, v3;
	vm2 =	vlt.s32 v10, v4;
	v63 =	vsel vm6, v61, v6  }
0x1c7: {  	v6 =	vsel vm6, v6, v61;
	v19 =	vsel vm2, v10, v4;
	v4 =	vsel vm2, v4, v10  }
0x1c8: {  	vm8 =	vlt.s32 v63, v5;
	vm11 =	vlt.s32 v19, v6;
	v10 =	vxor.u32 $0xFFFFFFFF, v4  }
0x1c9: {  	v17 =	vsel vm8, v63, v5;
	v5 =	vsel vm8, v5, v63;
	v21 =	vsel vm11, v19, v6  }
0x1ca: {  	v6 =	vsel vm11, v6, v19;
	v16 =	vshll.u32 v10, $0xA;
	v10 =	vshll.u32 v10, $0x7  }
0x1cb: {  	vm9 =	vlt.s32 v17, v7;
	vm13 =	vlt.s32 v21, v5;
	v23 =	vxor.u32 $0xFFFFFFFF, v6  }
0x1cc: {  	v16 =	vand.u32 $0xE000, v16;
	v10 =	vand.u32 $0x380, v10;
	v18 =	vsel vm9, v17, v7  }
0x1cd: {  	v7 =	vsel vm9, v7, v17;
	v22 =	vsel vm13, v21, v5;
	v5 =	vsel vm13, v5, v21  }
0x1ce: {  	v10 =	vor.u32 v16, v10;
	v29 =	vshll.u32 v23, $0xA;
	v11 =	vshll.u32 v23, $0x7  }
0x1cf: {  	vm10 =	vlt.s32 v18, v60;
	vm14 =	vlt.s32 v22, v7;
	v13 =	vxor.u32 $0xFFFFFFFF, v5  }
0x1d0: {  	v16 =	vand.u32 $0xE000, v29;
	v11 =	vand.u32 $0x380, v11;
	v20 =	vsel vm10, v18, v60  }
0x1d1: {  	v9 =	vsel vm10, v60, v18;
	v24 =	vsel vm14, v22, v7;
	v7 =	vsel vm14, v7, v22  }
0x1d2: {  	v11 =	vor.u32 v16, v11;
	v30 =	vshll.u32 v13, $0xA;
	v13 =	vshll.u32 v13, $0x7  }
0x1d3: {  	vm12 =	vgt.s32 v20, v3;
	vm15 =	vlt.s32 v24, v9;
	v8 =	vxor.u32 $0xFFFFFFFF, v7  }
0x1d4: {  	v16 =	vand.u32 $0xE000, v30;
	v13 =	vand.u32 $0x380, v13;
	v3 =	vsel vm12, v20, v3  }
0x1d5: {  	v25 =	vsel vm15, v9, v24;
	v9 =	vsel vm15, v24, v9;
	v13 =	vor.u32 v16, v13  }
0x1d6: {  	v31 =	vshll.u32 v8, $0xA;
	v8 =	vshll.u32 v8, $0x7;
	vm0 =	vgt.s32 v9, v3  }
0x1d7: {  	v26 =	vxor.u32 $0xFFFFFFFF, v25;
	v3 =	vsel vm0, v9, v3;
	v9 =	vshll.u32 v28, $0x3  }
0x1d8: {  	v16 =	vand.u32 $0xE000, v31;
	v8 =	vand.u32 $0x380, v8;
	v9 =	vand.u32 $0x1C00, v9  }
0x1d9: {  	v8 =	vor.u32 v16, v8;
	v32 =	vshll.u32 v26, $0xA;
	v10 =	vor.u32 v9, v10  }
0x1da: {  	v12 =	vshll.u32 v26, $0x7;
	v17 =	vxor.u32 $0xFFFFFFFF, v3;
	v10 =	vor.u32 v15, v10  }
0x1db: {  	v16 =	vand.u32 $0xE000, v32;
	v12 =	vand.u32 $0x380, v12;
	v11 =	vor.u32 v9, v11  }
0x1dc: {  	v13 =	vor.u32 v9, v13;
	v8 =	vor.u32 v9, v8;
	v18 =	vshll.u32 v17, $0xA  }
0x1dd: {  	v17 =	vshll.u32 v17, $0x7;
	v12 =	vor.u32 v16, v12;
	v11 =	vor.u32 v15, v11  }
0x1de: {  	v34 =	vld [tilespmem:s15+$0xE300];
	v13 =	vor.u32 v15, v13;
	v33 =	vand.u32 $0xE000, v18;
	v17 =	vand.u32 $0x380, v17  }
0x1df: {  	v8 =	vor.u32 v15, v8;
	v12 =	vor.u32 v9, v12;
	v16 =	vor.u32 v33, v17;
	v10 =	vld.idx.msk [tilespmem:v10+s2+$0x0], $0xffff  }
0x1e0: {  	v35 =	vld [tilespmem:s15+$0xE380];
	v12 =	vor.u32 v15, v12;
	v9 =	vor.u32 v9, v16  }
0x1e1: {  	v9 =	vor.u32 v15, v9  }
0x1e2: {  	v11 =	vld.idx.msk [tilespmem:v11+s2+$0x0], $0xffff  }
0x1e3: {  	v13 =	vld.idx.msk [tilespmem:v13+s2+$0x0], $0xffff  }
0x1e4: {  	v8 =	vld.idx.msk [tilespmem:v8+s2+$0x0], $0xffff;
	v36 =	vmax.f32 v10, v34  }
0x1e5: {  	v12 =	vld.idx.msk [tilespmem:v12+s2+$0x0], $0xffff;
	v15 =	vmax.f32 v36, v35  }
0x1e6: {  	v9 =	vld.idx.msk [tilespmem:v9+s2+$0x0], $0xffff;
	v10 =	vsub.f32 v10, v15  }
0x1e7: {  	v11 =	vsub.f32 v11, v15  }
0x1e8: {  	v13 =	vsub.f32 v13, v15;
	v10 =	vmul.f32 $1.442695020e+00, v10  }
0x1e9: {  	v8 =	vsub.f32 v8, v15;
	v11 =	vmul.f32 $1.442695020e+00, v11  }
0x1ea: {  	v12 =	vsub.f32 v12, v15;
	v37 =	vmul.f32 $1.442695020e+00, v13;
	(erf) = vpow2.f32 v10  }
0x1eb: {  	v9 =	vsub.f32 v9, v15;
	v8 =	vmul.f32 $1.442695020e+00, v8;
	(erf) = vpow2.f32 v11  }
0x1ec: {  	v39 =	vsub.f32 v34, v15;
	v38 =	vmul.f32 $1.442695020e+00, v12;
	(erf) = vpow2.f32 v37  }
0x1ed: {  	v41 =	vsub.f32 v35, v15;
	v40 =	vmul.f32 $1.442695020e+00, v9;
	(erf) = vpow2.f32 v8  }
0x1ee: {  	v42 =	vmul.f32 $1.442695020e+00, v39;
	(erf) = vpow2.f32 v38  }
0x1ef: {  	v43 =	vmul.f32 $1.442695020e+00, v41;
	(erf) = vpow2.f32 v40  }
0x1f0: {  	(erf) = vpow2.f32 v42  }
0x1f1: {  	(erf) = vpow2.f32 v43;
	_ =	sdelay $0x1  }
0x1f2: {  	v44 =	vpop (erf)  }
0x1f3: {  	v45 =	vpop (erf)  }
0x1f4: {  	v46 =	vpop (erf)  }
0x1f5: {  	v47 =	vpop (erf)  }
0x1f6: {  	v48 =	vpop (erf)  }
0x1f7: {  	v49 =	vpop (erf)  }
0x1f8: {  	v50 =	vpop (erf)  }
0x1f9: {  	v52 =	vadd.f32 v45, v44;
	v53 =	vadd.f32 v47, v46;
	v51 =	vpop (erf)  }
0x1fa: {  	v19 =	vadd.f32 v49, v48;
	v20 =	vadd.f32 v51, v50;
	_ =	sdelay $0x1  }
0x1fb: {  	v17 =	vadd.f32 v53, v52;
	v54 =	vadd.f32 v20, v19;
	_ =	sdelay $0x1  }
0x1fc: {  	v17 =	vadd.f32 v54, v17;
	_ =	sdelay $0x1  }
0x1fd: {  	(erf) = vrcp.f32 v17;
	_ =	sdelay $0x3  }
0x1fe: {  	v4 =	vandn.u32 $0x3F, v4  }
0x1ff: {  	v55 =	vandn.u32 $0x3F, v6;
	[tilespmem:s15+$0x10000] =	vst v4  }
0x200: {  	v57 =	vandn.u32 $0x3F, v5;
	[tilespmem:s15+$0x10080] =	vst v55  }
0x201: {  	v59 =	vandn.u32 $0x3F, v7;
	[tilespmem:s15+$0x10100] =	vst v57  }
0x202: {  	v61 =	vandn.u32 $0x3F, v25;
	[tilespmem:s15+$0x10180] =	vst v59  }
0x203: {  	v3 =	vandn.u32 $0x3F, v3;
	[tilespmem:s15+$0x10200] =	vst v61;
	v17 =	vpop (erf)  }
0x204: {  	[tilespmem:s15+$0x10280] =	vst v3;
	v8 =	vmul.f32 v17, v44  }
0x205: {  	[tilespmem:s15+$0x10300] =	vst v1;
	v56 =	vmul.f32 v17, v45  }
0x206: {  	v58 =	vmul.f32 v17, v46;
	[tilespmem:s15+$0x12000] =	vst v8  }
0x207: {  	v60 =	vmul.f32 v17, v47;
	[tilespmem:s15+$0x12080] =	vst v56  }
0x208: {  	v62 =	vmul.f32 v17, v48;
	[tilespmem:s15+$0x12100] =	vst v58  }
0x209: {  	p0 =	sne.s32 s14, $0x3F0;
	v63 =	vmul.f32 v17, v49;
	[tilespmem:s15+$0x12180] =	vst v60  }
.Ltmp0:
0x20a: {  	v3 =	vmul.f32 v17, v50;
	[tilespmem:s15+$0x12200] =	vst v62;
	(pc) =	sbr.rel @p0 .LBB2_2-.Ltmp0, $4  }
0x20b: {  	[tilespmem:s15+$0x12280] =	vst v63  }
0x20c: {  	[tilespmem:s15+$0x12300] =	vst v3;
	v3 =	vmul.f32 v17, v51  }
0x20d: {  	[tilespmem:s16+$0x10000] =	vst v0  }
0x20e: {  	s13 =	sadd.s32 $0x80, s13;
	s14 =	sadd.s32 $0x10, s14;
	[tilespmem:s16+$0x12000] =	vst v3  }
0x20f: {  	[hbm4b:s4+s2] =	stream.linear.scatter [tilespmem:s10], [sflag:$0x1], $0x2000, $0x38;
	[tilespmem:$0x14000] =	vst v63  }
0x210: {  	s12 =	sadd.s32 $0x1, s12;
	_ =	swait.ge [sflag:s9], $0x2000  }
0x211: {  	p0 =	sne.s32 s12, s6;
	[sflag:s9] =	ssyncset.done $0x0  }
.Ltmp1:
0x212: {  	[sflag:s9] =	ssyncadd.s32 $0xFFFFE000;
	(pc) =	sbr.rel @p0 .LBB2_1-.Ltmp1, $4  }
0x213: {  	[hbm4b:s5+s2] =	stream.linear.scatter [tilespmem:s11], [sflag:$0x1], $0x2000, $0x38;
	[tilespmem:$0x14000] =	vst v63  }
0x214: {  	_ =	swait.ge [sflag:s9], $0x2000  }
0x215: {  	[sflag:s9] =	ssyncset.done $0x0  }
0x216: {  	[sflag:s9] =	ssyncadd.s32 $0xFFFFE000  }
0x217: {  	_ =	sfence.sel $0x180000  }
0x218: {  	[bflag:$0x0] =	sbarrier.arrive $0xFFFF  }
0x219: {  	p0 =	sne.s32 s1, $0x0;
	_ =	strace $0x90000047  }
0x21a: {  	s0 =	sadd.s32 @!p0 $0x100000, s0;
	[bflag:$0x2] =	sbarrier.arrive $0xFFFF  }
0x21b: {  	[sflag:s0] =	ssyncadd.tile.s32 @!p0 $0x1;
	_ =	shalt  }
.Lfunc_end2:
_tile_overlayer_lowered:
.L_overlay_start_2:
0x21c: {  	(tag) =	ssettag $0x2  }
0x21d: {  	s0 =	rddreg [dreg:$0x0];
	s2 =	stileid.u32  }
0x21e: {  	s1 =	rddreg [dreg:$0x1];
	p0 =	sne.s32 s2, $0x0  }
0x21f: {  	s3 =	rddreg [dreg:$0x2];
	[bflag:$0x3] =	sbarrier.arrive $0xFFFF;
	s2 =	simm.s32 @!p0 $0x1C01  }
0x220: {  	[timem:s3], [sflag:s2] =	dma.local @!p0 [hbm:s0], s1  }
0x221: {  	s0 =	simm.s32 @!p0 $0x1  }
0x222: {  	_ =	swait.ge @!p0 [sflag:s0], s1  }
0x223: {  	s1 =	ssub.s32 @!p0 $0x0, s1;
	[sflag:s0] =	ssyncset.done @!p0 $0x0  }
0x224: {  	[sflag:s0] =	ssyncadd.s32 @!p0 s1  }
0x225: {  	[bflag:$0x3] =	sbarrier.arrive $0xFFFF  }
0x226: {  	_ =	shalt  }

</sc_bundles>
